<compile_context>
chip_gen: v7x
topology: tpu7x:2x2x1
jax: 0.10.2.dev20260603
libtpu: 0.0.44.dev20260713+nightly
codegen_flags: <defaults>
</compile_context>

<pallas_src>
import functools
import jax
import jax.numpy as jnp
from jax import lax
from jax.experimental import pallas as pl
from jax.experimental.pallas import tpu as pltpu
from jax.experimental.pallas import tpu_sc as plsc

_N, _U, _I, _E = 1024, 26, 26, 64
_NW = 32
_BPW = _N // _NW
_ROWS = _U * _I


def _sc_body(xu_hbm, xi_hbm, out_hbm, xu_v, xi_v, buf, sem, st_):
    nc = 2
    wid = lax.axis_index("s") * nc + lax.axis_index("c")
    b0 = wid * _BPW

    def batch_body(t, _):
        b = b0 + t
        t8 = lax.rem(t, 4)

        @pl.when(t == 0)
        def _stage_first():
            cu = pltpu.async_copy(xu_hbm.at[pl.ds(b, 4)], xu_v, st_)
            ci = pltpu.async_copy(xi_hbm.at[pl.ds(b, 4)], xi_v, st_)
            cu.wait()
            ci.wait()

        @pl.when((t8 == 0) & (t > 0))
        def _drain_prefetch():
            pltpu.make_async_copy(xu_hbm.at[pl.ds(b0, 4)], xu_v, st_).wait()
            pltpu.make_async_copy(xi_hbm.at[pl.ds(b0, 4)], xi_v, st_).wait()
        for half in range(2):
            jbase = 13 * half
            items = [
                xi_v[t8, jbase + jj, pl.ds(16 * k, 16)]
                for jj in range(13)
                for k in range(4)
            ]

            def ibody(i, _, jbase=jbase, items=items, t8=t8):
                base = 26 * i + jbase
                u = [xu_v[t8, i, pl.ds(16 * k, 16)] for k in range(4)]
                for jj in range(13):
                    for k in range(4):
                        buf[base + jj, pl.ds(16 * k, 16)] = u[k]
                    for k in range(4):
                        buf[base + jj, pl.ds(64 + 16 * k, 16)] = items[4 * jj + k]
                return None

            lax.fori_loop(0, _U, ibody, None)

        copy = pltpu.async_copy(buf, out_hbm.at[b], sem)

        @pl.when((t8 == 3) & (t < _BPW - 1))
        def _prefetch():
            pltpu.async_copy(xu_hbm.at[pl.ds(b + 1, 4)], xu_v, st_)
            pltpu.async_copy(xi_hbm.at[pl.ds(b + 1, 4)], xi_v, st_)

        copy.wait()
        return None

    lax.fori_loop(0, _BPW, batch_body, None)


@jax.jit
def kernel(x_user, x_item):
    n, u, e = x_user.shape
    i = x_item.shape[1]
    mesh = plsc.VectorSubcoreMesh(core_axis_name="c", subcore_axis_name="s")
    f = functools.partial(
        pl.kernel,
        mesh=mesh,
        out_type=jax.ShapeDtypeStruct((n, u * i, 2 * e), jnp.float32),
        scratch_types=[
            pltpu.VMEM((4, u, e), jnp.float32),
            pltpu.VMEM((4, i, e), jnp.float32),
            pltpu.VMEM((u * i, 2 * e), jnp.float32),
            pltpu.SemaphoreType.DMA,
            pltpu.SemaphoreType.DMA,
        ],
    )(_sc_body)
    return f(x_user, x_item)

# --- scband reference (transcript-rebuilt; emitter-appended) ---
"""Pipeline reference for scband-uicross-layer-18468359372835 (READ-ONLY COPY).

The authoritative reference and input builder live on the scoring server;
editing this copy changes nothing except your own understanding.
"""

import jax, jax.numpy as jnp
import numpy as np


def setup_inputs(seed: int = 0) -> dict:
    key = jax.random.key(seed)
    k1, k2 = jax.random.split(key)
    x_user = jax.random.normal(k1, (1024, 26, 64), dtype=jnp.float32)
    x_item = jax.random.normal(k2, (1024, 26, 64), dtype=jnp.float32)
    return {"x_user": x_user, "x_item": x_item}


def reference(x_user, x_item):
    user_fnum = x_user.shape[1]
    item_fnum = x_item.shape[1]
    # row = [0,0,...,0,1,1,...]; col = [0,1,...,item_fnum-1,0,1,...]
    row = jnp.repeat(jnp.arange(user_fnum), item_fnum)
    col = jnp.tile(jnp.arange(item_fnum), user_fnum)
    # gather along feature-field axis, then concat on embedding dim
    xu = jnp.take(x_user, row, axis=1)
    xi = jnp.take(x_item, col, axis=1)
    x_cross = jnp.concatenate((xu, xi), axis=2)
    return x_cross

if __name__ == "__main__":
    import jax
    _d = setup_inputs()
    print(jax.jit(kernel)(*tuple(_d.values())))

</pallas_src>

<mosaic_0001>
#map = affine_map<(d0, d1) -> (0, 0, 0)>
module attributes {stable_mosaic.version = 14 : i64} {
  func.func @_sc_body(%arg0: i32, %arg1: i32, %arg2: memref<1024x26x64xf32, #tpu.memory_space<hbm>>, %arg3: memref<1024x26x64xf32, #tpu.memory_space<hbm>>, %arg4: memref<1024x676x128xf32, #tpu.memory_space<hbm>>, %arg5: memref<4x26x64xf32, #tpu.memory_space<vmem>>, %arg6: memref<4x26x64xf32, #tpu.memory_space<vmem>>, %arg7: memref<676x128xf32, #tpu.memory_space<vmem>>, %arg8: memref<!tpu.dma_semaphore, #tpu.memory_space<semaphore_mem>>, %arg9: memref<!tpu.dma_semaphore, #tpu.memory_space<semaphore_mem>>) attributes {dimension_semantics = [#tpu.dimension_semantics<core_parallel>, #tpu.dimension_semantics<subcore_parallel>], iteration_bounds = array<i64: 2, 16>, scalar_prefetch = 0 : i64, scratch_operands = 5 : i64, tpu.core_type = #tpu.core_type<sc_vector_subcore>, window_params = [{transform_indices = #map}, {transform_indices = #map}, {transform_indices = #map}]} {
    %mul3A = arith.constant 2 : i32
    %mul3A_0 = arith.muli %arg1, %mul3A : i32
    %add3A = arith.addi %mul3A_0, %arg0 : i32
    %mul3A_1 = arith.constant 32 : i32
    %mul3A_2 = arith.muli %add3A, %mul3A_1 : i32
    %scan3A = arith.constant 0 : i32
    %scan3A_3 = arith.constant 32 : i32
    %scan3A_4 = arith.addi %scan3A, %scan3A_3 : i32
    %scan3A_5 = arith.constant 1 : i32
    scf.for %scan3A_7 = %scan3A to %scan3A_4 step %scan3A_5  : i32 {
      %add3A_8 = arith.addi %mul3A_2, %scan3A_7 : i32
      %rem3A = arith.constant 4 : i32
      %rem3A_9 = arith.remsi %scan3A_7, %rem3A : i32
      %eq3A = arith.constant 0 : i32
      %eq3A_10 = arith.cmpi eq, %scan3A_7, %eq3A : i32
      %convert_element_type3A = arith.extui %eq3A_10 : i1 to i32
      %cond3A = arith.constant 0 : i32
      %cond3A_11 = arith.cmpi ne, %convert_element_type3A, %cond3A : i32
      scf.if %cond3A_11 {
        %dma_start3A_672 = arith.constant 0 : i32
        %dma_start3A_673 = arith.constant 0 : i32
        %dma_start3A_674 = tpu.memref_slice %arg2[%add3A_8, %dma_start3A_672, %dma_start3A_673] : memref<1024x26x64xf32, #tpu.memory_space<hbm>> -> memref<4x26x64xf32, #tpu.memory_space<hbm>>
        %dma_start3A_675 = arith.constant 0 : i32
        %dma_start3A_676 = arith.constant 0 : i32
        %dma_start3A_677 = tpu.memref_slice %arg2[%add3A_8, %dma_start3A_675, %dma_start3A_676] : memref<1024x26x64xf32, #tpu.memory_space<hbm>> -> memref<4x26x64xf32, #tpu.memory_space<hbm>>
        tpu.enqueue_dma source(%dma_start3A_677 : memref<4x26x64xf32, #tpu.memory_space<hbm>>) target(%arg5 : memref<4x26x64xf32, #tpu.memory_space<vmem>>) target_semaphore(%arg9 : memref<!tpu.dma_semaphore, #tpu.memory_space<semaphore_mem>>)
        %dma_start3A_678 = arith.constant 0 : i32
        %dma_start3A_679 = arith.constant 0 : i32
        %dma_start3A_680 = tpu.memref_slice %arg3[%add3A_8, %dma_start3A_678, %dma_start3A_679] : memref<1024x26x64xf32, #tpu.memory_space<hbm>> -> memref<4x26x64xf32, #tpu.memory_space<hbm>>
        %dma_start3A_681 = arith.constant 0 : i32
        %dma_start3A_682 = arith.constant 0 : i32
        %dma_start3A_683 = tpu.memref_slice %arg3[%add3A_8, %dma_start3A_681, %dma_start3A_682] : memref<1024x26x64xf32, #tpu.memory_space<hbm>> -> memref<4x26x64xf32, #tpu.memory_space<hbm>>
        tpu.enqueue_dma source(%dma_start3A_683 : memref<4x26x64xf32, #tpu.memory_space<hbm>>) target(%arg6 : memref<4x26x64xf32, #tpu.memory_space<vmem>>) target_semaphore(%arg9 : memref<!tpu.dma_semaphore, #tpu.memory_space<semaphore_mem>>)
        %dma_wait3A_684 = arith.constant 0 : i32
        %dma_wait3A_685 = arith.constant 0 : i32
        %dma_wait3A_686 = tpu.memref_slice %arg2[%add3A_8, %dma_wait3A_684, %dma_wait3A_685] : memref<1024x26x64xf32, #tpu.memory_space<hbm>> -> memref<4x26x64xf32, #tpu.memory_space<hbm>>
        %dma_wait3A_687 = arith.constant 0 : i32
        %dma_wait3A_688 = arith.constant 0 : i32
        %dma_wait3A_689 = tpu.memref_slice %arg2[%add3A_8, %dma_wait3A_687, %dma_wait3A_688] : memref<1024x26x64xf32, #tpu.memory_space<hbm>> -> memref<4x26x64xf32, #tpu.memory_space<hbm>>
        tpu.wait_dma2 semaphore(%arg9 : memref<!tpu.dma_semaphore, #tpu.memory_space<semaphore_mem>>) src(%dma_wait3A_689 : memref<4x26x64xf32, #tpu.memory_space<hbm>>) dst(%arg5 : memref<4x26x64xf32, #tpu.memory_space<vmem>>)
        %dma_wait3A_690 = arith.constant 0 : i32
        %dma_wait3A_691 = arith.constant 0 : i32
        %dma_wait3A_692 = tpu.memref_slice %arg3[%add3A_8, %dma_wait3A_690, %dma_wait3A_691] : memref<1024x26x64xf32, #tpu.memory_space<hbm>> -> memref<4x26x64xf32, #tpu.memory_space<hbm>>
        %dma_wait3A_693 = arith.constant 0 : i32
        %dma_wait3A_694 = arith.constant 0 : i32
        %dma_wait3A_695 = tpu.memref_slice %arg3[%add3A_8, %dma_wait3A_693, %dma_wait3A_694] : memref<1024x26x64xf32, #tpu.memory_space<hbm>> -> memref<4x26x64xf32, #tpu.memory_space<hbm>>
        tpu.wait_dma2 semaphore(%arg9 : memref<!tpu.dma_semaphore, #tpu.memory_space<semaphore_mem>>) src(%dma_wait3A_695 : memref<4x26x64xf32, #tpu.memory_space<hbm>>) dst(%arg6 : memref<4x26x64xf32, #tpu.memory_space<vmem>>)
      } else {
      }
      %eq3A_12 = arith.constant 0 : i32
      %eq3A_13 = arith.cmpi eq, %rem3A_9, %eq3A_12 : i32
      %gt3A = arith.constant 0 : i32
      %gt3A_14 = arith.cmpi sgt, %scan3A_7, %gt3A : i32
      %and3A = arith.andi %eq3A_13, %gt3A_14 : i1
      %convert_element_type3A_15 = arith.extui %and3A : i1 to i32
      %cond3A_16 = arith.constant 0 : i32
      %cond3A_17 = arith.cmpi ne, %convert_element_type3A_15, %cond3A_16 : i32
      scf.if %cond3A_17 {
        %dma_wait3A_672 = arith.constant 0 : i32
        %dma_wait3A_673 = arith.constant 0 : i32
        %dma_wait3A_674 = tpu.memref_slice %arg2[%mul3A_2, %dma_wait3A_672, %dma_wait3A_673] : memref<1024x26x64xf32, #tpu.memory_space<hbm>> -> memref<4x26x64xf32, #tpu.memory_space<hbm>>
        %dma_wait3A_675 = arith.constant 0 : i32
        %dma_wait3A_676 = arith.constant 0 : i32
        %dma_wait3A_677 = tpu.memref_slice %arg2[%mul3A_2, %dma_wait3A_675, %dma_wait3A_676] : memref<1024x26x64xf32, #tpu.memory_space<hbm>> -> memref<4x26x64xf32, #tpu.memory_space<hbm>>
        tpu.wait_dma2 semaphore(%arg9 : memref<!tpu.dma_semaphore, #tpu.memory_space<semaphore_mem>>) src(%dma_wait3A_677 : memref<4x26x64xf32, #tpu.memory_space<hbm>>) dst(%arg5 : memref<4x26x64xf32, #tpu.memory_space<vmem>>)
        %dma_wait3A_678 = arith.constant 0 : i32
        %dma_wait3A_679 = arith.constant 0 : i32
        %dma_wait3A_680 = tpu.memref_slice %arg3[%mul3A_2, %dma_wait3A_678, %dma_wait3A_679] : memref<1024x26x64xf32, #tpu.memory_space<hbm>> -> memref<4x26x64xf32, #tpu.memory_space<hbm>>
        %dma_wait3A_681 = arith.constant 0 : i32
        %dma_wait3A_682 = arith.constant 0 : i32
        %dma_wait3A_683 = tpu.memref_slice %arg3[%mul3A_2, %dma_wait3A_681, %dma_wait3A_682] : memref<1024x26x64xf32, #tpu.memory_space<hbm>> -> memref<4x26x64xf32, #tpu.memory_space<hbm>>
        tpu.wait_dma2 semaphore(%arg9 : memref<!tpu.dma_semaphore, #tpu.memory_space<semaphore_mem>>) src(%dma_wait3A_683 : memref<4x26x64xf32, #tpu.memory_space<hbm>>) dst(%arg6 : memref<4x26x64xf32, #tpu.memory_space<vmem>>)
      } else {
      }
      %get3A = arith.constant 0 : i32
      %get3A_18 = arith.index_cast %rem3A_9 : i32 to index
      %get3A_19 = arith.index_cast %get3A : i32 to index
      %get3A_20 = arith.constant 0 : index
      %get3A_21 = tpu.vector_load %arg6[%get3A_18, %get3A_19, %get3A_20] {strides = array<i32>} : memref<4x26x64xf32, #tpu.memory_space<vmem>>, vector<1x1x16xf32>,
      %get3A_22 = vector.shape_cast %get3A_21 : vector<1x1x16xf32> to vector<16xf32>
      %get3A_23 = arith.constant 0 : i32
      %get3A_24 = arith.index_cast %rem3A_9 : i32 to index
      %get3A_25 = arith.index_cast %get3A_23 : i32 to index
      %get3A_26 = arith.constant 16 : index
      %get3A_27 = tpu.vector_load %arg6[%get3A_24, %get3A_25, %get3A_26] {strides = array<i32>} : memref<4x26x64xf32, #tpu.memory_space<vmem>>, vector<1x1x16xf32>,
      %get3A_28 = vector.shape_cast %get3A_27 : vector<1x1x16xf32> to vector<16xf32>
      %get3A_29 = arith.constant 0 : i32
      %get3A_30 = arith.index_cast %rem3A_9 : i32 to index
      %get3A_31 = arith.index_cast %get3A_29 : i32 to index
      %get3A_32 = arith.constant 32 : index
      %get3A_33 = tpu.vector_load %arg6[%get3A_30, %get3A_31, %get3A_32] {strides = array<i32>} : memref<4x26x64xf32, #tpu.memory_space<vmem>>, vector<1x1x16xf32>,
      %get3A_34 = vector.shape_cast %get3A_33 : vector<1x1x16xf32> to vector<16xf32>
      %get3A_35 = arith.constant 0 : i32
      %get3A_36 = arith.index_cast %rem3A_9 : i32 to index
      %get3A_37 = arith.index_cast %get3A_35 : i32 to index
      %get3A_38 = arith.constant 48 : index
      %get3A_39 = tpu.vector_load %arg6[%get3A_36, %get3A_37, %get3A_38] {strides = array<i32>} : memref<4x26x64xf32, #tpu.memory_space<vmem>>, vector<1x1x16xf32>,
      %get3A_40 = vector.shape_cast %get3A_39 : vector<1x1x16xf32> to vector<16xf32>
      %get3A_41 = arith.constant 1 : i32
      %get3A_42 = arith.index_cast %rem3A_9 : i32 to index
      %get3A_43 = arith.index_cast %get3A_41 : i32 to index
      %get3A_44 = arith.constant 0 : index
      %get3A_45 = tpu.vector_load %arg6[%get3A_42, %get3A_43, %get3A_44] {strides = array<i32>} : memref<4x26x64xf32, #tpu.memory_space<vmem>>, vector<1x1x16xf32>,
      %get3A_46 = vector.shape_cast %get3A_45 : vector<1x1x16xf32> to vector<16xf32>
      %get3A_47 = arith.constant 1 : i32
      %get3A_48 = arith.index_cast %rem3A_9 : i32 to index
      %get3A_49 = arith.index_cast %get3A_47 : i32 to index
      %get3A_50 = arith.constant 16 : index
      %get3A_51 = tpu.vector_load %arg6[%get3A_48, %get3A_49, %get3A_50] {strides = array<i32>} : memref<4x26x64xf32, #tpu.memory_space<vmem>>, vector<1x1x16xf32>,
      %get3A_52 = vector.shape_cast %get3A_51 : vector<1x1x16xf32> to vector<16xf32>
      %get3A_53 = arith.constant 1 : i32
      %get3A_54 = arith.index_cast %rem3A_9 : i32 to index
      %get3A_55 = arith.index_cast %get3A_53 : i32 to index
      %get3A_56 = arith.constant 32 : index
      %get3A_57 = tpu.vector_load %arg6[%get3A_54, %get3A_55, %get3A_56] {strides = array<i32>} : memref<4x26x64xf32, #tpu.memory_space<vmem>>, vector<1x1x16xf32>,
      %get3A_58 = vector.shape_cast %get3A_57 : vector<1x1x16xf32> to vector<16xf32>
      %get3A_59 = arith.constant 1 : i32
      %get3A_60 = arith.index_cast %rem3A_9 : i32 to index
      %get3A_61 = arith.index_cast %get3A_59 : i32 to index
      %get3A_62 = arith.constant 48 : index
      %get3A_63 = tpu.vector_load %arg6[%get3A_60, %get3A_61, %get3A_62] {strides = array<i32>} : memref<4x26x64xf32, #tpu.memory_space<vmem>>, vector<1x1x16xf32>,
      %get3A_64 = vector.shape_cast %get3A_63 : vector<1x1x16xf32> to vector<16xf32>
      %get3A_65 = arith.constant 2 : i32
      %get3A_66 = arith.index_cast %rem3A_9 : i32 to index
      %get3A_67 = arith.index_cast %get3A_65 : i32 to index
      %get3A_68 = arith.constant 0 : index
      %get3A_69 = tpu.vector_load %arg6[%get3A_66, %get3A_67, %get3A_68] {strides = array<i32>} : memref<4x26x64xf32, #tpu.memory_space<vmem>>, vector<1x1x16xf32>,
      %get3A_70 = vector.shape_cast %get3A_69 : vector<1x1x16xf32> to vector<16xf32>
      %get3A_71 = arith.constant 2 : i32
      %get3A_72 = arith.index_cast %rem3A_9 : i32 to index
      %get3A_73 = arith.index_cast %get3A_71 : i32 to index
      %get3A_74 = arith.constant 16 : index
      %get3A_75 = tpu.vector_load %arg6[%get3A_72, %get3A_73, %get3A_74] {strides = array<i32>} : memref<4x26x64xf32, #tpu.memory_space<vmem>>, vector<1x1x16xf32>,
      %get3A_76 = vector.shape_cast %get3A_75 : vector<1x1x16xf32> to vector<16xf32>
      %get3A_77 = arith.constant 2 : i32
      %get3A_78 = arith.index_cast %rem3A_9 : i32 to index
      %get3A_79 = arith.index_cast %get3A_77 : i32 to index
      %get3A_80 = arith.constant 32 : index
      %get3A_81 = tpu.vector_load %arg6[%get3A_78, %get3A_79, %get3A_80] {strides = array<i32>} : memref<4x26x64xf32, #tpu.memory_space<vmem>>, vector<1x1x16xf32>,
      %get3A_82 = vector.shape_cast %get3A_81 : vector<1x1x16xf32> to vector<16xf32>
      %get3A_83 = arith.constant 2 : i32
      %get3A_84 = arith.index_cast %rem3A_9 : i32 to index
      %get3A_85 = arith.index_cast %get3A_83 : i32 to index
      %get3A_86 = arith.constant 48 : index
      %get3A_87 = tpu.vector_load %arg6[%get3A_84, %get3A_85, %get3A_86] {strides = array<i32>} : memref<4x26x64xf32, #tpu.memory_space<vmem>>, vector<1x1x16xf32>,
      %get3A_88 = vector.shape_cast %get3A_87 : vector<1x1x16xf32> to vector<16xf32>
      %get3A_89 = arith.constant 3 : i32
      %get3A_90 = arith.index_cast %rem3A_9 : i32 to index
      %get3A_91 = arith.index_cast %get3A_89 : i32 to index
      %get3A_92 = arith.constant 0 : index
      %get3A_93 = tpu.vector_load %arg6[%get3A_90, %get3A_91, %get3A_92] {strides = array<i32>} : memref<4x26x64xf32, #tpu.memory_space<vmem>>, vector<1x1x16xf32>,
      %get3A_94 = vector.shape_cast %get3A_93 : vector<1x1x16xf32> to vector<16xf32>
      %get3A_95 = arith.constant 3 : i32
      %get3A_96 = arith.index_cast %rem3A_9 : i32 to index
      %get3A_97 = arith.index_cast %get3A_95 : i32 to index
      %get3A_98 = arith.constant 16 : index
      %get3A_99 = tpu.vector_load %arg6[%get3A_96, %get3A_97, %get3A_98] {strides = array<i32>} : memref<4x26x64xf32, #tpu.memory_space<vmem>>, vector<1x1x16xf32>,
      %get3A_100 = vector.shape_cast %get3A_99 : vector<1x1x16xf32> to vector<16xf32>
      %get3A_101 = arith.constant 3 : i32
      %get3A_102 = arith.index_cast %rem3A_9 : i32 to index
      %get3A_103 = arith.index_cast %get3A_101 : i32 to index
      %get3A_104 = arith.constant 32 : index
      %get3A_105 = tpu.vector_load %arg6[%get3A_102, %get3A_103, %get3A_104] {strides = array<i32>} : memref<4x26x64xf32, #tpu.memory_space<vmem>>, vector<1x1x16xf32>,
      %get3A_106 = vector.shape_cast %get3A_105 : vector<1x1x16xf32> to vector<16xf32>
      %get3A_107 = arith.constant 3 : i32
      %get3A_108 = arith.index_cast %rem3A_9 : i32 to index
      %get3A_109 = arith.index_cast %get3A_107 : i32 to index
      %get3A_110 = arith.constant 48 : index
      %get3A_111 = tpu.vector_load %arg6[%get3A_108, %get3A_109, %get3A_110] {strides = array<i32>} : memref<4x26x64xf32, #tpu.memory_space<vmem>>, vector<1x1x16xf32>,
      %get3A_112 = vector.shape_cast %get3A_111 : vector<1x1x16xf32> to vector<16xf32>
      %get3A_113 = arith.constant 4 : i32
      %get3A_114 = arith.index_cast %rem3A_9 : i32 to index
      %get3A_115 = arith.index_cast %get3A_113 : i32 to index
      %get3A_116 = arith.constant 0 : index
      %get3A_117 = tpu.vector_load %arg6[%get3A_114, %get3A_115, %get3A_116] {strides = array<i32>} : memref<4x26x64xf32, #tpu.memory_space<vmem>>, vector<1x1x16xf32>,
      %get3A_118 = vector.shape_cast %get3A_117 : vector<1x1x16xf32> to vector<16xf32>
      %get3A_119 = arith.constant 4 : i32
      %get3A_120 = arith.index_cast %rem3A_9 : i32 to index
      %get3A_121 = arith.index_cast %get3A_119 : i32 to index
      %get3A_122 = arith.constant 16 : index
      %get3A_123 = tpu.vector_load %arg6[%get3A_120, %get3A_121, %get3A_122] {strides = array<i32>} : memref<4x26x64xf32, #tpu.memory_space<vmem>>, vector<1x1x16xf32>,
      %get3A_124 = vector.shape_cast %get3A_123 : vector<1x1x16xf32> to vector<16xf32>
      %get3A_125 = arith.constant 4 : i32
      %get3A_126 = arith.index_cast %rem3A_9 : i32 to index
      %get3A_127 = arith.index_cast %get3A_125 : i32 to index
      %get3A_128 = arith.constant 32 : index
      %get3A_129 = tpu.vector_load %arg6[%get3A_126, %get3A_127, %get3A_128] {strides = array<i32>} : memref<4x26x64xf32, #tpu.memory_space<vmem>>, vector<1x1x16xf32>,
      %get3A_130 = vector.shape_cast %get3A_129 : vector<1x1x16xf32> to vector<16xf32>
      %get3A_131 = arith.constant 4 : i32
      %get3A_132 = arith.index_cast %rem3A_9 : i32 to index
      %get3A_133 = arith.index_cast %get3A_131 : i32 to index
      %get3A_134 = arith.constant 48 : index
      %get3A_135 = tpu.vector_load %arg6[%get3A_132, %get3A_133, %get3A_134] {strides = array<i32>} : memref<4x26x64xf32, #tpu.memory_space<vmem>>, vector<1x1x16xf32>,
      %get3A_136 = vector.shape_cast %get3A_135 : vector<1x1x16xf32> to vector<16xf32>
      %get3A_137 = arith.constant 5 : i32
      %get3A_138 = arith.index_cast %rem3A_9 : i32 to index
      %get3A_139 = arith.index_cast %get3A_137 : i32 to index
      %get3A_140 = arith.constant 0 : index
      %get3A_141 = tpu.vector_load %arg6[%get3A_138, %get3A_139, %get3A_140] {strides = array<i32>} : memref<4x26x64xf32, #tpu.memory_space<vmem>>, vector<1x1x16xf32>,
      %get3A_142 = vector.shape_cast %get3A_141 : vector<1x1x16xf32> to vector<16xf32>
      %get3A_143 = arith.constant 5 : i32
      %get3A_144 = arith.index_cast %rem3A_9 : i32 to index
      %get3A_145 = arith.index_cast %get3A_143 : i32 to index
      %get3A_146 = arith.constant 16 : index
      %get3A_147 = tpu.vector_load %arg6[%get3A_144, %get3A_145, %get3A_146] {strides = array<i32>} : memref<4x26x64xf32, #tpu.memory_space<vmem>>, vector<1x1x16xf32>,
      %get3A_148 = vector.shape_cast %get3A_147 : vector<1x1x16xf32> to vector<16xf32>
      %get3A_149 = arith.constant 5 : i32
      %get3A_150 = arith.index_cast %rem3A_9 : i32 to index
      %get3A_151 = arith.index_cast %get3A_149 : i32 to index
      %get3A_152 = arith.constant 32 : index
      %get3A_153 = tpu.vector_load %arg6[%get3A_150, %get3A_151, %get3A_152] {strides = array<i32>} : memref<4x26x64xf32, #tpu.memory_space<vmem>>, vector<1x1x16xf32>,
      %get3A_154 = vector.shape_cast %get3A_153 : vector<1x1x16xf32> to vector<16xf32>
      %get3A_155 = arith.constant 5 : i32
      %get3A_156 = arith.index_cast %rem3A_9 : i32 to index
      %get3A_157 = arith.index_cast %get3A_155 : i32 to index
      %get3A_158 = arith.constant 48 : index
      %get3A_159 = tpu.vector_load %arg6[%get3A_156, %get3A_157, %get3A_158] {strides = array<i32>} : memref<4x26x64xf32, #tpu.memory_space<vmem>>, vector<1x1x16xf32>,
      %get3A_160 = vector.shape_cast %get3A_159 : vector<1x1x16xf32> to vector<16xf32>
      %get3A_161 = arith.constant 6 : i32
      %get3A_162 = arith.index_cast %rem3A_9 : i32 to index
      %get3A_163 = arith.index_cast %get3A_161 : i32 to index
      %get3A_164 = arith.constant 0 : index
      %get3A_165 = tpu.vector_load %arg6[%get3A_162, %get3A_163, %get3A_164] {strides = array<i32>} : memref<4x26x64xf32, #tpu.memory_space<vmem>>, vector<1x1x16xf32>,
      %get3A_166 = vector.shape_cast %get3A_165 : vector<1x1x16xf32> to vector<16xf32>
      %get3A_167 = arith.constant 6 : i32
      %get3A_168 = arith.index_cast %rem3A_9 : i32 to index
      %get3A_169 = arith.index_cast %get3A_167 : i32 to index
      %get3A_170 = arith.constant 16 : index
      %get3A_171 = tpu.vector_load %arg6[%get3A_168, %get3A_169, %get3A_170] {strides = array<i32>} : memref<4x26x64xf32, #tpu.memory_space<vmem>>, vector<1x1x16xf32>,
      %get3A_172 = vector.shape_cast %get3A_171 : vector<1x1x16xf32> to vector<16xf32>
      %get3A_173 = arith.constant 6 : i32
      %get3A_174 = arith.index_cast %rem3A_9 : i32 to index
      %get3A_175 = arith.index_cast %get3A_173 : i32 to index
      %get3A_176 = arith.constant 32 : index
      %get3A_177 = tpu.vector_load %arg6[%get3A_174, %get3A_175, %get3A_176] {strides = array<i32>} : memref<4x26x64xf32, #tpu.memory_space<vmem>>, vector<1x1x16xf32>,
      %get3A_178 = vector.shape_cast %get3A_177 : vector<1x1x16xf32> to vector<16xf32>
      %get3A_179 = arith.constant 6 : i32
      %get3A_180 = arith.index_cast %rem3A_9 : i32 to index
      %get3A_181 = arith.index_cast %get3A_179 : i32 to index
      %get3A_182 = arith.constant 48 : index
      %get3A_183 = tpu.vector_load %arg6[%get3A_180, %get3A_181, %get3A_182] {strides = array<i32>} : memref<4x26x64xf32, #tpu.memory_space<vmem>>, vector<1x1x16xf32>,
      %get3A_184 = vector.shape_cast %get3A_183 : vector<1x1x16xf32> to vector<16xf32>
      %get3A_185 = arith.constant 7 : i32
      %get3A_186 = arith.index_cast %rem3A_9 : i32 to index
      %get3A_187 = arith.index_cast %get3A_185 : i32 to index
      %get3A_188 = arith.constant 0 : index
      %get3A_189 = tpu.vector_load %arg6[%get3A_186, %get3A_187, %get3A_188] {strides = array<i32>} : memref<4x26x64xf32, #tpu.memory_space<vmem>>, vector<1x1x16xf32>,
      %get3A_190 = vector.shape_cast %get3A_189 : vector<1x1x16xf32> to vector<16xf32>
      %get3A_191 = arith.constant 7 : i32
      %get3A_192 = arith.index_cast %rem3A_9 : i32 to index
      %get3A_193 = arith.index_cast %get3A_191 : i32 to index
      %get3A_194 = arith.constant 16 : index
      %get3A_195 = tpu.vector_load %arg6[%get3A_192, %get3A_193, %get3A_194] {strides = array<i32>} : memref<4x26x64xf32, #tpu.memory_space<vmem>>, vector<1x1x16xf32>,
      %get3A_196 = vector.shape_cast %get3A_195 : vector<1x1x16xf32> to vector<16xf32>
      %get3A_197 = arith.constant 7 : i32
      %get3A_198 = arith.index_cast %rem3A_9 : i32 to index
      %get3A_199 = arith.index_cast %get3A_197 : i32 to index
      %get3A_200 = arith.constant 32 : index
      %get3A_201 = tpu.vector_load %arg6[%get3A_198, %get3A_199, %get3A_200] {strides = array<i32>} : memref<4x26x64xf32, #tpu.memory_space<vmem>>, vector<1x1x16xf32>,
      %get3A_202 = vector.shape_cast %get3A_201 : vector<1x1x16xf32> to vector<16xf32>
      %get3A_203 = arith.constant 7 : i32
      %get3A_204 = arith.index_cast %rem3A_9 : i32 to index
      %get3A_205 = arith.index_cast %get3A_203 : i32 to index
      %get3A_206 = arith.constant 48 : index
      %get3A_207 = tpu.vector_load %arg6[%get3A_204, %get3A_205, %get3A_206] {strides = array<i32>} : memref<4x26x64xf32, #tpu.memory_space<vmem>>, vector<1x1x16xf32>,
      %get3A_208 = vector.shape_cast %get3A_207 : vector<1x1x16xf32> to vector<16xf32>
      %get3A_209 = arith.constant 8 : i32
      %get3A_210 = arith.index_cast %rem3A_9 : i32 to index
      %get3A_211 = arith.index_cast %get3A_209 : i32 to index
      %get3A_212 = arith.constant 0 : index
      %get3A_213 = tpu.vector_load %arg6[%get3A_210, %get3A_211, %get3A_212] {strides = array<i32>} : memref<4x26x64xf32, #tpu.memory_space<vmem>>, vector<1x1x16xf32>,
      %get3A_214 = vector.shape_cast %get3A_213 : vector<1x1x16xf32> to vector<16xf32>
      %get3A_215 = arith.constant 8 : i32
      %get3A_216 = arith.index_cast %rem3A_9 : i32 to index
      %get3A_217 = arith.index_cast %get3A_215 : i32 to index
      %get3A_218 = arith.constant 16 : index
      %get3A_219 = tpu.vector_load %arg6[%get3A_216, %get3A_217, %get3A_218] {strides = array<i32>} : memref<4x26x64xf32, #tpu.memory_space<vmem>>, vector<1x1x16xf32>,
      %get3A_220 = vector.shape_cast %get3A_219 : vector<1x1x16xf32> to vector<16xf32>
      %get3A_221 = arith.constant 8 : i32
      %get3A_222 = arith.index_cast %rem3A_9 : i32 to index
      %get3A_223 = arith.index_cast %get3A_221 : i32 to index
      %get3A_224 = arith.constant 32 : index
      %get3A_225 = tpu.vector_load %arg6[%get3A_222, %get3A_223, %get3A_224] {strides = array<i32>} : memref<4x26x64xf32, #tpu.memory_space<vmem>>, vector<1x1x16xf32>,
      %get3A_226 = vector.shape_cast %get3A_225 : vector<1x1x16xf32> to vector<16xf32>
      %get3A_227 = arith.constant 8 : i32
      %get3A_228 = arith.index_cast %rem3A_9 : i32 to index
      %get3A_229 = arith.index_cast %get3A_227 : i32 to index
      %get3A_230 = arith.constant 48 : index
      %get3A_231 = tpu.vector_load %arg6[%get3A_228, %get3A_229, %get3A_230] {strides = array<i32>} : memref<4x26x64xf32, #tpu.memory_space<vmem>>, vector<1x1x16xf32>,
      %get3A_232 = vector.shape_cast %get3A_231 : vector<1x1x16xf32> to vector<16xf32>
      %get3A_233 = arith.constant 9 : i32
      %get3A_234 = arith.index_cast %rem3A_9 : i32 to index
      %get3A_235 = arith.index_cast %get3A_233 : i32 to index
      %get3A_236 = arith.constant 0 : index
      %get3A_237 = tpu.vector_load %arg6[%get3A_234, %get3A_235, %get3A_236] {strides = array<i32>} : memref<4x26x64xf32, #tpu.memory_space<vmem>>, vector<1x1x16xf32>,
      %get3A_238 = vector.shape_cast %get3A_237 : vector<1x1x16xf32> to vector<16xf32>
      %get3A_239 = arith.constant 9 : i32
      %get3A_240 = arith.index_cast %rem3A_9 : i32 to index
      %get3A_241 = arith.index_cast %get3A_239 : i32 to index
      %get3A_242 = arith.constant 16 : index
      %get3A_243 = tpu.vector_load %arg6[%get3A_240, %get3A_241, %get3A_242] {strides = array<i32>} : memref<4x26x64xf32, #tpu.memory_space<vmem>>, vector<1x1x16xf32>,
      %get3A_244 = vector.shape_cast %get3A_243 : vector<1x1x16xf32> to vector<16xf32>
      %get3A_245 = arith.constant 9 : i32
      %get3A_246 = arith.index_cast %rem3A_9 : i32 to index
      %get3A_247 = arith.index_cast %get3A_245 : i32 to index
      %get3A_248 = arith.constant 32 : index
      %get3A_249 = tpu.vector_load %arg6[%get3A_246, %get3A_247, %get3A_248] {strides = array<i32>} : memref<4x26x64xf32, #tpu.memory_space<vmem>>, vector<1x1x16xf32>,
      %get3A_250 = vector.shape_cast %get3A_249 : vector<1x1x16xf32> to vector<16xf32>
      %get3A_251 = arith.constant 9 : i32
      %get3A_252 = arith.index_cast %rem3A_9 : i32 to index
      %get3A_253 = arith.index_cast %get3A_251 : i32 to index
      %get3A_254 = arith.constant 48 : index
      %get3A_255 = tpu.vector_load %arg6[%get3A_252, %get3A_253, %get3A_254] {strides = array<i32>} : memref<4x26x64xf32, #tpu.memory_space<vmem>>, vector<1x1x16xf32>,
      %get3A_256 = vector.shape_cast %get3A_255 : vector<1x1x16xf32> to vector<16xf32>
      %get3A_257 = arith.constant 10 : i32
      %get3A_258 = arith.index_cast %rem3A_9 : i32 to index
      %get3A_259 = arith.index_cast %get3A_257 : i32 to index
      %get3A_260 = arith.constant 0 : index
      %get3A_261 = tpu.vector_load %arg6[%get3A_258, %get3A_259, %get3A_260] {strides = array<i32>} : memref<4x26x64xf32, #tpu.memory_space<vmem>>, vector<1x1x16xf32>,
      %get3A_262 = vector.shape_cast %get3A_261 : vector<1x1x16xf32> to vector<16xf32>
      %get3A_263 = arith.constant 10 : i32
      %get3A_264 = arith.index_cast %rem3A_9 : i32 to index
      %get3A_265 = arith.index_cast %get3A_263 : i32 to index
      %get3A_266 = arith.constant 16 : index
      %get3A_267 = tpu.vector_load %arg6[%get3A_264, %get3A_265, %get3A_266] {strides = array<i32>} : memref<4x26x64xf32, #tpu.memory_space<vmem>>, vector<1x1x16xf32>,
      %get3A_268 = vector.shape_cast %get3A_267 : vector<1x1x16xf32> to vector<16xf32>
      %get3A_269 = arith.constant 10 : i32
      %get3A_270 = arith.index_cast %rem3A_9 : i32 to index
      %get3A_271 = arith.index_cast %get3A_269 : i32 to index
      %get3A_272 = arith.constant 32 : index
      %get3A_273 = tpu.vector_load %arg6[%get3A_270, %get3A_271, %get3A_272] {strides = array<i32>} : memref<4x26x64xf32, #tpu.memory_space<vmem>>, vector<1x1x16xf32>,
      %get3A_274 = vector.shape_cast %get3A_273 : vector<1x1x16xf32> to vector<16xf32>
      %get3A_275 = arith.constant 10 : i32
      %get3A_276 = arith.index_cast %rem3A_9 : i32 to index
      %get3A_277 = arith.index_cast %get3A_275 : i32 to index
      %get3A_278 = arith.constant 48 : index
      %get3A_279 = tpu.vector_load %arg6[%get3A_276, %get3A_277, %get3A_278] {strides = array<i32>} : memref<4x26x64xf32, #tpu.memory_space<vmem>>, vector<1x1x16xf32>,
      %get3A_280 = vector.shape_cast %get3A_279 : vector<1x1x16xf32> to vector<16xf32>
      %get3A_281 = arith.constant 11 : i32
      %get3A_282 = arith.index_cast %rem3A_9 : i32 to index
      %get3A_283 = arith.index_cast %get3A_281 : i32 to index
      %get3A_284 = arith.constant 0 : index
      %get3A_285 = tpu.vector_load %arg6[%get3A_282, %get3A_283, %get3A_284] {strides = array<i32>} : memref<4x26x64xf32, #tpu.memory_space<vmem>>, vector<1x1x16xf32>,
      %get3A_286 = vector.shape_cast %get3A_285 : vector<1x1x16xf32> to vector<16xf32>
      %get3A_287 = arith.constant 11 : i32
      %get3A_288 = arith.index_cast %rem3A_9 : i32 to index
      %get3A_289 = arith.index_cast %get3A_287 : i32 to index
      %get3A_290 = arith.constant 16 : index
      %get3A_291 = tpu.vector_load %arg6[%get3A_288, %get3A_289, %get3A_290] {strides = array<i32>} : memref<4x26x64xf32, #tpu.memory_space<vmem>>, vector<1x1x16xf32>,
      %get3A_292 = vector.shape_cast %get3A_291 : vector<1x1x16xf32> to vector<16xf32>
      %get3A_293 = arith.constant 11 : i32
      %get3A_294 = arith.index_cast %rem3A_9 : i32 to index
      %get3A_295 = arith.index_cast %get3A_293 : i32 to index
      %get3A_296 = arith.constant 32 : index
      %get3A_297 = tpu.vector_load %arg6[%get3A_294, %get3A_295, %get3A_296] {strides = array<i32>} : memref<4x26x64xf32, #tpu.memory_space<vmem>>, vector<1x1x16xf32>,
      %get3A_298 = vector.shape_cast %get3A_297 : vector<1x1x16xf32> to vector<16xf32>
      %get3A_299 = arith.constant 11 : i32
      %get3A_300 = arith.index_cast %rem3A_9 : i32 to index
      %get3A_301 = arith.index_cast %get3A_299 : i32 to index
      %get3A_302 = arith.constant 48 : index
      %get3A_303 = tpu.vector_load %arg6[%get3A_300, %get3A_301, %get3A_302] {strides = array<i32>} : memref<4x26x64xf32, #tpu.memory_space<vmem>>, vector<1x1x16xf32>,
      %get3A_304 = vector.shape_cast %get3A_303 : vector<1x1x16xf32> to vector<16xf32>
      %get3A_305 = arith.constant 12 : i32
      %get3A_306 = arith.index_cast %rem3A_9 : i32 to index
      %get3A_307 = arith.index_cast %get3A_305 : i32 to index
      %get3A_308 = arith.constant 0 : index
      %get3A_309 = tpu.vector_load %arg6[%get3A_306, %get3A_307, %get3A_308] {strides = array<i32>} : memref<4x26x64xf32, #tpu.memory_space<vmem>>, vector<1x1x16xf32>,
      %get3A_310 = vector.shape_cast %get3A_309 : vector<1x1x16xf32> to vector<16xf32>
      %get3A_311 = arith.constant 12 : i32
      %get3A_312 = arith.index_cast %rem3A_9 : i32 to index
      %get3A_313 = arith.index_cast %get3A_311 : i32 to index
      %get3A_314 = arith.constant 16 : index
      %get3A_315 = tpu.vector_load %arg6[%get3A_312, %get3A_313, %get3A_314] {strides = array<i32>} : memref<4x26x64xf32, #tpu.memory_space<vmem>>, vector<1x1x16xf32>,
      %get3A_316 = vector.shape_cast %get3A_315 : vector<1x1x16xf32> to vector<16xf32>
      %get3A_317 = arith.constant 12 : i32
      %get3A_318 = arith.index_cast %rem3A_9 : i32 to index
      %get3A_319 = arith.index_cast %get3A_317 : i32 to index
      %get3A_320 = arith.constant 32 : index
      %get3A_321 = tpu.vector_load %arg6[%get3A_318, %get3A_319, %get3A_320] {strides = array<i32>} : memref<4x26x64xf32, #tpu.memory_space<vmem>>, vector<1x1x16xf32>,
      %get3A_322 = vector.shape_cast %get3A_321 : vector<1x1x16xf32> to vector<16xf32>
      %get3A_323 = arith.constant 12 : i32
      %get3A_324 = arith.index_cast %rem3A_9 : i32 to index
      %get3A_325 = arith.index_cast %get3A_323 : i32 to index
      %get3A_326 = arith.constant 48 : index
      %get3A_327 = tpu.vector_load %arg6[%get3A_324, %get3A_325, %get3A_326] {strides = array<i32>} : memref<4x26x64xf32, #tpu.memory_space<vmem>>, vector<1x1x16xf32>,
      %get3A_328 = vector.shape_cast %get3A_327 : vector<1x1x16xf32> to vector<16xf32>
      %scan3A_329 = arith.constant 0 : i32
      %scan3A_330 = arith.constant 26 : i32
      %scan3A_331 = arith.addi %scan3A_329, %scan3A_330 : i32
      %scan3A_332 = arith.constant 1 : i32
      scf.for %scan3A_672 = %scan3A_329 to %scan3A_331 step %scan3A_332  : i32 {
        %mul3A_673 = arith.constant 26 : i32
        %mul3A_674 = arith.muli %mul3A_673, %scan3A_672 : i32
        %add3A_675 = arith.constant 0 : i32
        %add3A_676 = arith.addi %mul3A_674, %add3A_675 : i32
        %get3A_677 = arith.index_cast %rem3A_9 : i32 to index
        %get3A_678 = arith.index_cast %scan3A_672 : i32 to index
        %get3A_679 = arith.constant 0 : index
        %get3A_680 = tpu.vector_load %arg5[%get3A_677, %get3A_678, %get3A_679] {strides = array<i32>} : memref<4x26x64xf32, #tpu.memory_space<vmem>>, vector<1x1x16xf32>,
        %get3A_681 = vector.shape_cast %get3A_680 : vector<1x1x16xf32> to vector<16xf32>
        %get3A_682 = arith.index_cast %rem3A_9 : i32 to index
        %get3A_683 = arith.index_cast %scan3A_672 : i32 to index
        %get3A_684 = arith.constant 16 : index
        %get3A_685 = tpu.vector_load %arg5[%get3A_682, %get3A_683, %get3A_684] {strides = array<i32>} : memref<4x26x64xf32, #tpu.memory_space<vmem>>, vector<1x1x16xf32>,
        %get3A_686 = vector.shape_cast %get3A_685 : vector<1x1x16xf32> to vector<16xf32>
        %get3A_687 = arith.index_cast %rem3A_9 : i32 to index
        %get3A_688 = arith.index_cast %scan3A_672 : i32 to index
        %get3A_689 = arith.constant 32 : index
        %get3A_690 = tpu.vector_load %arg5[%get3A_687, %get3A_688, %get3A_689] {strides = array<i32>} : memref<4x26x64xf32, #tpu.memory_space<vmem>>, vector<1x1x16xf32>,
        %get3A_691 = vector.shape_cast %get3A_690 : vector<1x1x16xf32> to vector<16xf32>
        %get3A_692 = arith.index_cast %rem3A_9 : i32 to index
        %get3A_693 = arith.index_cast %scan3A_672 : i32 to index
        %get3A_694 = arith.constant 48 : index
        %get3A_695 = tpu.vector_load %arg5[%get3A_692, %get3A_693, %get3A_694] {strides = array<i32>} : memref<4x26x64xf32, #tpu.memory_space<vmem>>, vector<1x1x16xf32>,
        %get3A_696 = vector.shape_cast %get3A_695 : vector<1x1x16xf32> to vector<16xf32>
        %add3A_697 = arith.constant 0 : i32
        %add3A_698 = arith.addi %add3A_676, %add3A_697 : i32
        %swap3A = arith.index_cast %add3A_698 : i32 to index
        %swap3A_699 = arith.constant 0 : index
        %swap3A_700 = tpu.vector_load %arg7[%swap3A, %swap3A_699] {strides = array<i32>} : memref<676x128xf32, #tpu.memory_space<vmem>>, vector<1x16xf32>,
        %swap3A_701 = vector.shape_cast %swap3A_700 : vector<1x16xf32> to vector<16xf32>
        %swap3A_702 = vector.shape_cast %get3A_681 : vector<16xf32> to vector<1x16xf32>
        tpu.vector_store %arg7[%swap3A, %swap3A_699], %swap3A_702 {strides = array<i32>} : memref<676x128xf32, #tpu.memory_space<vmem>>, vector<1x16xf32>,
        %add3A_703 = arith.constant 0 : i32
        %add3A_704 = arith.addi %add3A_676, %add3A_703 : i32
        %swap3A_705 = arith.index_cast %add3A_704 : i32 to index
        %swap3A_706 = arith.constant 16 : index
        %swap3A_707 = tpu.vector_load %arg7[%swap3A_705, %swap3A_706] {strides = array<i32>} : memref<676x128xf32, #tpu.memory_space<vmem>>, vector<1x16xf32>,
        %swap3A_708 = vector.shape_cast %swap3A_707 : vector<1x16xf32> to vector<16xf32>
        %swap3A_709 = vector.shape_cast %get3A_686 : vector<16xf32> to vector<1x16xf32>
        tpu.vector_store %arg7[%swap3A_705, %swap3A_706], %swap3A_709 {strides = array<i32>} : memref<676x128xf32, #tpu.memory_space<vmem>>, vector<1x16xf32>,
        %add3A_710 = arith.constant 0 : i32
        %add3A_711 = arith.addi %add3A_676, %add3A_710 : i32
        %swap3A_712 = arith.index_cast %add3A_711 : i32 to index
        %swap3A_713 = arith.constant 32 : index
        %swap3A_714 = tpu.vector_load %arg7[%swap3A_712, %swap3A_713] {strides = array<i32>} : memref<676x128xf32, #tpu.memory_space<vmem>>, vector<1x16xf32>,
        %swap3A_715 = vector.shape_cast %swap3A_714 : vector<1x16xf32> to vector<16xf32>
        %swap3A_716 = vector.shape_cast %get3A_691 : vector<16xf32> to vector<1x16xf32>
        tpu.vector_store %arg7[%swap3A_712, %swap3A_713], %swap3A_716 {strides = array<i32>} : memref<676x128xf32, #tpu.memory_space<vmem>>, vector<1x16xf32>,
        %add3A_717 = arith.constant 0 : i32
        %add3A_718 = arith.addi %add3A_676, %add3A_717 : i32
        %swap3A_719 = arith.index_cast %add3A_718 : i32 to index
        %swap3A_720 = arith.constant 48 : index
        %swap3A_721 = tpu.vector_load %arg7[%swap3A_719, %swap3A_720] {strides = array<i32>} : memref<676x128xf32, #tpu.memory_space<vmem>>, vector<1x16xf32>,
        %swap3A_722 = vector.shape_cast %swap3A_721 : vector<1x16xf32> to vector<16xf32>
        %swap3A_723 = vector.shape_cast %get3A_696 : vector<16xf32> to vector<1x16xf32>
        tpu.vector_store %arg7[%swap3A_719, %swap3A_720], %swap3A_723 {strides = array<i32>} : memref<676x128xf32, #tpu.memory_space<vmem>>, vector<1x16xf32>,
        %add3A_724 = arith.constant 0 : i32
        %add3A_725 = arith.addi %add3A_676, %add3A_724 : i32
        %swap3A_726 = arith.index_cast %add3A_725 : i32 to index
        %swap3A_727 = arith.constant 64 : index
        %swap3A_728 = tpu.vector_load %arg7[%swap3A_726, %swap3A_727] {strides = array<i32>} : memref<676x128xf32, #tpu.memory_space<vmem>>, vector<1x16xf32>,
        %swap3A_729 = vector.shape_cast %swap3A_728 : vector<1x16xf32> to vector<16xf32>
        %swap3A_730 = vector.shape_cast %get3A_22 : vector<16xf32> to vector<1x16xf32>
        tpu.vector_store %arg7[%swap3A_726, %swap3A_727], %swap3A_730 {strides = array<i32>} : memref<676x128xf32, #tpu.memory_space<vmem>>, vector<1x16xf32>,
        %add3A_731 = arith.constant 0 : i32
        %add3A_732 = arith.addi %add3A_676, %add3A_731 : i32
        %swap3A_733 = arith.index_cast %add3A_732 : i32 to index
        %swap3A_734 = arith.constant 80 : index
        %swap3A_735 = tpu.vector_load %arg7[%swap3A_733, %swap3A_734] {strides = array<i32>} : memref<676x128xf32, #tpu.memory_space<vmem>>, vector<1x16xf32>,
        %swap3A_736 = vector.shape_cast %swap3A_735 : vector<1x16xf32> to vector<16xf32>
        %swap3A_737 = vector.shape_cast %get3A_28 : vector<16xf32> to vector<1x16xf32>
        tpu.vector_store %arg7[%swap3A_733, %swap3A_734], %swap3A_737 {strides = array<i32>} : memref<676x128xf32, #tpu.memory_space<vmem>>, vector<1x16xf32>,
        %add3A_738 = arith.constant 0 : i32
        %add3A_739 = arith.addi %add3A_676, %add3A_738 : i32
        %swap3A_740 = arith.index_cast %add3A_739 : i32 to index
        %swap3A_741 = arith.constant 96 : index
        %swap3A_742 = tpu.vector_load %arg7[%swap3A_740, %swap3A_741] {strides = array<i32>} : memref<676x128xf32, #tpu.memory_space<vmem>>, vector<1x16xf32>,
        %swap3A_743 = vector.shape_cast %swap3A_742 : vector<1x16xf32> to vector<16xf32>
        %swap3A_744 = vector.shape_cast %get3A_34 : vector<16xf32> to vector<1x16xf32>
        tpu.vector_store %arg7[%swap3A_740, %swap3A_741], %swap3A_744 {strides = array<i32>} : memref<676x128xf32, #tpu.memory_space<vmem>>, vector<1x16xf32>,
        %add3A_745 = arith.constant 0 : i32
        %add3A_746 = arith.addi %add3A_676, %add3A_745 : i32
        %swap3A_747 = arith.index_cast %add3A_746 : i32 to index
        %swap3A_748 = arith.constant 112 : index
        %swap3A_749 = tpu.vector_load %arg7[%swap3A_747, %swap3A_748] {strides = array<i32>} : memref<676x128xf32, #tpu.memory_space<vmem>>, vector<1x16xf32>,
        %swap3A_750 = vector.shape_cast %swap3A_749 : vector<1x16xf32> to vector<16xf32>
        %swap3A_751 = vector.shape_cast %get3A_40 : vector<16xf32> to vector<1x16xf32>
        tpu.vector_store %arg7[%swap3A_747, %swap3A_748], %swap3A_751 {strides = array<i32>} : memref<676x128xf32, #tpu.memory_space<vmem>>, vector<1x16xf32>,
        %add3A_752 = arith.constant 1 : i32
        %add3A_753 = arith.addi %add3A_676, %add3A_752 : i32
        %swap3A_754 = arith.index_cast %add3A_753 : i32 to index
        %swap3A_755 = arith.constant 0 : index
        %swap3A_756 = tpu.vector_load %arg7[%swap3A_754, %swap3A_755] {strides = array<i32>} : memref<676x128xf32, #tpu.memory_space<vmem>>, vector<1x16xf32>,
        %swap3A_757 = vector.shape_cast %swap3A_756 : vector<1x16xf32> to vector<16xf32>
        %swap3A_758 = vector.shape_cast %get3A_681 : vector<16xf32> to vector<1x16xf32>
        tpu.vector_store %arg7[%swap3A_754, %swap3A_755], %swap3A_758 {strides = array<i32>} : memref<676x128xf32, #tpu.memory_space<vmem>>, vector<1x16xf32>,
        %add3A_759 = arith.constant 1 : i32
        %add3A_760 = arith.addi %add3A_676, %add3A_759 : i32
        %swap3A_761 = arith.index_cast %add3A_760 : i32 to index
        %swap3A_762 = arith.constant 16 : index
        %swap3A_763 = tpu.vector_load %arg7[%swap3A_761, %swap3A_762] {strides = array<i32>} : memref<676x128xf32, #tpu.memory_space<vmem>>, vector<1x16xf32>,
        %swap3A_764 = vector.shape_cast %swap3A_763 : vector<1x16xf32> to vector<16xf32>
        %swap3A_765 = vector.shape_cast %get3A_686 : vector<16xf32> to vector<1x16xf32>
        tpu.vector_store %arg7[%swap3A_761, %swap3A_762], %swap3A_765 {strides = array<i32>} : memref<676x128xf32, #tpu.memory_space<vmem>>, vector<1x16xf32>,
        %add3A_766 = arith.constant 1 : i32
        %add3A_767 = arith.addi %add3A_676, %add3A_766 : i32
        %swap3A_768 = arith.index_cast %add3A_767 : i32 to index
        %swap3A_769 = arith.constant 32 : index
        %swap3A_770 = tpu.vector_load %arg7[%swap3A_768, %swap3A_769] {strides = array<i32>} : memref<676x128xf32, #tpu.memory_space<vmem>>, vector<1x16xf32>,
        %swap3A_771 = vector.shape_cast %swap3A_770 : vector<1x16xf32> to vector<16xf32>
        %swap3A_772 = vector.shape_cast %get3A_691 : vector<16xf32> to vector<1x16xf32>
        tpu.vector_store %arg7[%swap3A_768, %swap3A_769], %swap3A_772 {strides = array<i32>} : memref<676x128xf32, #tpu.memory_space<vmem>>, vector<1x16xf32>,
        %add3A_773 = arith.constant 1 : i32
        %add3A_774 = arith.addi %add3A_676, %add3A_773 : i32
        %swap3A_775 = arith.index_cast %add3A_774 : i32 to index
        %swap3A_776 = arith.constant 48 : index
        %swap3A_777 = tpu.vector_load %arg7[%swap3A_775, %swap3A_776] {strides = array<i32>} : memref<676x128xf32, #tpu.memory_space<vmem>>, vector<1x16xf32>,
        %swap3A_778 = vector.shape_cast %swap3A_777 : vector<1x16xf32> to vector<16xf32>
        %swap3A_779 = vector.shape_cast %get3A_696 : vector<16xf32> to vector<1x16xf32>
        tpu.vector_store %arg7[%swap3A_775, %swap3A_776], %swap3A_779 {strides = array<i32>} : memref<676x128xf32, #tpu.memory_space<vmem>>, vector<1x16xf32>,
        %add3A_780 = arith.constant 1 : i32
        %add3A_781 = arith.addi %add3A_676, %add3A_780 : i32
        %swap3A_782 = arith.index_cast %add3A_781 : i32 to index
        %swap3A_783 = arith.constant 64 : index
        %swap3A_784 = tpu.vector_load %arg7[%swap3A_782, %swap3A_783] {strides = array<i32>} : memref<676x128xf32, #tpu.memory_space<vmem>>, vector<1x16xf32>,
        %swap3A_785 = vector.shape_cast %swap3A_784 : vector<1x16xf32> to vector<16xf32>
        %swap3A_786 = vector.shape_cast %get3A_46 : vector<16xf32> to vector<1x16xf32>
        tpu.vector_store %arg7[%swap3A_782, %swap3A_783], %swap3A_786 {strides = array<i32>} : memref<676x128xf32, #tpu.memory_space<vmem>>, vector<1x16xf32>,
        %add3A_787 = arith.constant 1 : i32
        %add3A_788 = arith.addi %add3A_676, %add3A_787 : i32
        %swap3A_789 = arith.index_cast %add3A_788 : i32 to index
        %swap3A_790 = arith.constant 80 : index
        %swap3A_791 = tpu.vector_load %arg7[%swap3A_789, %swap3A_790] {strides = array<i32>} : memref<676x128xf32, #tpu.memory_space<vmem>>, vector<1x16xf32>,
        %swap3A_792 = vector.shape_cast %swap3A_791 : vector<1x16xf32> to vector<16xf32>
        %swap3A_793 = vector.shape_cast %get3A_52 : vector<16xf32> to vector<1x16xf32>
        tpu.vector_store %arg7[%swap3A_789, %swap3A_790], %swap3A_793 {strides = array<i32>} : memref<676x128xf32, #tpu.memory_space<vmem>>, vector<1x16xf32>,
        %add3A_794 = arith.constant 1 : i32
        %add3A_795 = arith.addi %add3A_676, %add3A_794 : i32
        %swap3A_796 = arith.index_cast %add3A_795 : i32 to index
        %swap3A_797 = arith.constant 96 : index
        %swap3A_798 = tpu.vector_load %arg7[%swap3A_796, %swap3A_797] {strides = array<i32>} : memref<676x128xf32, #tpu.memory_space<vmem>>, vector<1x16xf32>,
        %swap3A_799 = vector.shape_cast %swap3A_798 : vector<1x16xf32> to vector<16xf32>
        %swap3A_800 = vector.shape_cast %get3A_58 : vector<16xf32> to vector<1x16xf32>
        tpu.vector_store %arg7[%swap3A_796, %swap3A_797], %swap3A_800 {strides = array<i32>} : memref<676x128xf32, #tpu.memory_space<vmem>>, vector<1x16xf32>,
        %add3A_801 = arith.constant 1 : i32
        %add3A_802 = arith.addi %add3A_676, %add3A_801 : i32
        %swap3A_803 = arith.index_cast %add3A_802 : i32 to index
        %swap3A_804 = arith.constant 112 : index
        %swap3A_805 = tpu.vector_load %arg7[%swap3A_803, %swap3A_804] {strides = array<i32>} : memref<676x128xf32, #tpu.memory_space<vmem>>, vector<1x16xf32>,
        %swap3A_806 = vector.shape_cast %swap3A_805 : vector<1x16xf32> to vector<16xf32>
        %swap3A_807 = vector.shape_cast %get3A_64 : vector<16xf32> to vector<1x16xf32>
        tpu.vector_store %arg7[%swap3A_803, %swap3A_804], %swap3A_807 {strides = array<i32>} : memref<676x128xf32, #tpu.memory_space<vmem>>, vector<1x16xf32>,
        %add3A_808 = arith.constant 2 : i32
        %add3A_809 = arith.addi %add3A_676, %add3A_808 : i32
        %swap3A_810 = arith.index_cast %add3A_809 : i32 to index
        %swap3A_811 = arith.constant 0 : index
        %swap3A_812 = tpu.vector_load %arg7[%swap3A_810, %swap3A_811] {strides = array<i32>} : memref<676x128xf32, #tpu.memory_space<vmem>>, vector<1x16xf32>,
        %swap3A_813 = vector.shape_cast %swap3A_812 : vector<1x16xf32> to vector<16xf32>
        %swap3A_814 = vector.shape_cast %get3A_681 : vector<16xf32> to vector<1x16xf32>
        tpu.vector_store %arg7[%swap3A_810, %swap3A_811], %swap3A_814 {strides = array<i32>} : memref<676x128xf32, #tpu.memory_space<vmem>>, vector<1x16xf32>,
        %add3A_815 = arith.constant 2 : i32
        %add3A_816 = arith.addi %add3A_676, %add3A_815 : i32
        %swap3A_817 = arith.index_cast %add3A_816 : i32 to index
        %swap3A_818 = arith.constant 16 : index
        %swap3A_819 = tpu.vector_load %arg7[%swap3A_817, %swap3A_818] {strides = array<i32>} : memref<676x128xf32, #tpu.memory_space<vmem>>, vector<1x16xf32>,
        %swap3A_820 = vector.shape_cast %swap3A_819 : vector<1x16xf32> to vector<16xf32>
        %swap3A_821 = vector.shape_cast %get3A_686 : vector<16xf32> to vector<1x16xf32>
        tpu.vector_store %arg7[%swap3A_817, %swap3A_818], %swap3A_821 {strides = array<i32>} : memref<676x128xf32, #tpu.memory_space<vmem>>, vector<1x16xf32>,
        %add3A_822 = arith.constant 2 : i32
        %add3A_823 = arith.addi %add3A_676, %add3A_822 : i32
        %swap3A_824 = arith.index_cast %add3A_823 : i32 to index
        %swap3A_825 = arith.constant 32 : index
        %swap3A_826 = tpu.vector_load %arg7[%swap3A_824, %swap3A_825] {strides = array<i32>} : memref<676x128xf32, #tpu.memory_space<vmem>>, vector<1x16xf32>,
        %swap3A_827 = vector.shape_cast %swap3A_826 : vector<1x16xf32> to vector<16xf32>
        %swap3A_828 = vector.shape_cast %get3A_691 : vector<16xf32> to vector<1x16xf32>
        tpu.vector_store %arg7[%swap3A_824, %swap3A_825], %swap3A_828 {strides = array<i32>} : memref<676x128xf32, #tpu.memory_space<vmem>>, vector<1x16xf32>,
        %add3A_829 = arith.constant 2 : i32
        %add3A_830 = arith.addi %add3A_676, %add3A_829 : i32
        %swap3A_831 = arith.index_cast %add3A_830 : i32 to index
        %swap3A_832 = arith.constant 48 : index
        %swap3A_833 = tpu.vector_load %arg7[%swap3A_831, %swap3A_832] {strides = array<i32>} : memref<676x128xf32, #tpu.memory_space<vmem>>, vector<1x16xf32>,
        %swap3A_834 = vector.shape_cast %swap3A_833 : vector<1x16xf32> to vector<16xf32>
        %swap3A_835 = vector.shape_cast %get3A_696 : vector<16xf32> to vector<1x16xf32>
        tpu.vector_store %arg7[%swap3A_831, %swap3A_832], %swap3A_835 {strides = array<i32>} : memref<676x128xf32, #tpu.memory_space<vmem>>, vector<1x16xf32>,
        %add3A_836 = arith.constant 2 : i32
        %add3A_837 = arith.addi %add3A_676, %add3A_836 : i32
        %swap3A_838 = arith.index_cast %add3A_837 : i32 to index
        %swap3A_839 = arith.constant 64 : index
        %swap3A_840 = tpu.vector_load %arg7[%swap3A_838, %swap3A_839] {strides = array<i32>} : memref<676x128xf32, #tpu.memory_space<vmem>>, vector<1x16xf32>,
        %swap3A_841 = vector.shape_cast %swap3A_840 : vector<1x16xf32> to vector<16xf32>
        %swap3A_842 = vector.shape_cast %get3A_70 : vector<16xf32> to vector<1x16xf32>
        tpu.vector_store %arg7[%swap3A_838, %swap3A_839], %swap3A_842 {strides = array<i32>} : memref<676x128xf32, #tpu.memory_space<vmem>>, vector<1x16xf32>,
        %add3A_843 = arith.constant 2 : i32
        %add3A_844 = arith.addi %add3A_676, %add3A_843 : i32
        %swap3A_845 = arith.index_cast %add3A_844 : i32 to index
        %swap3A_846 = arith.constant 80 : index
        %swap3A_847 = tpu.vector_load %arg7[%swap3A_845, %swap3A_846] {strides = array<i32>} : memref<676x128xf32, #tpu.memory_space<vmem>>, vector<1x16xf32>,
        %swap3A_848 = vector.shape_cast %swap3A_847 : vector<1x16xf32> to vector<16xf32>
        %swap3A_849 = vector.shape_cast %get3A_76 : vector<16xf32> to vector<1x16xf32>
        tpu.vector_store %arg7[%swap3A_845, %swap3A_846], %swap3A_849 {strides = array<i32>} : memref<676x128xf32, #tpu.memory_space<vmem>>, vector<1x16xf32>,
        %add3A_850 = arith.constant 2 : i32
        %add3A_851 = arith.addi %add3A_676, %add3A_850 : i32
        %swap3A_852 = arith.index_cast %add3A_851 : i32 to index
        %swap3A_853 = arith.constant 96 : index
        %swap3A_854 = tpu.vector_load %arg7[%swap3A_852, %swap3A_853] {strides = array<i32>} : memref<676x128xf32, #tpu.memory_space<vmem>>, vector<1x16xf32>,
        %swap3A_855 = vector.shape_cast %swap3A_854 : vector<1x16xf32> to vector<16xf32>
        %swap3A_856 = vector.shape_cast %get3A_82 : vector<16xf32> to vector<1x16xf32>
        tpu.vector_store %arg7[%swap3A_852, %swap3A_853], %swap3A_856 {strides = array<i32>} : memref<676x128xf32, #tpu.memory_space<vmem>>, vector<1x16xf32>,
        %add3A_857 = arith.constant 2 : i32
        %add3A_858 = arith.addi %add3A_676, %add3A_857 : i32
        %swap3A_859 = arith.index_cast %add3A_858 : i32 to index
        %swap3A_860 = arith.constant 112 : index
        %swap3A_861 = tpu.vector_load %arg7[%swap3A_859, %swap3A_860] {strides = array<i32>} : memref<676x128xf32, #tpu.memory_space<vmem>>, vector<1x16xf32>,
        %swap3A_862 = vector.shape_cast %swap3A_861 : vector<1x16xf32> to vector<16xf32>
        %swap3A_863 = vector.shape_cast %get3A_88 : vector<16xf32> to vector<1x16xf32>
        tpu.vector_store %arg7[%swap3A_859, %swap3A_860], %swap3A_863 {strides = array<i32>} : memref<676x128xf32, #tpu.memory_space<vmem>>, vector<1x16xf32>,
        %add3A_864 = arith.constant 3 : i32
        %add3A_865 = arith.addi %add3A_676, %add3A_864 : i32
        %swap3A_866 = arith.index_cast %add3A_865 : i32 to index
        %swap3A_867 = arith.constant 0 : index
        %swap3A_868 = tpu.vector_load %arg7[%swap3A_866, %swap3A_867] {strides = array<i32>} : memref<676x128xf32, #tpu.memory_space<vmem>>, vector<1x16xf32>,
        %swap3A_869 = vector.shape_cast %swap3A_868 : vector<1x16xf32> to vector<16xf32>
        %swap3A_870 = vector.shape_cast %get3A_681 : vector<16xf32> to vector<1x16xf32>
        tpu.vector_store %arg7[%swap3A_866, %swap3A_867], %swap3A_870 {strides = array<i32>} : memref<676x128xf32, #tpu.memory_space<vmem>>, vector<1x16xf32>,
        %add3A_871 = arith.constant 3 : i32
        %add3A_872 = arith.addi %add3A_676, %add3A_871 : i32
        %swap3A_873 = arith.index_cast %add3A_872 : i32 to index
        %swap3A_874 = arith.constant 16 : index
        %swap3A_875 = tpu.vector_load %arg7[%swap3A_873, %swap3A_874] {strides = array<i32>} : memref<676x128xf32, #tpu.memory_space<vmem>>, vector<1x16xf32>,
        %swap3A_876 = vector.shape_cast %swap3A_875 : vector<1x16xf32> to vector<16xf32>
        %swap3A_877 = vector.shape_cast %get3A_686 : vector<16xf32> to vector<1x16xf32>
        tpu.vector_store %arg7[%swap3A_873, %swap3A_874], %swap3A_877 {strides = array<i32>} : memref<676x128xf32, #tpu.memory_space<vmem>>, vector<1x16xf32>,
        %add3A_878 = arith.constant 3 : i32
        %add3A_879 = arith.addi %add3A_676, %add3A_878 : i32
        %swap3A_880 = arith.index_cast %add3A_879 : i32 to index
        %swap3A_881 = arith.constant 32 : index
        %swap3A_882 = tpu.vector_load %arg7[%swap3A_880, %swap3A_881] {strides = array<i32>} : memref<676x128xf32, #tpu.memory_space<vmem>>, vector<1x16xf32>,
        %swap3A_883 = vector.shape_cast %swap3A_882 : vector<1x16xf32> to vector<16xf32>
        %swap3A_884 = vector.shape_cast %get3A_691 : vector<16xf32> to vector<1x16xf32>
        tpu.vector_store %arg7[%swap3A_880, %swap3A_881], %swap3A_884 {strides = array<i32>} : memref<676x128xf32, #tpu.memory_space<vmem>>, vector<1x16xf32>,
        %add3A_885 = arith.constant 3 : i32
        %add3A_886 = arith.addi %add3A_676, %add3A_885 : i32
        %swap3A_887 = arith.index_cast %add3A_886 : i32 to index
        %swap3A_888 = arith.constant 48 : index
        %swap3A_889 = tpu.vector_load %arg7[%swap3A_887, %swap3A_888] {strides = array<i32>} : memref<676x128xf32, #tpu.memory_space<vmem>>, vector<1x16xf32>,
        %swap3A_890 = vector.shape_cast %swap3A_889 : vector<1x16xf32> to vector<16xf32>
        %swap3A_891 = vector.shape_cast %get3A_696 : vector<16xf32> to vector<1x16xf32>
        tpu.vector_store %arg7[%swap3A_887, %swap3A_888], %swap3A_891 {strides = array<i32>} : memref<676x128xf32, #tpu.memory_space<vmem>>, vector<1x16xf32>,
        %add3A_892 = arith.constant 3 : i32
        %add3A_893 = arith.addi %add3A_676, %add3A_892 : i32
        %swap3A_894 = arith.index_cast %add3A_893 : i32 to index
        %swap3A_895 = arith.constant 64 : index
        %swap3A_896 = tpu.vector_load %arg7[%swap3A_894, %swap3A_895] {strides = array<i32>} : memref<676x128xf32, #tpu.memory_space<vmem>>, vector<1x16xf32>,
        %swap3A_897 = vector.shape_cast %swap3A_896 : vector<1x16xf32> to vector<16xf32>
        %swap3A_898 = vector.shape_cast %get3A_94 : vector<16xf32> to vector<1x16xf32>
        tpu.vector_store %arg7[%swap3A_894, %swap3A_895], %swap3A_898 {strides = array<i32>} : memref<676x128xf32, #tpu.memory_space<vmem>>, vector<1x16xf32>,
        %add3A_899 = arith.constant 3 : i32
        %add3A_900 = arith.addi %add3A_676, %add3A_899 : i32
        %swap3A_901 = arith.index_cast %add3A_900 : i32 to index
        %swap3A_902 = arith.constant 80 : index
        %swap3A_903 = tpu.vector_load %arg7[%swap3A_901, %swap3A_902] {strides = array<i32>} : memref<676x128xf32, #tpu.memory_space<vmem>>, vector<1x16xf32>,
        %swap3A_904 = vector.shape_cast %swap3A_903 : vector<1x16xf32> to vector<16xf32>
        %swap3A_905 = vector.shape_cast %get3A_100 : vector<16xf32> to vector<1x16xf32>
        tpu.vector_store %arg7[%swap3A_901, %swap3A_902], %swap3A_905 {strides = array<i32>} : memref<676x128xf32, #tpu.memory_space<vmem>>, vector<1x16xf32>,
        %add3A_906 = arith.constant 3 : i32
        %add3A_907 = arith.addi %add3A_676, %add3A_906 : i32
        %swap3A_908 = arith.index_cast %add3A_907 : i32 to index
        %swap3A_909 = arith.constant 96 : index
        %swap3A_910 = tpu.vector_load %arg7[%swap3A_908, %swap3A_909] {strides = array<i32>} : memref<676x128xf32, #tpu.memory_space<vmem>>, vector<1x16xf32>,
        %swap3A_911 = vector.shape_cast %swap3A_910 : vector<1x16xf32> to vector<16xf32>
        %swap3A_912 = vector.shape_cast %get3A_106 : vector<16xf32> to vector<1x16xf32>
        tpu.vector_store %arg7[%swap3A_908, %swap3A_909], %swap3A_912 {strides = array<i32>} : memref<676x128xf32, #tpu.memory_space<vmem>>, vector<1x16xf32>,
        %add3A_913 = arith.constant 3 : i32
        %add3A_914 = arith.addi %add3A_676, %add3A_913 : i32
        %swap3A_915 = arith.index_cast %add3A_914 : i32 to index
        %swap3A_916 = arith.constant 112 : index
        %swap3A_917 = tpu.vector_load %arg7[%swap3A_915, %swap3A_916] {strides = array<i32>} : memref<676x128xf32, #tpu.memory_space<vmem>>, vector<1x16xf32>,
        %swap3A_918 = vector.shape_cast %swap3A_917 : vector<1x16xf32> to vector<16xf32>
        %swap3A_919 = vector.shape_cast %get3A_112 : vector<16xf32> to vector<1x16xf32>
        tpu.vector_store %arg7[%swap3A_915, %swap3A_916], %swap3A_919 {strides = array<i32>} : memref<676x128xf32, #tpu.memory_space<vmem>>, vector<1x16xf32>,
        %add3A_920 = arith.constant 4 : i32
        %add3A_921 = arith.addi %add3A_676, %add3A_920 : i32
        %swap3A_922 = arith.index_cast %add3A_921 : i32 to index
        %swap3A_923 = arith.constant 0 : index
        %swap3A_924 = tpu.vector_load %arg7[%swap3A_922, %swap3A_923] {strides = array<i32>} : memref<676x128xf32, #tpu.memory_space<vmem>>, vector<1x16xf32>,
        %swap3A_925 = vector.shape_cast %swap3A_924 : vector<1x16xf32> to vector<16xf32>
        %swap3A_926 = vector.shape_cast %get3A_681 : vector<16xf32> to vector<1x16xf32>
        tpu.vector_store %arg7[%swap3A_922, %swap3A_923], %swap3A_926 {strides = array<i32>} : memref<676x128xf32, #tpu.memory_space<vmem>>, vector<1x16xf32>,
        %add3A_927 = arith.constant 4 : i32
        %add3A_928 = arith.addi %add3A_676, %add3A_927 : i32
        %swap3A_929 = arith.index_cast %add3A_928 : i32 to index
        %swap3A_930 = arith.constant 16 : index
        %swap3A_931 = tpu.vector_load %arg7[%swap3A_929, %swap3A_930] {strides = array<i32>} : memref<676x128xf32, #tpu.memory_space<vmem>>, vector<1x16xf32>,
        %swap3A_932 = vector.shape_cast %swap3A_931 : vector<1x16xf32> to vector<16xf32>
        %swap3A_933 = vector.shape_cast %get3A_686 : vector<16xf32> to vector<1x16xf32>
        tpu.vector_store %arg7[%swap3A_929, %swap3A_930], %swap3A_933 {strides = array<i32>} : memref<676x128xf32, #tpu.memory_space<vmem>>, vector<1x16xf32>,
        %add3A_934 = arith.constant 4 : i32
        %add3A_935 = arith.addi %add3A_676, %add3A_934 : i32
        %swap3A_936 = arith.index_cast %add3A_935 : i32 to index
        %swap3A_937 = arith.constant 32 : index
        %swap3A_938 = tpu.vector_load %arg7[%swap3A_936, %swap3A_937] {strides = array<i32>} : memref<676x128xf32, #tpu.memory_space<vmem>>, vector<1x16xf32>,
        %swap3A_939 = vector.shape_cast %swap3A_938 : vector<1x16xf32> to vector<16xf32>
        %swap3A_940 = vector.shape_cast %get3A_691 : vector<16xf32> to vector<1x16xf32>
        tpu.vector_store %arg7[%swap3A_936, %swap3A_937], %swap3A_940 {strides = array<i32>} : memref<676x128xf32, #tpu.memory_space<vmem>>, vector<1x16xf32>,
        %add3A_941 = arith.constant 4 : i32
        %add3A_942 = arith.addi %add3A_676, %add3A_941 : i32
        %swap3A_943 = arith.index_cast %add3A_942 : i32 to index
        %swap3A_944 = arith.constant 48 : index
        %swap3A_945 = tpu.vector_load %arg7[%swap3A_943, %swap3A_944] {strides = array<i32>} : memref<676x128xf32, #tpu.memory_space<vmem>>, vector<1x16xf32>,
        %swap3A_946 = vector.shape_cast %swap3A_945 : vector<1x16xf32> to vector<16xf32>
        %swap3A_947 = vector.shape_cast %get3A_696 : vector<16xf32> to vector<1x16xf32>
        tpu.vector_store %arg7[%swap3A_943, %swap3A_944], %swap3A_947 {strides = array<i32>} : memref<676x128xf32, #tpu.memory_space<vmem>>, vector<1x16xf32>,
        %add3A_948 = arith.constant 4 : i32
        %add3A_949 = arith.addi %add3A_676, %add3A_948 : i32
        %swap3A_950 = arith.index_cast %add3A_949 : i32 to index
        %swap3A_951 = arith.constant 64 : index
        %swap3A_952 = tpu.vector_load %arg7[%swap3A_950, %swap3A_951] {strides = array<i32>} : memref<676x128xf32, #tpu.memory_space<vmem>>, vector<1x16xf32>,
        %swap3A_953 = vector.shape_cast %swap3A_952 : vector<1x16xf32> to vector<16xf32>
        %swap3A_954 = vector.shape_cast %get3A_118 : vector<16xf32> to vector<1x16xf32>
        tpu.vector_store %arg7[%swap3A_950, %swap3A_951], %swap3A_954 {strides = array<i32>} : memref<676x128xf32, #tpu.memory_space<vmem>>, vector<1x16xf32>,
        %add3A_955 = arith.constant 4 : i32
        %add3A_956 = arith.addi %add3A_676, %add3A_955 : i32
        %swap3A_957 = arith.index_cast %add3A_956 : i32 to index
        %swap3A_958 = arith.constant 80 : index
        %swap3A_959 = tpu.vector_load %arg7[%swap3A_957, %swap3A_958] {strides = array<i32>} : memref<676x128xf32, #tpu.memory_space<vmem>>, vector<1x16xf32>,
        %swap3A_960 = vector.shape_cast %swap3A_959 : vector<1x16xf32> to vector<16xf32>
        %swap3A_961 = vector.shape_cast %get3A_124 : vector<16xf32> to vector<1x16xf32>
        tpu.vector_store %arg7[%swap3A_957, %swap3A_958], %swap3A_961 {strides = array<i32>} : memref<676x128xf32, #tpu.memory_space<vmem>>, vector<1x16xf32>,
        %add3A_962 = arith.constant 4 : i32
        %add3A_963 = arith.addi %add3A_676, %add3A_962 : i32
        %swap3A_964 = arith.index_cast %add3A_963 : i32 to index
        %swap3A_965 = arith.constant 96 : index
        %swap3A_966 = tpu.vector_load %arg7[%swap3A_964, %swap3A_965] {strides = array<i32>} : memref<676x128xf32, #tpu.memory_space<vmem>>, vector<1x16xf32>,
        %swap3A_967 = vector.shape_cast %swap3A_966 : vector<1x16xf32> to vector<16xf32>
        %swap3A_968 = vector.shape_cast %get3A_130 : vector<16xf32> to vector<1x16xf32>
        tpu.vector_store %arg7[%swap3A_964, %swap3A_965], %swap3A_968 {strides = array<i32>} : memref<676x128xf32, #tpu.memory_space<vmem>>, vector<1x16xf32>,
        %add3A_969 = arith.constant 4 : i32
        %add3A_970 = arith.addi %add3A_676, %add3A_969 : i32
        %swap3A_971 = arith.index_cast %add3A_970 : i32 to index
        %swap3A_972 = arith.constant 112 : index
        %swap3A_973 = tpu.vector_load %arg7[%swap3A_971, %swap3A_972] {strides = array<i32>} : memref<676x128xf32, #tpu.memory_space<vmem>>, vector<1x16xf32>,
        %swap3A_974 = vector.shape_cast %swap3A_973 : vector<1x16xf32> to vector<16xf32>
        %swap3A_975 = vector.shape_cast %get3A_136 : vector<16xf32> to vector<1x16xf32>
        tpu.vector_store %arg7[%swap3A_971, %swap3A_972], %swap3A_975 {strides = array<i32>} : memref<676x128xf32, #tpu.memory_space<vmem>>, vector<1x16xf32>,
        %add3A_976 = arith.constant 5 : i32
        %add3A_977 = arith.addi %add3A_676, %add3A_976 : i32
        %swap3A_978 = arith.index_cast %add3A_977 : i32 to index
        %swap3A_979 = arith.constant 0 : index
        %swap3A_980 = tpu.vector_load %arg7[%swap3A_978, %swap3A_979] {strides = array<i32>} : memref<676x128xf32, #tpu.memory_space<vmem>>, vector<1x16xf32>,
        %swap3A_981 = vector.shape_cast %swap3A_980 : vector<1x16xf32> to vector<16xf32>
        %swap3A_982 = vector.shape_cast %get3A_681 : vector<16xf32> to vector<1x16xf32>
        tpu.vector_store %arg7[%swap3A_978, %swap3A_979], %swap3A_982 {strides = array<i32>} : memref<676x128xf32, #tpu.memory_space<vmem>>, vector<1x16xf32>,
        %add3A_983 = arith.constant 5 : i32
        %add3A_984 = arith.addi %add3A_676, %add3A_983 : i32
        %swap3A_985 = arith.index_cast %add3A_984 : i32 to index
        %swap3A_986 = arith.constant 16 : index
        %swap3A_987 = tpu.vector_load %arg7[%swap3A_985, %swap3A_986] {strides = array<i32>} : memref<676x128xf32, #tpu.memory_space<vmem>>, vector<1x16xf32>,
        %swap3A_988 = vector.shape_cast %swap3A_987 : vector<1x16xf32> to vector<16xf32>
        %swap3A_989 = vector.shape_cast %get3A_686 : vector<16xf32> to vector<1x16xf32>
        tpu.vector_store %arg7[%swap3A_985, %swap3A_986], %swap3A_989 {strides = array<i32>} : memref<676x128xf32, #tpu.memory_space<vmem>>, vector<1x16xf32>,
        %add3A_990 = arith.constant 5 : i32
        %add3A_991 = arith.addi %add3A_676, %add3A_990 : i32
        %swap3A_992 = arith.index_cast %add3A_991 : i32 to index
        %swap3A_993 = arith.constant 32 : index
        %swap3A_994 = tpu.vector_load %arg7[%swap3A_992, %swap3A_993] {strides = array<i32>} : memref<676x128xf32, #tpu.memory_space<vmem>>, vector<1x16xf32>,
        %swap3A_995 = vector.shape_cast %swap3A_994 : vector<1x16xf32> to vector<16xf32>
        %swap3A_996 = vector.shape_cast %get3A_691 : vector<16xf32> to vector<1x16xf32>
        tpu.vector_store %arg7[%swap3A_992, %swap3A_993], %swap3A_996 {strides = array<i32>} : memref<676x128xf32, #tpu.memory_space<vmem>>, vector<1x16xf32>,
        %add3A_997 = arith.constant 5 : i32
        %add3A_998 = arith.addi %add3A_676, %add3A_997 : i32
        %swap3A_999 = arith.index_cast %add3A_998 : i32 to index
        %swap3A_1000 = arith.constant 48 : index
        %swap3A_1001 = tpu.vector_load %arg7[%swap3A_999, %swap3A_1000] {strides = array<i32>} : memref<676x128xf32, #tpu.memory_space<vmem>>, vector<1x16xf32>,
        %swap3A_1002 = vector.shape_cast %swap3A_1001 : vector<1x16xf32> to vector<16xf32>
        %swap3A_1003 = vector.shape_cast %get3A_696 : vector<16xf32> to vector<1x16xf32>
        tpu.vector_store %arg7[%swap3A_999, %swap3A_1000], %swap3A_1003 {strides = array<i32>} : memref<676x128xf32, #tpu.memory_space<vmem>>, vector<1x16xf32>,
        %add3A_1004 = arith.constant 5 : i32
        %add3A_1005 = arith.addi %add3A_676, %add3A_1004 : i32
        %swap3A_1006 = arith.index_cast %add3A_1005 : i32 to index
        %swap3A_1007 = arith.constant 64 : index
        %swap3A_1008 = tpu.vector_load %arg7[%swap3A_1006, %swap3A_1007] {strides = array<i32>} : memref<676x128xf32, #tpu.memory_space<vmem>>, vector<1x16xf32>,
        %swap3A_1009 = vector.shape_cast %swap3A_1008 : vector<1x16xf32> to vector<16xf32>
        %swap3A_1010 = vector.shape_cast %get3A_142 : vector<16xf32> to vector<1x16xf32>
        tpu.vector_store %arg7[%swap3A_1006, %swap3A_1007], %swap3A_1010 {strides = array<i32>} : memref<676x128xf32, #tpu.memory_space<vmem>>, vector<1x16xf32>,
        %add3A_1011 = arith.constant 5 : i32
        %add3A_1012 = arith.addi %add3A_676, %add3A_1011 : i32
        %swap3A_1013 = arith.index_cast %add3A_1012 : i32 to index
        %swap3A_1014 = arith.constant 80 : index
        %swap3A_1015 = tpu.vector_load %arg7[%swap3A_1013, %swap3A_1014] {strides = array<i32>} : memref<676x128xf32, #tpu.memory_space<vmem>>, vector<1x16xf32>,
        %swap3A_1016 = vector.shape_cast %swap3A_1015 : vector<1x16xf32> to vector<16xf32>
        %swap3A_1017 = vector.shape_cast %get3A_148 : vector<16xf32> to vector<1x16xf32>
        tpu.vector_store %arg7[%swap3A_1013, %swap3A_1014], %swap3A_1017 {strides = array<i32>} : memref<676x128xf32, #tpu.memory_space<vmem>>, vector<1x16xf32>,
        %add3A_1018 = arith.constant 5 : i32
        %add3A_1019 = arith.addi %add3A_676, %add3A_1018 : i32
        %swap3A_1020 = arith.index_cast %add3A_1019 : i32 to index
        %swap3A_1021 = arith.constant 96 : index
        %swap3A_1022 = tpu.vector_load %arg7[%swap3A_1020, %swap3A_1021] {strides = array<i32>} : memref<676x128xf32, #tpu.memory_space<vmem>>, vector<1x16xf32>,
        %swap3A_1023 = vector.shape_cast %swap3A_1022 : vector<1x16xf32> to vector<16xf32>
        %swap3A_1024 = vector.shape_cast %get3A_154 : vector<16xf32> to vector<1x16xf32>
        tpu.vector_store %arg7[%swap3A_1020, %swap3A_1021], %swap3A_1024 {strides = array<i32>} : memref<676x128xf32, #tpu.memory_space<vmem>>, vector<1x16xf32>,
        %add3A_1025 = arith.constant 5 : i32
        %add3A_1026 = arith.addi %add3A_676, %add3A_1025 : i32
        %swap3A_1027 = arith.index_cast %add3A_1026 : i32 to index
        %swap3A_1028 = arith.constant 112 : index
        %swap3A_1029 = tpu.vector_load %arg7[%swap3A_1027, %swap3A_1028] {strides = array<i32>} : memref<676x128xf32, #tpu.memory_space<vmem>>, vector<1x16xf32>,
        %swap3A_1030 = vector.shape_cast %swap3A_1029 : vector<1x16xf32> to vector<16xf32>
        %swap3A_1031 = vector.shape_cast %get3A_160 : vector<16xf32> to vector<1x16xf32>
        tpu.vector_store %arg7[%swap3A_1027, %swap3A_1028], %swap3A_1031 {strides = array<i32>} : memref<676x128xf32, #tpu.memory_space<vmem>>, vector<1x16xf32>,
        %add3A_1032 = arith.constant 6 : i32
        %add3A_1033 = arith.addi %add3A_676, %add3A_1032 : i32
        %swap3A_1034 = arith.index_cast %add3A_1033 : i32 to index
        %swap3A_1035 = arith.constant 0 : index
        %swap3A_1036 = tpu.vector_load %arg7[%swap3A_1034, %swap3A_1035] {strides = array<i32>} : memref<676x128xf32, #tpu.memory_space<vmem>>, vector<1x16xf32>,
        %swap3A_1037 = vector.shape_cast %swap3A_1036 : vector<1x16xf32> to vector<16xf32>
        %swap3A_1038 = vector.shape_cast %get3A_681 : vector<16xf32> to vector<1x16xf32>
        tpu.vector_store %arg7[%swap3A_1034, %swap3A_1035], %swap3A_1038 {strides = array<i32>} : memref<676x128xf32, #tpu.memory_space<vmem>>, vector<1x16xf32>,
        %add3A_1039 = arith.constant 6 : i32
        %add3A_1040 = arith.addi %add3A_676, %add3A_1039 : i32
        %swap3A_1041 = arith.index_cast %add3A_1040 : i32 to index
        %swap3A_1042 = arith.constant 16 : index
        %swap3A_1043 = tpu.vector_load %arg7[%swap3A_1041, %swap3A_1042] {strides = array<i32>} : memref<676x128xf32, #tpu.memory_space<vmem>>, vector<1x16xf32>,
        %swap3A_1044 = vector.shape_cast %swap3A_1043 : vector<1x16xf32> to vector<16xf32>
        %swap3A_1045 = vector.shape_cast %get3A_686 : vector<16xf32> to vector<1x16xf32>
        tpu.vector_store %arg7[%swap3A_1041, %swap3A_1042], %swap3A_1045 {strides = array<i32>} : memref<676x128xf32, #tpu.memory_space<vmem>>, vector<1x16xf32>,
        %add3A_1046 = arith.constant 6 : i32
        %add3A_1047 = arith.addi %add3A_676, %add3A_1046 : i32
        %swap3A_1048 = arith.index_cast %add3A_1047 : i32 to index
        %swap3A_1049 = arith.constant 32 : index
        %swap3A_1050 = tpu.vector_load %arg7[%swap3A_1048, %swap3A_1049] {strides = array<i32>} : memref<676x128xf32, #tpu.memory_space<vmem>>, vector<1x16xf32>,
        %swap3A_1051 = vector.shape_cast %swap3A_1050 : vector<1x16xf32> to vector<16xf32>
        %swap3A_1052 = vector.shape_cast %get3A_691 : vector<16xf32> to vector<1x16xf32>
        tpu.vector_store %arg7[%swap3A_1048, %swap3A_1049], %swap3A_1052 {strides = array<i32>} : memref<676x128xf32, #tpu.memory_space<vmem>>, vector<1x16xf32>,
        %add3A_1053 = arith.constant 6 : i32
        %add3A_1054 = arith.addi %add3A_676, %add3A_1053 : i32
        %swap3A_1055 = arith.index_cast %add3A_1054 : i32 to index
        %swap3A_1056 = arith.constant 48 : index
        %swap3A_1057 = tpu.vector_load %arg7[%swap3A_1055, %swap3A_1056] {strides = array<i32>} : memref<676x128xf32, #tpu.memory_space<vmem>>, vector<1x16xf32>,
        %swap3A_1058 = vector.shape_cast %swap3A_1057 : vector<1x16xf32> to vector<16xf32>
        %swap3A_1059 = vector.shape_cast %get3A_696 : vector<16xf32> to vector<1x16xf32>
        tpu.vector_store %arg7[%swap3A_1055, %swap3A_1056], %swap3A_1059 {strides = array<i32>} : memref<676x128xf32, #tpu.memory_space<vmem>>, vector<1x16xf32>,
        %add3A_1060 = arith.constant 6 : i32
        %add3A_1061 = arith.addi %add3A_676, %add3A_1060 : i32
        %swap3A_1062 = arith.index_cast %add3A_1061 : i32 to index
        %swap3A_1063 = arith.constant 64 : index
        %swap3A_1064 = tpu.vector_load %arg7[%swap3A_1062, %swap3A_1063] {strides = array<i32>} : memref<676x128xf32, #tpu.memory_space<vmem>>, vector<1x16xf32>,
        %swap3A_1065 = vector.shape_cast %swap3A_1064 : vector<1x16xf32> to vector<16xf32>
        %swap3A_1066 = vector.shape_cast %get3A_166 : vector<16xf32> to vector<1x16xf32>
        tpu.vector_store %arg7[%swap3A_1062, %swap3A_1063], %swap3A_1066 {strides = array<i32>} : memref<676x128xf32, #tpu.memory_space<vmem>>, vector<1x16xf32>,
        %add3A_1067 = arith.constant 6 : i32
        %add3A_1068 = arith.addi %add3A_676, %add3A_1067 : i32
        %swap3A_1069 = arith.index_cast %add3A_1068 : i32 to index
        %swap3A_1070 = arith.constant 80 : index
        %swap3A_1071 = tpu.vector_load %arg7[%swap3A_1069, %swap3A_1070] {strides = array<i32>} : memref<676x128xf32, #tpu.memory_space<vmem>>, vector<1x16xf32>,
        %swap3A_1072 = vector.shape_cast %swap3A_1071 : vector<1x16xf32> to vector<16xf32>
        %swap3A_1073 = vector.shape_cast %get3A_172 : vector<16xf32> to vector<1x16xf32>
        tpu.vector_store %arg7[%swap3A_1069, %swap3A_1070], %swap3A_1073 {strides = array<i32>} : memref<676x128xf32, #tpu.memory_space<vmem>>, vector<1x16xf32>,
        %add3A_1074 = arith.constant 6 : i32
        %add3A_1075 = arith.addi %add3A_676, %add3A_1074 : i32
        %swap3A_1076 = arith.index_cast %add3A_1075 : i32 to index
        %swap3A_1077 = arith.constant 96 : index
        %swap3A_1078 = tpu.vector_load %arg7[%swap3A_1076, %swap3A_1077] {strides = array<i32>} : memref<676x128xf32, #tpu.memory_space<vmem>>, vector<1x16xf32>,
        %swap3A_1079 = vector.shape_cast %swap3A_1078 : vector<1x16xf32> to vector<16xf32>
        %swap3A_1080 = vector.shape_cast %get3A_178 : vector<16xf32> to vector<1x16xf32>
        tpu.vector_store %arg7[%swap3A_1076, %swap3A_1077], %swap3A_1080 {strides = array<i32>} : memref<676x128xf32, #tpu.memory_space<vmem>>, vector<1x16xf32>,
        %add3A_1081 = arith.constant 6 : i32
        %add3A_1082 = arith.addi %add3A_676, %add3A_1081 : i32
        %swap3A_1083 = arith.index_cast %add3A_1082 : i32 to index
        %swap3A_1084 = arith.constant 112 : index
        %swap3A_1085 = tpu.vector_load %arg7[%swap3A_1083, %swap3A_1084] {strides = array<i32>} : memref<676x128xf32, #tpu.memory_space<vmem>>, vector<1x16xf32>,
        %swap3A_1086 = vector.shape_cast %swap3A_1085 : vector<1x16xf32> to vector<16xf32>
        %swap3A_1087 = vector.shape_cast %get3A_184 : vector<16xf32> to vector<1x16xf32>
        tpu.vector_store %arg7[%swap3A_1083, %swap3A_1084], %swap3A_1087 {strides = array<i32>} : memref<676x128xf32, #tpu.memory_space<vmem>>, vector<1x16xf32>,
        %add3A_1088 = arith.constant 7 : i32
        %add3A_1089 = arith.addi %add3A_676, %add3A_1088 : i32
        %swap3A_1090 = arith.index_cast %add3A_1089 : i32 to index
        %swap3A_1091 = arith.constant 0 : index
        %swap3A_1092 = tpu.vector_load %arg7[%swap3A_1090, %swap3A_1091] {strides = array<i32>} : memref<676x128xf32, #tpu.memory_space<vmem>>, vector<1x16xf32>,
        %swap3A_1093 = vector.shape_cast %swap3A_1092 : vector<1x16xf32> to vector<16xf32>
        %swap3A_1094 = vector.shape_cast %get3A_681 : vector<16xf32> to vector<1x16xf32>
        tpu.vector_store %arg7[%swap3A_1090, %swap3A_1091], %swap3A_1094 {strides = array<i32>} : memref<676x128xf32, #tpu.memory_space<vmem>>, vector<1x16xf32>,
        %add3A_1095 = arith.constant 7 : i32
        %add3A_1096 = arith.addi %add3A_676, %add3A_1095 : i32
        %swap3A_1097 = arith.index_cast %add3A_1096 : i32 to index
        %swap3A_1098 = arith.constant 16 : index
        %swap3A_1099 = tpu.vector_load %arg7[%swap3A_1097, %swap3A_1098] {strides = array<i32>} : memref<676x128xf32, #tpu.memory_space<vmem>>, vector<1x16xf32>,
        %swap3A_1100 = vector.shape_cast %swap3A_1099 : vector<1x16xf32> to vector<16xf32>
        %swap3A_1101 = vector.shape_cast %get3A_686 : vector<16xf32> to vector<1x16xf32>
        tpu.vector_store %arg7[%swap3A_1097, %swap3A_1098], %swap3A_1101 {strides = array<i32>} : memref<676x128xf32, #tpu.memory_space<vmem>>, vector<1x16xf32>,
        %add3A_1102 = arith.constant 7 : i32
        %add3A_1103 = arith.addi %add3A_676, %add3A_1102 : i32
        %swap3A_1104 = arith.index_cast %add3A_1103 : i32 to index
        %swap3A_1105 = arith.constant 32 : index
        %swap3A_1106 = tpu.vector_load %arg7[%swap3A_1104, %swap3A_1105] {strides = array<i32>} : memref<676x128xf32, #tpu.memory_space<vmem>>, vector<1x16xf32>,
        %swap3A_1107 = vector.shape_cast %swap3A_1106 : vector<1x16xf32> to vector<16xf32>
        %swap3A_1108 = vector.shape_cast %get3A_691 : vector<16xf32> to vector<1x16xf32>
        tpu.vector_store %arg7[%swap3A_1104, %swap3A_1105], %swap3A_1108 {strides = array<i32>} : memref<676x128xf32, #tpu.memory_space<vmem>>, vector<1x16xf32>,
        %add3A_1109 = arith.constant 7 : i32
        %add3A_1110 = arith.addi %add3A_676, %add3A_1109 : i32
        %swap3A_1111 = arith.index_cast %add3A_1110 : i32 to index
        %swap3A_1112 = arith.constant 48 : index
        %swap3A_1113 = tpu.vector_load %arg7[%swap3A_1111, %swap3A_1112] {strides = array<i32>} : memref<676x128xf32, #tpu.memory_space<vmem>>, vector<1x16xf32>,
        %swap3A_1114 = vector.shape_cast %swap3A_1113 : vector<1x16xf32> to vector<16xf32>
        %swap3A_1115 = vector.shape_cast %get3A_696 : vector<16xf32> to vector<1x16xf32>
        tpu.vector_store %arg7[%swap3A_1111, %swap3A_1112], %swap3A_1115 {strides = array<i32>} : memref<676x128xf32, #tpu.memory_space<vmem>>, vector<1x16xf32>,
        %add3A_1116 = arith.constant 7 : i32
        %add3A_1117 = arith.addi %add3A_676, %add3A_1116 : i32
        %swap3A_1118 = arith.index_cast %add3A_1117 : i32 to index
        %swap3A_1119 = arith.constant 64 : index
        %swap3A_1120 = tpu.vector_load %arg7[%swap3A_1118, %swap3A_1119] {strides = array<i32>} : memref<676x128xf32, #tpu.memory_space<vmem>>, vector<1x16xf32>,
        %swap3A_1121 = vector.shape_cast %swap3A_1120 : vector<1x16xf32> to vector<16xf32>
        %swap3A_1122 = vector.shape_cast %get3A_190 : vector<16xf32> to vector<1x16xf32>
        tpu.vector_store %arg7[%swap3A_1118, %swap3A_1119], %swap3A_1122 {strides = array<i32>} : memref<676x128xf32, #tpu.memory_space<vmem>>, vector<1x16xf32>,
        %add3A_1123 = arith.constant 7 : i32
        %add3A_1124 = arith.addi %add3A_676, %add3A_1123 : i32
        %swap3A_1125 = arith.index_cast %add3A_1124 : i32 to index
        %swap3A_1126 = arith.constant 80 : index
        %swap3A_1127 = tpu.vector_load %arg7[%swap3A_1125, %swap3A_1126] {strides = array<i32>} : memref<676x128xf32, #tpu.memory_space<vmem>>, vector<1x16xf32>,
        %swap3A_1128 = vector.shape_cast %swap3A_1127 : vector<1x16xf32> to vector<16xf32>
        %swap3A_1129 = vector.shape_cast %get3A_196 : vector<16xf32> to vector<1x16xf32>
        tpu.vector_store %arg7[%swap3A_1125, %swap3A_1126], %swap3A_1129 {strides = array<i32>} : memref<676x128xf32, #tpu.memory_space<vmem>>, vector<1x16xf32>,
        %add3A_1130 = arith.constant 7 : i32
        %add3A_1131 = arith.addi %add3A_676, %add3A_1130 : i32
        %swap3A_1132 = arith.index_cast %add3A_1131 : i32 to index
        %swap3A_1133 = arith.constant 96 : index
        %swap3A_1134 = tpu.vector_load %arg7[%swap3A_1132, %swap3A_1133] {strides = array<i32>} : memref<676x128xf32, #tpu.memory_space<vmem>>, vector<1x16xf32>,
        %swap3A_1135 = vector.shape_cast %swap3A_1134 : vector<1x16xf32> to vector<16xf32>
        %swap3A_1136 = vector.shape_cast %get3A_202 : vector<16xf32> to vector<1x16xf32>
        tpu.vector_store %arg7[%swap3A_1132, %swap3A_1133], %swap3A_1136 {strides = array<i32>} : memref<676x128xf32, #tpu.memory_space<vmem>>, vector<1x16xf32>,
        %add3A_1137 = arith.constant 7 : i32
        %add3A_1138 = arith.addi %add3A_676, %add3A_1137 : i32
        %swap3A_1139 = arith.index_cast %add3A_1138 : i32 to index
        %swap3A_1140 = arith.constant 112 : index
        %swap3A_1141 = tpu.vector_load %arg7[%swap3A_1139, %swap3A_1140] {strides = array<i32>} : memref<676x128xf32, #tpu.memory_space<vmem>>, vector<1x16xf32>,
        %swap3A_1142 = vector.shape_cast %swap3A_1141 : vector<1x16xf32> to vector<16xf32>
        %swap3A_1143 = vector.shape_cast %get3A_208 : vector<16xf32> to vector<1x16xf32>
        tpu.vector_store %arg7[%swap3A_1139, %swap3A_1140], %swap3A_1143 {strides = array<i32>} : memref<676x128xf32, #tpu.memory_space<vmem>>, vector<1x16xf32>,
        %add3A_1144 = arith.constant 8 : i32
        %add3A_1145 = arith.addi %add3A_676, %add3A_1144 : i32
        %swap3A_1146 = arith.index_cast %add3A_1145 : i32 to index
        %swap3A_1147 = arith.constant 0 : index
        %swap3A_1148 = tpu.vector_load %arg7[%swap3A_1146, %swap3A_1147] {strides = array<i32>} : memref<676x128xf32, #tpu.memory_space<vmem>>, vector<1x16xf32>,
        %swap3A_1149 = vector.shape_cast %swap3A_1148 : vector<1x16xf32> to vector<16xf32>
        %swap3A_1150 = vector.shape_cast %get3A_681 : vector<16xf32> to vector<1x16xf32>
        tpu.vector_store %arg7[%swap3A_1146, %swap3A_1147], %swap3A_1150 {strides = array<i32>} : memref<676x128xf32, #tpu.memory_space<vmem>>, vector<1x16xf32>,
        %add3A_1151 = arith.constant 8 : i32
        %add3A_1152 = arith.addi %add3A_676, %add3A_1151 : i32
        %swap3A_1153 = arith.index_cast %add3A_1152 : i32 to index
        %swap3A_1154 = arith.constant 16 : index
        %swap3A_1155 = tpu.vector_load %arg7[%swap3A_1153, %swap3A_1154] {strides = array<i32>} : memref<676x128xf32, #tpu.memory_space<vmem>>, vector<1x16xf32>,
        %swap3A_1156 = vector.shape_cast %swap3A_1155 : vector<1x16xf32> to vector<16xf32>
        %swap3A_1157 = vector.shape_cast %get3A_686 : vector<16xf32> to vector<1x16xf32>
        tpu.vector_store %arg7[%swap3A_1153, %swap3A_1154], %swap3A_1157 {strides = array<i32>} : memref<676x128xf32, #tpu.memory_space<vmem>>, vector<1x16xf32>,
        %add3A_1158 = arith.constant 8 : i32
        %add3A_1159 = arith.addi %add3A_676, %add3A_1158 : i32
        %swap3A_1160 = arith.index_cast %add3A_1159 : i32 to index
        %swap3A_1161 = arith.constant 32 : index
        %swap3A_1162 = tpu.vector_load %arg7[%swap3A_1160, %swap3A_1161] {strides = array<i32>} : memref<676x128xf32, #tpu.memory_space<vmem>>, vector<1x16xf32>,
        %swap3A_1163 = vector.shape_cast %swap3A_1162 : vector<1x16xf32> to vector<16xf32>
        %swap3A_1164 = vector.shape_cast %get3A_691 : vector<16xf32> to vector<1x16xf32>
        tpu.vector_store %arg7[%swap3A_1160, %swap3A_1161], %swap3A_1164 {strides = array<i32>} : memref<676x128xf32, #tpu.memory_space<vmem>>, vector<1x16xf32>,
        %add3A_1165 = arith.constant 8 : i32
        %add3A_1166 = arith.addi %add3A_676, %add3A_1165 : i32
        %swap3A_1167 = arith.index_cast %add3A_1166 : i32 to index
        %swap3A_1168 = arith.constant 48 : index
        %swap3A_1169 = tpu.vector_load %arg7[%swap3A_1167, %swap3A_1168] {strides = array<i32>} : memref<676x128xf32, #tpu.memory_space<vmem>>, vector<1x16xf32>,
        %swap3A_1170 = vector.shape_cast %swap3A_1169 : vector<1x16xf32> to vector<16xf32>
        %swap3A_1171 = vector.shape_cast %get3A_696 : vector<16xf32> to vector<1x16xf32>
        tpu.vector_store %arg7[%swap3A_1167, %swap3A_1168], %swap3A_1171 {strides = array<i32>} : memref<676x128xf32, #tpu.memory_space<vmem>>, vector<1x16xf32>,
        %add3A_1172 = arith.constant 8 : i32
        %add3A_1173 = arith.addi %add3A_676, %add3A_1172 : i32
        %swap3A_1174 = arith.index_cast %add3A_1173 : i32 to index
        %swap3A_1175 = arith.constant 64 : index
        %swap3A_1176 = tpu.vector_load %arg7[%swap3A_1174, %swap3A_1175] {strides = array<i32>} : memref<676x128xf32, #tpu.memory_space<vmem>>, vector<1x16xf32>,
        %swap3A_1177 = vector.shape_cast %swap3A_1176 : vector<1x16xf32> to vector<16xf32>
        %swap3A_1178 = vector.shape_cast %get3A_214 : vector<16xf32> to vector<1x16xf32>
        tpu.vector_store %arg7[%swap3A_1174, %swap3A_1175], %swap3A_1178 {strides = array<i32>} : memref<676x128xf32, #tpu.memory_space<vmem>>, vector<1x16xf32>,
        %add3A_1179 = arith.constant 8 : i32
        %add3A_1180 = arith.addi %add3A_676, %add3A_1179 : i32
        %swap3A_1181 = arith.index_cast %add3A_1180 : i32 to index
        %swap3A_1182 = arith.constant 80 : index
        %swap3A_1183 = tpu.vector_load %arg7[%swap3A_1181, %swap3A_1182] {strides = array<i32>} : memref<676x128xf32, #tpu.memory_space<vmem>>, vector<1x16xf32>,
        %swap3A_1184 = vector.shape_cast %swap3A_1183 : vector<1x16xf32> to vector<16xf32>
        %swap3A_1185 = vector.shape_cast %get3A_220 : vector<16xf32> to vector<1x16xf32>
        tpu.vector_store %arg7[%swap3A_1181, %swap3A_1182], %swap3A_1185 {strides = array<i32>} : memref<676x128xf32, #tpu.memory_space<vmem>>, vector<1x16xf32>,
        %add3A_1186 = arith.constant 8 : i32
        %add3A_1187 = arith.addi %add3A_676, %add3A_1186 : i32
        %swap3A_1188 = arith.index_cast %add3A_1187 : i32 to index
        %swap3A_1189 = arith.constant 96 : index
        %swap3A_1190 = tpu.vector_load %arg7[%swap3A_1188, %swap3A_1189] {strides = array<i32>} : memref<676x128xf32, #tpu.memory_space<vmem>>, vector<1x16xf32>,
        %swap3A_1191 = vector.shape_cast %swap3A_1190 : vector<1x16xf32> to vector<16xf32>
        %swap3A_1192 = vector.shape_cast %get3A_226 : vector<16xf32> to vector<1x16xf32>
        tpu.vector_store %arg7[%swap3A_1188, %swap3A_1189], %swap3A_1192 {strides = array<i32>} : memref<676x128xf32, #tpu.memory_space<vmem>>, vector<1x16xf32>,
        %add3A_1193 = arith.constant 8 : i32
        %add3A_1194 = arith.addi %add3A_676, %add3A_1193 : i32
        %swap3A_1195 = arith.index_cast %add3A_1194 : i32 to index
        %swap3A_1196 = arith.constant 112 : index
        %swap3A_1197 = tpu.vector_load %arg7[%swap3A_1195, %swap3A_1196] {strides = array<i32>} : memref<676x128xf32, #tpu.memory_space<vmem>>, vector<1x16xf32>,
        %swap3A_1198 = vector.shape_cast %swap3A_1197 : vector<1x16xf32> to vector<16xf32>
        %swap3A_1199 = vector.shape_cast %get3A_232 : vector<16xf32> to vector<1x16xf32>
        tpu.vector_store %arg7[%swap3A_1195, %swap3A_1196], %swap3A_1199 {strides = array<i32>} : memref<676x128xf32, #tpu.memory_space<vmem>>, vector<1x16xf32>,
        %add3A_1200 = arith.constant 9 : i32
        %add3A_1201 = arith.addi %add3A_676, %add3A_1200 : i32
        %swap3A_1202 = arith.index_cast %add3A_1201 : i32 to index
        %swap3A_1203 = arith.constant 0 : index
        %swap3A_1204 = tpu.vector_load %arg7[%swap3A_1202, %swap3A_1203] {strides = array<i32>} : memref<676x128xf32, #tpu.memory_space<vmem>>, vector<1x16xf32>,
        %swap3A_1205 = vector.shape_cast %swap3A_1204 : vector<1x16xf32> to vector<16xf32>
        %swap3A_1206 = vector.shape_cast %get3A_681 : vector<16xf32> to vector<1x16xf32>
        tpu.vector_store %arg7[%swap3A_1202, %swap3A_1203], %swap3A_1206 {strides = array<i32>} : memref<676x128xf32, #tpu.memory_space<vmem>>, vector<1x16xf32>,
        %add3A_1207 = arith.constant 9 : i32
        %add3A_1208 = arith.addi %add3A_676, %add3A_1207 : i32
        %swap3A_1209 = arith.index_cast %add3A_1208 : i32 to index
        %swap3A_1210 = arith.constant 16 : index
        %swap3A_1211 = tpu.vector_load %arg7[%swap3A_1209, %swap3A_1210] {strides = array<i32>} : memref<676x128xf32, #tpu.memory_space<vmem>>, vector<1x16xf32>,
        %swap3A_1212 = vector.shape_cast %swap3A_1211 : vector<1x16xf32> to vector<16xf32>
        %swap3A_1213 = vector.shape_cast %get3A_686 : vector<16xf32> to vector<1x16xf32>
        tpu.vector_store %arg7[%swap3A_1209, %swap3A_1210], %swap3A_1213 {strides = array<i32>} : memref<676x128xf32, #tpu.memory_space<vmem>>, vector<1x16xf32>,
        %add3A_1214 = arith.constant 9 : i32
        %add3A_1215 = arith.addi %add3A_676, %add3A_1214 : i32
        %swap3A_1216 = arith.index_cast %add3A_1215 : i32 to index
        %swap3A_1217 = arith.constant 32 : index
        %swap3A_1218 = tpu.vector_load %arg7[%swap3A_1216, %swap3A_1217] {strides = array<i32>} : memref<676x128xf32, #tpu.memory_space<vmem>>, vector<1x16xf32>,
        %swap3A_1219 = vector.shape_cast %swap3A_1218 : vector<1x16xf32> to vector<16xf32>
        %swap3A_1220 = vector.shape_cast %get3A_691 : vector<16xf32> to vector<1x16xf32>
        tpu.vector_store %arg7[%swap3A_1216, %swap3A_1217], %swap3A_1220 {strides = array<i32>} : memref<676x128xf32, #tpu.memory_space<vmem>>, vector<1x16xf32>,
        %add3A_1221 = arith.constant 9 : i32
        %add3A_1222 = arith.addi %add3A_676, %add3A_1221 : i32
        %swap3A_1223 = arith.index_cast %add3A_1222 : i32 to index
        %swap3A_1224 = arith.constant 48 : index
        %swap3A_1225 = tpu.vector_load %arg7[%swap3A_1223, %swap3A_1224] {strides = array<i32>} : memref<676x128xf32, #tpu.memory_space<vmem>>, vector<1x16xf32>,
        %swap3A_1226 = vector.shape_cast %swap3A_1225 : vector<1x16xf32> to vector<16xf32>
        %swap3A_1227 = vector.shape_cast %get3A_696 : vector<16xf32> to vector<1x16xf32>
        tpu.vector_store %arg7[%swap3A_1223, %swap3A_1224], %swap3A_1227 {strides = array<i32>} : memref<676x128xf32, #tpu.memory_space<vmem>>, vector<1x16xf32>,
        %add3A_1228 = arith.constant 9 : i32
        %add3A_1229 = arith.addi %add3A_676, %add3A_1228 : i32
        %swap3A_1230 = arith.index_cast %add3A_1229 : i32 to index
        %swap3A_1231 = arith.constant 64 : index
        %swap3A_1232 = tpu.vector_load %arg7[%swap3A_1230, %swap3A_1231] {strides = array<i32>} : memref<676x128xf32, #tpu.memory_space<vmem>>, vector<1x16xf32>,
        %swap3A_1233 = vector.shape_cast %swap3A_1232 : vector<1x16xf32> to vector<16xf32>
        %swap3A_1234 = vector.shape_cast %get3A_238 : vector<16xf32> to vector<1x16xf32>
        tpu.vector_store %arg7[%swap3A_1230, %swap3A_1231], %swap3A_1234 {strides = array<i32>} : memref<676x128xf32, #tpu.memory_space<vmem>>, vector<1x16xf32>,
        %add3A_1235 = arith.constant 9 : i32
        %add3A_1236 = arith.addi %add3A_676, %add3A_1235 : i32
        %swap3A_1237 = arith.index_cast %add3A_1236 : i32 to index
        %swap3A_1238 = arith.constant 80 : index
        %swap3A_1239 = tpu.vector_load %arg7[%swap3A_1237, %swap3A_1238] {strides = array<i32>} : memref<676x128xf32, #tpu.memory_space<vmem>>, vector<1x16xf32>,
        %swap3A_1240 = vector.shape_cast %swap3A_1239 : vector<1x16xf32> to vector<16xf32>
        %swap3A_1241 = vector.shape_cast %get3A_244 : vector<16xf32> to vector<1x16xf32>
        tpu.vector_store %arg7[%swap3A_1237, %swap3A_1238], %swap3A_1241 {strides = array<i32>} : memref<676x128xf32, #tpu.memory_space<vmem>>, vector<1x16xf32>,
        %add3A_1242 = arith.constant 9 : i32
        %add3A_1243 = arith.addi %add3A_676, %add3A_1242 : i32
        %swap3A_1244 = arith.index_cast %add3A_1243 : i32 to index
        %swap3A_1245 = arith.constant 96 : index
        %swap3A_1246 = tpu.vector_load %arg7[%swap3A_1244, %swap3A_1245] {strides = array<i32>} : memref<676x128xf32, #tpu.memory_space<vmem>>, vector<1x16xf32>,
        %swap3A_1247 = vector.shape_cast %swap3A_1246 : vector<1x16xf32> to vector<16xf32>
        %swap3A_1248 = vector.shape_cast %get3A_250 : vector<16xf32> to vector<1x16xf32>
        tpu.vector_store %arg7[%swap3A_1244, %swap3A_1245], %swap3A_1248 {strides = array<i32>} : memref<676x128xf32, #tpu.memory_space<vmem>>, vector<1x16xf32>,
        %add3A_1249 = arith.constant 9 : i32
        %add3A_1250 = arith.addi %add3A_676, %add3A_1249 : i32
        %swap3A_1251 = arith.index_cast %add3A_1250 : i32 to index
        %swap3A_1252 = arith.constant 112 : index
        %swap3A_1253 = tpu.vector_load %arg7[%swap3A_1251, %swap3A_1252] {strides = array<i32>} : memref<676x128xf32, #tpu.memory_space<vmem>>, vector<1x16xf32>,
        %swap3A_1254 = vector.shape_cast %swap3A_1253 : vector<1x16xf32> to vector<16xf32>
        %swap3A_1255 = vector.shape_cast %get3A_256 : vector<16xf32> to vector<1x16xf32>
        tpu.vector_store %arg7[%swap3A_1251, %swap3A_1252], %swap3A_1255 {strides = array<i32>} : memref<676x128xf32, #tpu.memory_space<vmem>>, vector<1x16xf32>,
        %add3A_1256 = arith.constant 10 : i32
        %add3A_1257 = arith.addi %add3A_676, %add3A_1256 : i32
        %swap3A_1258 = arith.index_cast %add3A_1257 : i32 to index
        %swap3A_1259 = arith.constant 0 : index
        %swap3A_1260 = tpu.vector_load %arg7[%swap3A_1258, %swap3A_1259] {strides = array<i32>} : memref<676x128xf32, #tpu.memory_space<vmem>>, vector<1x16xf32>,
        %swap3A_1261 = vector.shape_cast %swap3A_1260 : vector<1x16xf32> to vector<16xf32>
        %swap3A_1262 = vector.shape_cast %get3A_681 : vector<16xf32> to vector<1x16xf32>
        tpu.vector_store %arg7[%swap3A_1258, %swap3A_1259], %swap3A_1262 {strides = array<i32>} : memref<676x128xf32, #tpu.memory_space<vmem>>, vector<1x16xf32>,
        %add3A_1263 = arith.constant 10 : i32
        %add3A_1264 = arith.addi %add3A_676, %add3A_1263 : i32
        %swap3A_1265 = arith.index_cast %add3A_1264 : i32 to index
        %swap3A_1266 = arith.constant 16 : index
        %swap3A_1267 = tpu.vector_load %arg7[%swap3A_1265, %swap3A_1266] {strides = array<i32>} : memref<676x128xf32, #tpu.memory_space<vmem>>, vector<1x16xf32>,
        %swap3A_1268 = vector.shape_cast %swap3A_1267 : vector<1x16xf32> to vector<16xf32>
        %swap3A_1269 = vector.shape_cast %get3A_686 : vector<16xf32> to vector<1x16xf32>
        tpu.vector_store %arg7[%swap3A_1265, %swap3A_1266], %swap3A_1269 {strides = array<i32>} : memref<676x128xf32, #tpu.memory_space<vmem>>, vector<1x16xf32>,
        %add3A_1270 = arith.constant 10 : i32
        %add3A_1271 = arith.addi %add3A_676, %add3A_1270 : i32
        %swap3A_1272 = arith.index_cast %add3A_1271 : i32 to index
        %swap3A_1273 = arith.constant 32 : index
        %swap3A_1274 = tpu.vector_load %arg7[%swap3A_1272, %swap3A_1273] {strides = array<i32>} : memref<676x128xf32, #tpu.memory_space<vmem>>, vector<1x16xf32>,
        %swap3A_1275 = vector.shape_cast %swap3A_1274 : vector<1x16xf32> to vector<16xf32>
        %swap3A_1276 = vector.shape_cast %get3A_691 : vector<16xf32> to vector<1x16xf32>
        tpu.vector_store %arg7[%swap3A_1272, %swap3A_1273], %swap3A_1276 {strides = array<i32>} : memref<676x128xf32, #tpu.memory_space<vmem>>, vector<1x16xf32>,
        %add3A_1277 = arith.constant 10 : i32
        %add3A_1278 = arith.addi %add3A_676, %add3A_1277 : i32
        %swap3A_1279 = arith.index_cast %add3A_1278 : i32 to index
        %swap3A_1280 = arith.constant 48 : index
        %swap3A_1281 = tpu.vector_load %arg7[%swap3A_1279, %swap3A_1280] {strides = array<i32>} : memref<676x128xf32, #tpu.memory_space<vmem>>, vector<1x16xf32>,
        %swap3A_1282 = vector.shape_cast %swap3A_1281 : vector<1x16xf32> to vector<16xf32>
        %swap3A_1283 = vector.shape_cast %get3A_696 : vector<16xf32> to vector<1x16xf32>
        tpu.vector_store %arg7[%swap3A_1279, %swap3A_1280], %swap3A_1283 {strides = array<i32>} : memref<676x128xf32, #tpu.memory_space<vmem>>, vector<1x16xf32>,
        %add3A_1284 = arith.constant 10 : i32
        %add3A_1285 = arith.addi %add3A_676, %add3A_1284 : i32
        %swap3A_1286 = arith.index_cast %add3A_1285 : i32 to index
        %swap3A_1287 = arith.constant 64 : index
        %swap3A_1288 = tpu.vector_load %arg7[%swap3A_1286, %swap3A_1287] {strides = array<i32>} : memref<676x128xf32, #tpu.memory_space<vmem>>, vector<1x16xf32>,
        %swap3A_1289 = vector.shape_cast %swap3A_1288 : vector<1x16xf32> to vector<16xf32>
        %swap3A_1290 = vector.shape_cast %get3A_262 : vector<16xf32> to vector<1x16xf32>
        tpu.vector_store %arg7[%swap3A_1286, %swap3A_1287], %swap3A_1290 {strides = array<i32>} : memref<676x128xf32, #tpu.memory_space<vmem>>, vector<1x16xf32>,
        %add3A_1291 = arith.constant 10 : i32
        %add3A_1292 = arith.addi %add3A_676, %add3A_1291 : i32
        %swap3A_1293 = arith.index_cast %add3A_1292 : i32 to index
        %swap3A_1294 = arith.constant 80 : index
        %swap3A_1295 = tpu.vector_load %arg7[%swap3A_1293, %swap3A_1294] {strides = array<i32>} : memref<676x128xf32, #tpu.memory_space<vmem>>, vector<1x16xf32>,
        %swap3A_1296 = vector.shape_cast %swap3A_1295 : vector<1x16xf32> to vector<16xf32>
        %swap3A_1297 = vector.shape_cast %get3A_268 : vector<16xf32> to vector<1x16xf32>
        tpu.vector_store %arg7[%swap3A_1293, %swap3A_1294], %swap3A_1297 {strides = array<i32>} : memref<676x128xf32, #tpu.memory_space<vmem>>, vector<1x16xf32>,
        %add3A_1298 = arith.constant 10 : i32
        %add3A_1299 = arith.addi %add3A_676, %add3A_1298 : i32
        %swap3A_1300 = arith.index_cast %add3A_1299 : i32 to index
        %swap3A_1301 = arith.constant 96 : index
        %swap3A_1302 = tpu.vector_load %arg7[%swap3A_1300, %swap3A_1301] {strides = array<i32>} : memref<676x128xf32, #tpu.memory_space<vmem>>, vector<1x16xf32>,
        %swap3A_1303 = vector.shape_cast %swap3A_1302 : vector<1x16xf32> to vector<16xf32>
        %swap3A_1304 = vector.shape_cast %get3A_274 : vector<16xf32> to vector<1x16xf32>
        tpu.vector_store %arg7[%swap3A_1300, %swap3A_1301], %swap3A_1304 {strides = array<i32>} : memref<676x128xf32, #tpu.memory_space<vmem>>, vector<1x16xf32>,
        %add3A_1305 = arith.constant 10 : i32
        %add3A_1306 = arith.addi %add3A_676, %add3A_1305 : i32
        %swap3A_1307 = arith.index_cast %add3A_1306 : i32 to index
        %swap3A_1308 = arith.constant 112 : index
        %swap3A_1309 = tpu.vector_load %arg7[%swap3A_1307, %swap3A_1308] {strides = array<i32>} : memref<676x128xf32, #tpu.memory_space<vmem>>, vector<1x16xf32>,
        %swap3A_1310 = vector.shape_cast %swap3A_1309 : vector<1x16xf32> to vector<16xf32>
        %swap3A_1311 = vector.shape_cast %get3A_280 : vector<16xf32> to vector<1x16xf32>
        tpu.vector_store %arg7[%swap3A_1307, %swap3A_1308], %swap3A_1311 {strides = array<i32>} : memref<676x128xf32, #tpu.memory_space<vmem>>, vector<1x16xf32>,
        %add3A_1312 = arith.constant 11 : i32
        %add3A_1313 = arith.addi %add3A_676, %add3A_1312 : i32
        %swap3A_1314 = arith.index_cast %add3A_1313 : i32 to index
        %swap3A_1315 = arith.constant 0 : index
        %swap3A_1316 = tpu.vector_load %arg7[%swap3A_1314, %swap3A_1315] {strides = array<i32>} : memref<676x128xf32, #tpu.memory_space<vmem>>, vector<1x16xf32>,
        %swap3A_1317 = vector.shape_cast %swap3A_1316 : vector<1x16xf32> to vector<16xf32>
        %swap3A_1318 = vector.shape_cast %get3A_681 : vector<16xf32> to vector<1x16xf32>
        tpu.vector_store %arg7[%swap3A_1314, %swap3A_1315], %swap3A_1318 {strides = array<i32>} : memref<676x128xf32, #tpu.memory_space<vmem>>, vector<1x16xf32>,
        %add3A_1319 = arith.constant 11 : i32
        %add3A_1320 = arith.addi %add3A_676, %add3A_1319 : i32
        %swap3A_1321 = arith.index_cast %add3A_1320 : i32 to index
        %swap3A_1322 = arith.constant 16 : index
        %swap3A_1323 = tpu.vector_load %arg7[%swap3A_1321, %swap3A_1322] {strides = array<i32>} : memref<676x128xf32, #tpu.memory_space<vmem>>, vector<1x16xf32>,
        %swap3A_1324 = vector.shape_cast %swap3A_1323 : vector<1x16xf32> to vector<16xf32>
        %swap3A_1325 = vector.shape_cast %get3A_686 : vector<16xf32> to vector<1x16xf32>
        tpu.vector_store %arg7[%swap3A_1321, %swap3A_1322], %swap3A_1325 {strides = array<i32>} : memref<676x128xf32, #tpu.memory_space<vmem>>, vector<1x16xf32>,
        %add3A_1326 = arith.constant 11 : i32
        %add3A_1327 = arith.addi %add3A_676, %add3A_1326 : i32
        %swap3A_1328 = arith.index_cast %add3A_1327 : i32 to index
        %swap3A_1329 = arith.constant 32 : index
        %swap3A_1330 = tpu.vector_load %arg7[%swap3A_1328, %swap3A_1329] {strides = array<i32>} : memref<676x128xf32, #tpu.memory_space<vmem>>, vector<1x16xf32>,
        %swap3A_1331 = vector.shape_cast %swap3A_1330 : vector<1x16xf32> to vector<16xf32>
        %swap3A_1332 = vector.shape_cast %get3A_691 : vector<16xf32> to vector<1x16xf32>
        tpu.vector_store %arg7[%swap3A_1328, %swap3A_1329], %swap3A_1332 {strides = array<i32>} : memref<676x128xf32, #tpu.memory_space<vmem>>, vector<1x16xf32>,
        %add3A_1333 = arith.constant 11 : i32
        %add3A_1334 = arith.addi %add3A_676, %add3A_1333 : i32
        %swap3A_1335 = arith.index_cast %add3A_1334 : i32 to index
        %swap3A_1336 = arith.constant 48 : index
        %swap3A_1337 = tpu.vector_load %arg7[%swap3A_1335, %swap3A_1336] {strides = array<i32>} : memref<676x128xf32, #tpu.memory_space<vmem>>, vector<1x16xf32>,
        %swap3A_1338 = vector.shape_cast %swap3A_1337 : vector<1x16xf32> to vector<16xf32>
        %swap3A_1339 = vector.shape_cast %get3A_696 : vector<16xf32> to vector<1x16xf32>
        tpu.vector_store %arg7[%swap3A_1335, %swap3A_1336], %swap3A_1339 {strides = array<i32>} : memref<676x128xf32, #tpu.memory_space<vmem>>, vector<1x16xf32>,
        %add3A_1340 = arith.constant 11 : i32
        %add3A_1341 = arith.addi %add3A_676, %add3A_1340 : i32
        %swap3A_1342 = arith.index_cast %add3A_1341 : i32 to index
        %swap3A_1343 = arith.constant 64 : index
        %swap3A_1344 = tpu.vector_load %arg7[%swap3A_1342, %swap3A_1343] {strides = array<i32>} : memref<676x128xf32, #tpu.memory_space<vmem>>, vector<1x16xf32>,
        %swap3A_1345 = vector.shape_cast %swap3A_1344 : vector<1x16xf32> to vector<16xf32>
        %swap3A_1346 = vector.shape_cast %get3A_286 : vector<16xf32> to vector<1x16xf32>
        tpu.vector_store %arg7[%swap3A_1342, %swap3A_1343], %swap3A_1346 {strides = array<i32>} : memref<676x128xf32, #tpu.memory_space<vmem>>, vector<1x16xf32>,
        %add3A_1347 = arith.constant 11 : i32
        %add3A_1348 = arith.addi %add3A_676, %add3A_1347 : i32
        %swap3A_1349 = arith.index_cast %add3A_1348 : i32 to index
        %swap3A_1350 = arith.constant 80 : index
        %swap3A_1351 = tpu.vector_load %arg7[%swap3A_1349, %swap3A_1350] {strides = array<i32>} : memref<676x128xf32, #tpu.memory_space<vmem>>, vector<1x16xf32>,
        %swap3A_1352 = vector.shape_cast %swap3A_1351 : vector<1x16xf32> to vector<16xf32>
        %swap3A_1353 = vector.shape_cast %get3A_292 : vector<16xf32> to vector<1x16xf32>
        tpu.vector_store %arg7[%swap3A_1349, %swap3A_1350], %swap3A_1353 {strides = array<i32>} : memref<676x128xf32, #tpu.memory_space<vmem>>, vector<1x16xf32>,
        %add3A_1354 = arith.constant 11 : i32
        %add3A_1355 = arith.addi %add3A_676, %add3A_1354 : i32
        %swap3A_1356 = arith.index_cast %add3A_1355 : i32 to index
        %swap3A_1357 = arith.constant 96 : index
        %swap3A_1358 = tpu.vector_load %arg7[%swap3A_1356, %swap3A_1357] {strides = array<i32>} : memref<676x128xf32, #tpu.memory_space<vmem>>, vector<1x16xf32>,
        %swap3A_1359 = vector.shape_cast %swap3A_1358 : vector<1x16xf32> to vector<16xf32>
        %swap3A_1360 = vector.shape_cast %get3A_298 : vector<16xf32> to vector<1x16xf32>
        tpu.vector_store %arg7[%swap3A_1356, %swap3A_1357], %swap3A_1360 {strides = array<i32>} : memref<676x128xf32, #tpu.memory_space<vmem>>, vector<1x16xf32>,
        %add3A_1361 = arith.constant 11 : i32
        %add3A_1362 = arith.addi %add3A_676, %add3A_1361 : i32
        %swap3A_1363 = arith.index_cast %add3A_1362 : i32 to index
        %swap3A_1364 = arith.constant 112 : index
        %swap3A_1365 = tpu.vector_load %arg7[%swap3A_1363, %swap3A_1364] {strides = array<i32>} : memref<676x128xf32, #tpu.memory_space<vmem>>, vector<1x16xf32>,
        %swap3A_1366 = vector.shape_cast %swap3A_1365 : vector<1x16xf32> to vector<16xf32>
        %swap3A_1367 = vector.shape_cast %get3A_304 : vector<16xf32> to vector<1x16xf32>
        tpu.vector_store %arg7[%swap3A_1363, %swap3A_1364], %swap3A_1367 {strides = array<i32>} : memref<676x128xf32, #tpu.memory_space<vmem>>, vector<1x16xf32>,
        %add3A_1368 = arith.constant 12 : i32
        %add3A_1369 = arith.addi %add3A_676, %add3A_1368 : i32
        %swap3A_1370 = arith.index_cast %add3A_1369 : i32 to index
        %swap3A_1371 = arith.constant 0 : index
        %swap3A_1372 = tpu.vector_load %arg7[%swap3A_1370, %swap3A_1371] {strides = array<i32>} : memref<676x128xf32, #tpu.memory_space<vmem>>, vector<1x16xf32>,
        %swap3A_1373 = vector.shape_cast %swap3A_1372 : vector<1x16xf32> to vector<16xf32>
        %swap3A_1374 = vector.shape_cast %get3A_681 : vector<16xf32> to vector<1x16xf32>
        tpu.vector_store %arg7[%swap3A_1370, %swap3A_1371], %swap3A_1374 {strides = array<i32>} : memref<676x128xf32, #tpu.memory_space<vmem>>, vector<1x16xf32>,
        %add3A_1375 = arith.constant 12 : i32
        %add3A_1376 = arith.addi %add3A_676, %add3A_1375 : i32
        %swap3A_1377 = arith.index_cast %add3A_1376 : i32 to index
        %swap3A_1378 = arith.constant 16 : index
        %swap3A_1379 = tpu.vector_load %arg7[%swap3A_1377, %swap3A_1378] {strides = array<i32>} : memref<676x128xf32, #tpu.memory_space<vmem>>, vector<1x16xf32>,
        %swap3A_1380 = vector.shape_cast %swap3A_1379 : vector<1x16xf32> to vector<16xf32>
        %swap3A_1381 = vector.shape_cast %get3A_686 : vector<16xf32> to vector<1x16xf32>
        tpu.vector_store %arg7[%swap3A_1377, %swap3A_1378], %swap3A_1381 {strides = array<i32>} : memref<676x128xf32, #tpu.memory_space<vmem>>, vector<1x16xf32>,
        %add3A_1382 = arith.constant 12 : i32
        %add3A_1383 = arith.addi %add3A_676, %add3A_1382 : i32
        %swap3A_1384 = arith.index_cast %add3A_1383 : i32 to index
        %swap3A_1385 = arith.constant 32 : index
        %swap3A_1386 = tpu.vector_load %arg7[%swap3A_1384, %swap3A_1385] {strides = array<i32>} : memref<676x128xf32, #tpu.memory_space<vmem>>, vector<1x16xf32>,
        %swap3A_1387 = vector.shape_cast %swap3A_1386 : vector<1x16xf32> to vector<16xf32>
        %swap3A_1388 = vector.shape_cast %get3A_691 : vector<16xf32> to vector<1x16xf32>
        tpu.vector_store %arg7[%swap3A_1384, %swap3A_1385], %swap3A_1388 {strides = array<i32>} : memref<676x128xf32, #tpu.memory_space<vmem>>, vector<1x16xf32>,
        %add3A_1389 = arith.constant 12 : i32
        %add3A_1390 = arith.addi %add3A_676, %add3A_1389 : i32
        %swap3A_1391 = arith.index_cast %add3A_1390 : i32 to index
        %swap3A_1392 = arith.constant 48 : index
        %swap3A_1393 = tpu.vector_load %arg7[%swap3A_1391, %swap3A_1392] {strides = array<i32>} : memref<676x128xf32, #tpu.memory_space<vmem>>, vector<1x16xf32>,
        %swap3A_1394 = vector.shape_cast %swap3A_1393 : vector<1x16xf32> to vector<16xf32>
        %swap3A_1395 = vector.shape_cast %get3A_696 : vector<16xf32> to vector<1x16xf32>
        tpu.vector_store %arg7[%swap3A_1391, %swap3A_1392], %swap3A_1395 {strides = array<i32>} : memref<676x128xf32, #tpu.memory_space<vmem>>, vector<1x16xf32>,
        %add3A_1396 = arith.constant 12 : i32
        %add3A_1397 = arith.addi %add3A_676, %add3A_1396 : i32
        %swap3A_1398 = arith.index_cast %add3A_1397 : i32 to index
        %swap3A_1399 = arith.constant 64 : index
        %swap3A_1400 = tpu.vector_load %arg7[%swap3A_1398, %swap3A_1399] {strides = array<i32>} : memref<676x128xf32, #tpu.memory_space<vmem>>, vector<1x16xf32>,
        %swap3A_1401 = vector.shape_cast %swap3A_1400 : vector<1x16xf32> to vector<16xf32>
        %swap3A_1402 = vector.shape_cast %get3A_310 : vector<16xf32> to vector<1x16xf32>
        tpu.vector_store %arg7[%swap3A_1398, %swap3A_1399], %swap3A_1402 {strides = array<i32>} : memref<676x128xf32, #tpu.memory_space<vmem>>, vector<1x16xf32>,
        %add3A_1403 = arith.constant 12 : i32
        %add3A_1404 = arith.addi %add3A_676, %add3A_1403 : i32
        %swap3A_1405 = arith.index_cast %add3A_1404 : i32 to index
        %swap3A_1406 = arith.constant 80 : index
        %swap3A_1407 = tpu.vector_load %arg7[%swap3A_1405, %swap3A_1406] {strides = array<i32>} : memref<676x128xf32, #tpu.memory_space<vmem>>, vector<1x16xf32>,
        %swap3A_1408 = vector.shape_cast %swap3A_1407 : vector<1x16xf32> to vector<16xf32>
        %swap3A_1409 = vector.shape_cast %get3A_316 : vector<16xf32> to vector<1x16xf32>
        tpu.vector_store %arg7[%swap3A_1405, %swap3A_1406], %swap3A_1409 {strides = array<i32>} : memref<676x128xf32, #tpu.memory_space<vmem>>, vector<1x16xf32>,
        %add3A_1410 = arith.constant 12 : i32
        %add3A_1411 = arith.addi %add3A_676, %add3A_1410 : i32
        %swap3A_1412 = arith.index_cast %add3A_1411 : i32 to index
        %swap3A_1413 = arith.constant 96 : index
        %swap3A_1414 = tpu.vector_load %arg7[%swap3A_1412, %swap3A_1413] {strides = array<i32>} : memref<676x128xf32, #tpu.memory_space<vmem>>, vector<1x16xf32>,
        %swap3A_1415 = vector.shape_cast %swap3A_1414 : vector<1x16xf32> to vector<16xf32>
        %swap3A_1416 = vector.shape_cast %get3A_322 : vector<16xf32> to vector<1x16xf32>
        tpu.vector_store %arg7[%swap3A_1412, %swap3A_1413], %swap3A_1416 {strides = array<i32>} : memref<676x128xf32, #tpu.memory_space<vmem>>, vector<1x16xf32>,
        %add3A_1417 = arith.constant 12 : i32
        %add3A_1418 = arith.addi %add3A_676, %add3A_1417 : i32
        %swap3A_1419 = arith.index_cast %add3A_1418 : i32 to index
        %swap3A_1420 = arith.constant 112 : index
        %swap3A_1421 = tpu.vector_load %arg7[%swap3A_1419, %swap3A_1420] {strides = array<i32>} : memref<676x128xf32, #tpu.memory_space<vmem>>, vector<1x16xf32>,
        %swap3A_1422 = vector.shape_cast %swap3A_1421 : vector<1x16xf32> to vector<16xf32>
        %swap3A_1423 = vector.shape_cast %get3A_328 : vector<16xf32> to vector<1x16xf32>
        tpu.vector_store %arg7[%swap3A_1419, %swap3A_1420], %swap3A_1423 {strides = array<i32>} : memref<676x128xf32, #tpu.memory_space<vmem>>, vector<1x16xf32>,
      }
      %scan3A_333 = arith.constant 26 : i32
      %get3A_334 = arith.constant 13 : i32
      %get3A_335 = arith.index_cast %rem3A_9 : i32 to index
      %get3A_336 = arith.index_cast %get3A_334 : i32 to index
      %get3A_337 = arith.constant 0 : index
      %get3A_338 = tpu.vector_load %arg6[%get3A_335, %get3A_336, %get3A_337] {strides = array<i32>} : memref<4x26x64xf32, #tpu.memory_space<vmem>>, vector<1x1x16xf32>,
      %get3A_339 = vector.shape_cast %get3A_338 : vector<1x1x16xf32> to vector<16xf32>
      %get3A_340 = arith.constant 13 : i32
      %get3A_341 = arith.index_cast %rem3A_9 : i32 to index
      %get3A_342 = arith.index_cast %get3A_340 : i32 to index
      %get3A_343 = arith.constant 16 : index
      %get3A_344 = tpu.vector_load %arg6[%get3A_341, %get3A_342, %get3A_343] {strides = array<i32>} : memref<4x26x64xf32, #tpu.memory_space<vmem>>, vector<1x1x16xf32>,
      %get3A_345 = vector.shape_cast %get3A_344 : vector<1x1x16xf32> to vector<16xf32>
      %get3A_346 = arith.constant 13 : i32
      %get3A_347 = arith.index_cast %rem3A_9 : i32 to index
      %get3A_348 = arith.index_cast %get3A_346 : i32 to index
      %get3A_349 = arith.constant 32 : index
      %get3A_350 = tpu.vector_load %arg6[%get3A_347, %get3A_348, %get3A_349] {strides = array<i32>} : memref<4x26x64xf32, #tpu.memory_space<vmem>>, vector<1x1x16xf32>,
      %get3A_351 = vector.shape_cast %get3A_350 : vector<1x1x16xf32> to vector<16xf32>
      %get3A_352 = arith.constant 13 : i32
      %get3A_353 = arith.index_cast %rem3A_9 : i32 to index
      %get3A_354 = arith.index_cast %get3A_352 : i32 to index
      %get3A_355 = arith.constant 48 : index
      %get3A_356 = tpu.vector_load %arg6[%get3A_353, %get3A_354, %get3A_355] {strides = array<i32>} : memref<4x26x64xf32, #tpu.memory_space<vmem>>, vector<1x1x16xf32>,
      %get3A_357 = vector.shape_cast %get3A_356 : vector<1x1x16xf32> to vector<16xf32>
      %get3A_358 = arith.constant 14 : i32
      %get3A_359 = arith.index_cast %rem3A_9 : i32 to index
      %get3A_360 = arith.index_cast %get3A_358 : i32 to index
      %get3A_361 = arith.constant 0 : index
      %get3A_362 = tpu.vector_load %arg6[%get3A_359, %get3A_360, %get3A_361] {strides = array<i32>} : memref<4x26x64xf32, #tpu.memory_space<vmem>>, vector<1x1x16xf32>,
      %get3A_363 = vector.shape_cast %get3A_362 : vector<1x1x16xf32> to vector<16xf32>
      %get3A_364 = arith.constant 14 : i32
      %get3A_365 = arith.index_cast %rem3A_9 : i32 to index
      %get3A_366 = arith.index_cast %get3A_364 : i32 to index
      %get3A_367 = arith.constant 16 : index
      %get3A_368 = tpu.vector_load %arg6[%get3A_365, %get3A_366, %get3A_367] {strides = array<i32>} : memref<4x26x64xf32, #tpu.memory_space<vmem>>, vector<1x1x16xf32>,
      %get3A_369 = vector.shape_cast %get3A_368 : vector<1x1x16xf32> to vector<16xf32>
      %get3A_370 = arith.constant 14 : i32
      %get3A_371 = arith.index_cast %rem3A_9 : i32 to index
      %get3A_372 = arith.index_cast %get3A_370 : i32 to index
      %get3A_373 = arith.constant 32 : index
      %get3A_374 = tpu.vector_load %arg6[%get3A_371, %get3A_372, %get3A_373] {strides = array<i32>} : memref<4x26x64xf32, #tpu.memory_space<vmem>>, vector<1x1x16xf32>,
      %get3A_375 = vector.shape_cast %get3A_374 : vector<1x1x16xf32> to vector<16xf32>
      %get3A_376 = arith.constant 14 : i32
      %get3A_377 = arith.index_cast %rem3A_9 : i32 to index
      %get3A_378 = arith.index_cast %get3A_376 : i32 to index
      %get3A_379 = arith.constant 48 : index
      %get3A_380 = tpu.vector_load %arg6[%get3A_377, %get3A_378, %get3A_379] {strides = array<i32>} : memref<4x26x64xf32, #tpu.memory_space<vmem>>, vector<1x1x16xf32>,
      %get3A_381 = vector.shape_cast %get3A_380 : vector<1x1x16xf32> to vector<16xf32>
      %get3A_382 = arith.constant 15 : i32
      %get3A_383 = arith.index_cast %rem3A_9 : i32 to index
      %get3A_384 = arith.index_cast %get3A_382 : i32 to index
      %get3A_385 = arith.constant 0 : index
      %get3A_386 = tpu.vector_load %arg6[%get3A_383, %get3A_384, %get3A_385] {strides = array<i32>} : memref<4x26x64xf32, #tpu.memory_space<vmem>>, vector<1x1x16xf32>,
      %get3A_387 = vector.shape_cast %get3A_386 : vector<1x1x16xf32> to vector<16xf32>
      %get3A_388 = arith.constant 15 : i32
      %get3A_389 = arith.index_cast %rem3A_9 : i32 to index
      %get3A_390 = arith.index_cast %get3A_388 : i32 to index
      %get3A_391 = arith.constant 16 : index
      %get3A_392 = tpu.vector_load %arg6[%get3A_389, %get3A_390, %get3A_391] {strides = array<i32>} : memref<4x26x64xf32, #tpu.memory_space<vmem>>, vector<1x1x16xf32>,
      %get3A_393 = vector.shape_cast %get3A_392 : vector<1x1x16xf32> to vector<16xf32>
      %get3A_394 = arith.constant 15 : i32
      %get3A_395 = arith.index_cast %rem3A_9 : i32 to index
      %get3A_396 = arith.index_cast %get3A_394 : i32 to index
      %get3A_397 = arith.constant 32 : index
      %get3A_398 = tpu.vector_load %arg6[%get3A_395, %get3A_396, %get3A_397] {strides = array<i32>} : memref<4x26x64xf32, #tpu.memory_space<vmem>>, vector<1x1x16xf32>,
      %get3A_399 = vector.shape_cast %get3A_398 : vector<1x1x16xf32> to vector<16xf32>
      %get3A_400 = arith.constant 15 : i32
      %get3A_401 = arith.index_cast %rem3A_9 : i32 to index
      %get3A_402 = arith.index_cast %get3A_400 : i32 to index
      %get3A_403 = arith.constant 48 : index
      %get3A_404 = tpu.vector_load %arg6[%get3A_401, %get3A_402, %get3A_403] {strides = array<i32>} : memref<4x26x64xf32, #tpu.memory_space<vmem>>, vector<1x1x16xf32>,
      %get3A_405 = vector.shape_cast %get3A_404 : vector<1x1x16xf32> to vector<16xf32>
      %get3A_406 = arith.constant 16 : i32
      %get3A_407 = arith.index_cast %rem3A_9 : i32 to index
      %get3A_408 = arith.index_cast %get3A_406 : i32 to index
      %get3A_409 = arith.constant 0 : index
      %get3A_410 = tpu.vector_load %arg6[%get3A_407, %get3A_408, %get3A_409] {strides = array<i32>} : memref<4x26x64xf32, #tpu.memory_space<vmem>>, vector<1x1x16xf32>,
      %get3A_411 = vector.shape_cast %get3A_410 : vector<1x1x16xf32> to vector<16xf32>
      %get3A_412 = arith.constant 16 : i32
      %get3A_413 = arith.index_cast %rem3A_9 : i32 to index
      %get3A_414 = arith.index_cast %get3A_412 : i32 to index
      %get3A_415 = arith.constant 16 : index
      %get3A_416 = tpu.vector_load %arg6[%get3A_413, %get3A_414, %get3A_415] {strides = array<i32>} : memref<4x26x64xf32, #tpu.memory_space<vmem>>, vector<1x1x16xf32>,
      %get3A_417 = vector.shape_cast %get3A_416 : vector<1x1x16xf32> to vector<16xf32>
      %get3A_418 = arith.constant 16 : i32
      %get3A_419 = arith.index_cast %rem3A_9 : i32 to index
      %get3A_420 = arith.index_cast %get3A_418 : i32 to index
      %get3A_421 = arith.constant 32 : index
      %get3A_422 = tpu.vector_load %arg6[%get3A_419, %get3A_420, %get3A_421] {strides = array<i32>} : memref<4x26x64xf32, #tpu.memory_space<vmem>>, vector<1x1x16xf32>,
      %get3A_423 = vector.shape_cast %get3A_422 : vector<1x1x16xf32> to vector<16xf32>
      %get3A_424 = arith.constant 16 : i32
      %get3A_425 = arith.index_cast %rem3A_9 : i32 to index
      %get3A_426 = arith.index_cast %get3A_424 : i32 to index
      %get3A_427 = arith.constant 48 : index
      %get3A_428 = tpu.vector_load %arg6[%get3A_425, %get3A_426, %get3A_427] {strides = array<i32>} : memref<4x26x64xf32, #tpu.memory_space<vmem>>, vector<1x1x16xf32>,
      %get3A_429 = vector.shape_cast %get3A_428 : vector<1x1x16xf32> to vector<16xf32>
      %get3A_430 = arith.constant 17 : i32
      %get3A_431 = arith.index_cast %rem3A_9 : i32 to index
      %get3A_432 = arith.index_cast %get3A_430 : i32 to index
      %get3A_433 = arith.constant 0 : index
      %get3A_434 = tpu.vector_load %arg6[%get3A_431, %get3A_432, %get3A_433] {strides = array<i32>} : memref<4x26x64xf32, #tpu.memory_space<vmem>>, vector<1x1x16xf32>,
      %get3A_435 = vector.shape_cast %get3A_434 : vector<1x1x16xf32> to vector<16xf32>
      %get3A_436 = arith.constant 17 : i32
      %get3A_437 = arith.index_cast %rem3A_9 : i32 to index
      %get3A_438 = arith.index_cast %get3A_436 : i32 to index
      %get3A_439 = arith.constant 16 : index
      %get3A_440 = tpu.vector_load %arg6[%get3A_437, %get3A_438, %get3A_439] {strides = array<i32>} : memref<4x26x64xf32, #tpu.memory_space<vmem>>, vector<1x1x16xf32>,
      %get3A_441 = vector.shape_cast %get3A_440 : vector<1x1x16xf32> to vector<16xf32>
      %get3A_442 = arith.constant 17 : i32
      %get3A_443 = arith.index_cast %rem3A_9 : i32 to index
      %get3A_444 = arith.index_cast %get3A_442 : i32 to index
      %get3A_445 = arith.constant 32 : index
      %get3A_446 = tpu.vector_load %arg6[%get3A_443, %get3A_444, %get3A_445] {strides = array<i32>} : memref<4x26x64xf32, #tpu.memory_space<vmem>>, vector<1x1x16xf32>,
      %get3A_447 = vector.shape_cast %get3A_446 : vector<1x1x16xf32> to vector<16xf32>
      %get3A_448 = arith.constant 17 : i32
      %get3A_449 = arith.index_cast %rem3A_9 : i32 to index
      %get3A_450 = arith.index_cast %get3A_448 : i32 to index
      %get3A_451 = arith.constant 48 : index
      %get3A_452 = tpu.vector_load %arg6[%get3A_449, %get3A_450, %get3A_451] {strides = array<i32>} : memref<4x26x64xf32, #tpu.memory_space<vmem>>, vector<1x1x16xf32>,
      %get3A_453 = vector.shape_cast %get3A_452 : vector<1x1x16xf32> to vector<16xf32>
      %get3A_454 = arith.constant 18 : i32
      %get3A_455 = arith.index_cast %rem3A_9 : i32 to index
      %get3A_456 = arith.index_cast %get3A_454 : i32 to index
      %get3A_457 = arith.constant 0 : index
      %get3A_458 = tpu.vector_load %arg6[%get3A_455, %get3A_456, %get3A_457] {strides = array<i32>} : memref<4x26x64xf32, #tpu.memory_space<vmem>>, vector<1x1x16xf32>,
      %get3A_459 = vector.shape_cast %get3A_458 : vector<1x1x16xf32> to vector<16xf32>
      %get3A_460 = arith.constant 18 : i32
      %get3A_461 = arith.index_cast %rem3A_9 : i32 to index
      %get3A_462 = arith.index_cast %get3A_460 : i32 to index
      %get3A_463 = arith.constant 16 : index
      %get3A_464 = tpu.vector_load %arg6[%get3A_461, %get3A_462, %get3A_463] {strides = array<i32>} : memref<4x26x64xf32, #tpu.memory_space<vmem>>, vector<1x1x16xf32>,
      %get3A_465 = vector.shape_cast %get3A_464 : vector<1x1x16xf32> to vector<16xf32>
      %get3A_466 = arith.constant 18 : i32
      %get3A_467 = arith.index_cast %rem3A_9 : i32 to index
      %get3A_468 = arith.index_cast %get3A_466 : i32 to index
      %get3A_469 = arith.constant 32 : index
      %get3A_470 = tpu.vector_load %arg6[%get3A_467, %get3A_468, %get3A_469] {strides = array<i32>} : memref<4x26x64xf32, #tpu.memory_space<vmem>>, vector<1x1x16xf32>,
      %get3A_471 = vector.shape_cast %get3A_470 : vector<1x1x16xf32> to vector<16xf32>
      %get3A_472 = arith.constant 18 : i32
      %get3A_473 = arith.index_cast %rem3A_9 : i32 to index
      %get3A_474 = arith.index_cast %get3A_472 : i32 to index
      %get3A_475 = arith.constant 48 : index
      %get3A_476 = tpu.vector_load %arg6[%get3A_473, %get3A_474, %get3A_475] {strides = array<i32>} : memref<4x26x64xf32, #tpu.memory_space<vmem>>, vector<1x1x16xf32>,
      %get3A_477 = vector.shape_cast %get3A_476 : vector<1x1x16xf32> to vector<16xf32>
      %get3A_478 = arith.constant 19 : i32
      %get3A_479 = arith.index_cast %rem3A_9 : i32 to index
      %get3A_480 = arith.index_cast %get3A_478 : i32 to index
      %get3A_481 = arith.constant 0 : index
      %get3A_482 = tpu.vector_load %arg6[%get3A_479, %get3A_480, %get3A_481] {strides = array<i32>} : memref<4x26x64xf32, #tpu.memory_space<vmem>>, vector<1x1x16xf32>,
      %get3A_483 = vector.shape_cast %get3A_482 : vector<1x1x16xf32> to vector<16xf32>
      %get3A_484 = arith.constant 19 : i32
      %get3A_485 = arith.index_cast %rem3A_9 : i32 to index
      %get3A_486 = arith.index_cast %get3A_484 : i32 to index
      %get3A_487 = arith.constant 16 : index
      %get3A_488 = tpu.vector_load %arg6[%get3A_485, %get3A_486, %get3A_487] {strides = array<i32>} : memref<4x26x64xf32, #tpu.memory_space<vmem>>, vector<1x1x16xf32>,
      %get3A_489 = vector.shape_cast %get3A_488 : vector<1x1x16xf32> to vector<16xf32>
      %get3A_490 = arith.constant 19 : i32
      %get3A_491 = arith.index_cast %rem3A_9 : i32 to index
      %get3A_492 = arith.index_cast %get3A_490 : i32 to index
      %get3A_493 = arith.constant 32 : index
      %get3A_494 = tpu.vector_load %arg6[%get3A_491, %get3A_492, %get3A_493] {strides = array<i32>} : memref<4x26x64xf32, #tpu.memory_space<vmem>>, vector<1x1x16xf32>,
      %get3A_495 = vector.shape_cast %get3A_494 : vector<1x1x16xf32> to vector<16xf32>
      %get3A_496 = arith.constant 19 : i32
      %get3A_497 = arith.index_cast %rem3A_9 : i32 to index
      %get3A_498 = arith.index_cast %get3A_496 : i32 to index
      %get3A_499 = arith.constant 48 : index
      %get3A_500 = tpu.vector_load %arg6[%get3A_497, %get3A_498, %get3A_499] {strides = array<i32>} : memref<4x26x64xf32, #tpu.memory_space<vmem>>, vector<1x1x16xf32>,
      %get3A_501 = vector.shape_cast %get3A_500 : vector<1x1x16xf32> to vector<16xf32>
      %get3A_502 = arith.constant 20 : i32
      %get3A_503 = arith.index_cast %rem3A_9 : i32 to index
      %get3A_504 = arith.index_cast %get3A_502 : i32 to index
      %get3A_505 = arith.constant 0 : index
      %get3A_506 = tpu.vector_load %arg6[%get3A_503, %get3A_504, %get3A_505] {strides = array<i32>} : memref<4x26x64xf32, #tpu.memory_space<vmem>>, vector<1x1x16xf32>,
      %get3A_507 = vector.shape_cast %get3A_506 : vector<1x1x16xf32> to vector<16xf32>
      %get3A_508 = arith.constant 20 : i32
      %get3A_509 = arith.index_cast %rem3A_9 : i32 to index
      %get3A_510 = arith.index_cast %get3A_508 : i32 to index
      %get3A_511 = arith.constant 16 : index
      %get3A_512 = tpu.vector_load %arg6[%get3A_509, %get3A_510, %get3A_511] {strides = array<i32>} : memref<4x26x64xf32, #tpu.memory_space<vmem>>, vector<1x1x16xf32>,
      %get3A_513 = vector.shape_cast %get3A_512 : vector<1x1x16xf32> to vector<16xf32>
      %get3A_514 = arith.constant 20 : i32
      %get3A_515 = arith.index_cast %rem3A_9 : i32 to index
      %get3A_516 = arith.index_cast %get3A_514 : i32 to index
      %get3A_517 = arith.constant 32 : index
      %get3A_518 = tpu.vector_load %arg6[%get3A_515, %get3A_516, %get3A_517] {strides = array<i32>} : memref<4x26x64xf32, #tpu.memory_space<vmem>>, vector<1x1x16xf32>,
      %get3A_519 = vector.shape_cast %get3A_518 : vector<1x1x16xf32> to vector<16xf32>
      %get3A_520 = arith.constant 20 : i32
      %get3A_521 = arith.index_cast %rem3A_9 : i32 to index
      %get3A_522 = arith.index_cast %get3A_520 : i32 to index
      %get3A_523 = arith.constant 48 : index
      %get3A_524 = tpu.vector_load %arg6[%get3A_521, %get3A_522, %get3A_523] {strides = array<i32>} : memref<4x26x64xf32, #tpu.memory_space<vmem>>, vector<1x1x16xf32>,
      %get3A_525 = vector.shape_cast %get3A_524 : vector<1x1x16xf32> to vector<16xf32>
      %get3A_526 = arith.constant 21 : i32
      %get3A_527 = arith.index_cast %rem3A_9 : i32 to index
      %get3A_528 = arith.index_cast %get3A_526 : i32 to index
      %get3A_529 = arith.constant 0 : index
      %get3A_530 = tpu.vector_load %arg6[%get3A_527, %get3A_528, %get3A_529] {strides = array<i32>} : memref<4x26x64xf32, #tpu.memory_space<vmem>>, vector<1x1x16xf32>,
      %get3A_531 = vector.shape_cast %get3A_530 : vector<1x1x16xf32> to vector<16xf32>
      %get3A_532 = arith.constant 21 : i32
      %get3A_533 = arith.index_cast %rem3A_9 : i32 to index
      %get3A_534 = arith.index_cast %get3A_532 : i32 to index
      %get3A_535 = arith.constant 16 : index
      %get3A_536 = tpu.vector_load %arg6[%get3A_533, %get3A_534, %get3A_535] {strides = array<i32>} : memref<4x26x64xf32, #tpu.memory_space<vmem>>, vector<1x1x16xf32>,
      %get3A_537 = vector.shape_cast %get3A_536 : vector<1x1x16xf32> to vector<16xf32>
      %get3A_538 = arith.constant 21 : i32
      %get3A_539 = arith.index_cast %rem3A_9 : i32 to index
      %get3A_540 = arith.index_cast %get3A_538 : i32 to index
      %get3A_541 = arith.constant 32 : index
      %get3A_542 = tpu.vector_load %arg6[%get3A_539, %get3A_540, %get3A_541] {strides = array<i32>} : memref<4x26x64xf32, #tpu.memory_space<vmem>>, vector<1x1x16xf32>,
      %get3A_543 = vector.shape_cast %get3A_542 : vector<1x1x16xf32> to vector<16xf32>
      %get3A_544 = arith.constant 21 : i32
      %get3A_545 = arith.index_cast %rem3A_9 : i32 to index
      %get3A_546 = arith.index_cast %get3A_544 : i32 to index
      %get3A_547 = arith.constant 48 : index
      %get3A_548 = tpu.vector_load %arg6[%get3A_545, %get3A_546, %get3A_547] {strides = array<i32>} : memref<4x26x64xf32, #tpu.memory_space<vmem>>, vector<1x1x16xf32>,
      %get3A_549 = vector.shape_cast %get3A_548 : vector<1x1x16xf32> to vector<16xf32>
      %get3A_550 = arith.constant 22 : i32
      %get3A_551 = arith.index_cast %rem3A_9 : i32 to index
      %get3A_552 = arith.index_cast %get3A_550 : i32 to index
      %get3A_553 = arith.constant 0 : index
      %get3A_554 = tpu.vector_load %arg6[%get3A_551, %get3A_552, %get3A_553] {strides = array<i32>} : memref<4x26x64xf32, #tpu.memory_space<vmem>>, vector<1x1x16xf32>,
      %get3A_555 = vector.shape_cast %get3A_554 : vector<1x1x16xf32> to vector<16xf32>
      %get3A_556 = arith.constant 22 : i32
      %get3A_557 = arith.index_cast %rem3A_9 : i32 to index
      %get3A_558 = arith.index_cast %get3A_556 : i32 to index
      %get3A_559 = arith.constant 16 : index
      %get3A_560 = tpu.vector_load %arg6[%get3A_557, %get3A_558, %get3A_559] {strides = array<i32>} : memref<4x26x64xf32, #tpu.memory_space<vmem>>, vector<1x1x16xf32>,
      %get3A_561 = vector.shape_cast %get3A_560 : vector<1x1x16xf32> to vector<16xf32>
      %get3A_562 = arith.constant 22 : i32
      %get3A_563 = arith.index_cast %rem3A_9 : i32 to index
      %get3A_564 = arith.index_cast %get3A_562 : i32 to index
      %get3A_565 = arith.constant 32 : index
      %get3A_566 = tpu.vector_load %arg6[%get3A_563, %get3A_564, %get3A_565] {strides = array<i32>} : memref<4x26x64xf32, #tpu.memory_space<vmem>>, vector<1x1x16xf32>,
      %get3A_567 = vector.shape_cast %get3A_566 : vector<1x1x16xf32> to vector<16xf32>
      %get3A_568 = arith.constant 22 : i32
      %get3A_569 = arith.index_cast %rem3A_9 : i32 to index
      %get3A_570 = arith.index_cast %get3A_568 : i32 to index
      %get3A_571 = arith.constant 48 : index
      %get3A_572 = tpu.vector_load %arg6[%get3A_569, %get3A_570, %get3A_571] {strides = array<i32>} : memref<4x26x64xf32, #tpu.memory_space<vmem>>, vector<1x1x16xf32>,
      %get3A_573 = vector.shape_cast %get3A_572 : vector<1x1x16xf32> to vector<16xf32>
      %get3A_574 = arith.constant 23 : i32
      %get3A_575 = arith.index_cast %rem3A_9 : i32 to index
      %get3A_576 = arith.index_cast %get3A_574 : i32 to index
      %get3A_577 = arith.constant 0 : index
      %get3A_578 = tpu.vector_load %arg6[%get3A_575, %get3A_576, %get3A_577] {strides = array<i32>} : memref<4x26x64xf32, #tpu.memory_space<vmem>>, vector<1x1x16xf32>,
      %get3A_579 = vector.shape_cast %get3A_578 : vector<1x1x16xf32> to vector<16xf32>
      %get3A_580 = arith.constant 23 : i32
      %get3A_581 = arith.index_cast %rem3A_9 : i32 to index
      %get3A_582 = arith.index_cast %get3A_580 : i32 to index
      %get3A_583 = arith.constant 16 : index
      %get3A_584 = tpu.vector_load %arg6[%get3A_581, %get3A_582, %get3A_583] {strides = array<i32>} : memref<4x26x64xf32, #tpu.memory_space<vmem>>, vector<1x1x16xf32>,
      %get3A_585 = vector.shape_cast %get3A_584 : vector<1x1x16xf32> to vector<16xf32>
      %get3A_586 = arith.constant 23 : i32
      %get3A_587 = arith.index_cast %rem3A_9 : i32 to index
      %get3A_588 = arith.index_cast %get3A_586 : i32 to index
      %get3A_589 = arith.constant 32 : index
      %get3A_590 = tpu.vector_load %arg6[%get3A_587, %get3A_588, %get3A_589] {strides = array<i32>} : memref<4x26x64xf32, #tpu.memory_space<vmem>>, vector<1x1x16xf32>,
      %get3A_591 = vector.shape_cast %get3A_590 : vector<1x1x16xf32> to vector<16xf32>
      %get3A_592 = arith.constant 23 : i32
      %get3A_593 = arith.index_cast %rem3A_9 : i32 to index
      %get3A_594 = arith.index_cast %get3A_592 : i32 to index
      %get3A_595 = arith.constant 48 : index
      %get3A_596 = tpu.vector_load %arg6[%get3A_593, %get3A_594, %get3A_595] {strides = array<i32>} : memref<4x26x64xf32, #tpu.memory_space<vmem>>, vector<1x1x16xf32>,
      %get3A_597 = vector.shape_cast %get3A_596 : vector<1x1x16xf32> to vector<16xf32>
      %get3A_598 = arith.constant 24 : i32
      %get3A_599 = arith.index_cast %rem3A_9 : i32 to index
      %get3A_600 = arith.index_cast %get3A_598 : i32 to index
      %get3A_601 = arith.constant 0 : index
      %get3A_602 = tpu.vector_load %arg6[%get3A_599, %get3A_600, %get3A_601] {strides = array<i32>} : memref<4x26x64xf32, #tpu.memory_space<vmem>>, vector<1x1x16xf32>,
      %get3A_603 = vector.shape_cast %get3A_602 : vector<1x1x16xf32> to vector<16xf32>
      %get3A_604 = arith.constant 24 : i32
      %get3A_605 = arith.index_cast %rem3A_9 : i32 to index
      %get3A_606 = arith.index_cast %get3A_604 : i32 to index
      %get3A_607 = arith.constant 16 : index
      %get3A_608 = tpu.vector_load %arg6[%get3A_605, %get3A_606, %get3A_607] {strides = array<i32>} : memref<4x26x64xf32, #tpu.memory_space<vmem>>, vector<1x1x16xf32>,
      %get3A_609 = vector.shape_cast %get3A_608 : vector<1x1x16xf32> to vector<16xf32>
      %get3A_610 = arith.constant 24 : i32
      %get3A_611 = arith.index_cast %rem3A_9 : i32 to index
      %get3A_612 = arith.index_cast %get3A_610 : i32 to index
      %get3A_613 = arith.constant 32 : index
      %get3A_614 = tpu.vector_load %arg6[%get3A_611, %get3A_612, %get3A_613] {strides = array<i32>} : memref<4x26x64xf32, #tpu.memory_space<vmem>>, vector<1x1x16xf32>,
      %get3A_615 = vector.shape_cast %get3A_614 : vector<1x1x16xf32> to vector<16xf32>
      %get3A_616 = arith.constant 24 : i32
      %get3A_617 = arith.index_cast %rem3A_9 : i32 to index
      %get3A_618 = arith.index_cast %get3A_616 : i32 to index
      %get3A_619 = arith.constant 48 : index
      %get3A_620 = tpu.vector_load %arg6[%get3A_617, %get3A_618, %get3A_619] {strides = array<i32>} : memref<4x26x64xf32, #tpu.memory_space<vmem>>, vector<1x1x16xf32>,
      %get3A_621 = vector.shape_cast %get3A_620 : vector<1x1x16xf32> to vector<16xf32>
      %get3A_622 = arith.constant 25 : i32
      %get3A_623 = arith.index_cast %rem3A_9 : i32 to index
      %get3A_624 = arith.index_cast %get3A_622 : i32 to index
      %get3A_625 = arith.constant 0 : index
      %get3A_626 = tpu.vector_load %arg6[%get3A_623, %get3A_624, %get3A_625] {strides = array<i32>} : memref<4x26x64xf32, #tpu.memory_space<vmem>>, vector<1x1x16xf32>,
      %get3A_627 = vector.shape_cast %get3A_626 : vector<1x1x16xf32> to vector<16xf32>
      %get3A_628 = arith.constant 25 : i32
      %get3A_629 = arith.index_cast %rem3A_9 : i32 to index
      %get3A_630 = arith.index_cast %get3A_628 : i32 to index
      %get3A_631 = arith.constant 16 : index
      %get3A_632 = tpu.vector_load %arg6[%get3A_629, %get3A_630, %get3A_631] {strides = array<i32>} : memref<4x26x64xf32, #tpu.memory_space<vmem>>, vector<1x1x16xf32>,
      %get3A_633 = vector.shape_cast %get3A_632 : vector<1x1x16xf32> to vector<16xf32>
      %get3A_634 = arith.constant 25 : i32
      %get3A_635 = arith.index_cast %rem3A_9 : i32 to index
      %get3A_636 = arith.index_cast %get3A_634 : i32 to index
      %get3A_637 = arith.constant 32 : index
      %get3A_638 = tpu.vector_load %arg6[%get3A_635, %get3A_636, %get3A_637] {strides = array<i32>} : memref<4x26x64xf32, #tpu.memory_space<vmem>>, vector<1x1x16xf32>,
      %get3A_639 = vector.shape_cast %get3A_638 : vector<1x1x16xf32> to vector<16xf32>
      %get3A_640 = arith.constant 25 : i32
      %get3A_641 = arith.index_cast %rem3A_9 : i32 to index
      %get3A_642 = arith.index_cast %get3A_640 : i32 to index
      %get3A_643 = arith.constant 48 : index
      %get3A_644 = tpu.vector_load %arg6[%get3A_641, %get3A_642, %get3A_643] {strides = array<i32>} : memref<4x26x64xf32, #tpu.memory_space<vmem>>, vector<1x1x16xf32>,
      %get3A_645 = vector.shape_cast %get3A_644 : vector<1x1x16xf32> to vector<16xf32>
      %scan3A_646 = arith.constant 0 : i32
      %scan3A_647 = arith.constant 26 : i32
      %scan3A_648 = arith.addi %scan3A_646, %scan3A_647 : i32
      %scan3A_649 = arith.constant 1 : i32
      scf.for %scan3A_672 = %scan3A_646 to %scan3A_648 step %scan3A_649  : i32 {
        %mul3A_673 = arith.constant 26 : i32
        %mul3A_674 = arith.muli %mul3A_673, %scan3A_672 : i32
        %add3A_675 = arith.constant 13 : i32
        %add3A_676 = arith.addi %mul3A_674, %add3A_675 : i32
        %get3A_677 = arith.index_cast %rem3A_9 : i32 to index
        %get3A_678 = arith.index_cast %scan3A_672 : i32 to index
        %get3A_679 = arith.constant 0 : index
        %get3A_680 = tpu.vector_load %arg5[%get3A_677, %get3A_678, %get3A_679] {strides = array<i32>} : memref<4x26x64xf32, #tpu.memory_space<vmem>>, vector<1x1x16xf32>,
        %get3A_681 = vector.shape_cast %get3A_680 : vector<1x1x16xf32> to vector<16xf32>
        %get3A_682 = arith.index_cast %rem3A_9 : i32 to index
        %get3A_683 = arith.index_cast %scan3A_672 : i32 to index
        %get3A_684 = arith.constant 16 : index
        %get3A_685 = tpu.vector_load %arg5[%get3A_682, %get3A_683, %get3A_684] {strides = array<i32>} : memref<4x26x64xf32, #tpu.memory_space<vmem>>, vector<1x1x16xf32>,
        %get3A_686 = vector.shape_cast %get3A_685 : vector<1x1x16xf32> to vector<16xf32>
        %get3A_687 = arith.index_cast %rem3A_9 : i32 to index
        %get3A_688 = arith.index_cast %scan3A_672 : i32 to index
        %get3A_689 = arith.constant 32 : index
        %get3A_690 = tpu.vector_load %arg5[%get3A_687, %get3A_688, %get3A_689] {strides = array<i32>} : memref<4x26x64xf32, #tpu.memory_space<vmem>>, vector<1x1x16xf32>,
        %get3A_691 = vector.shape_cast %get3A_690 : vector<1x1x16xf32> to vector<16xf32>
        %get3A_692 = arith.index_cast %rem3A_9 : i32 to index
        %get3A_693 = arith.index_cast %scan3A_672 : i32 to index
        %get3A_694 = arith.constant 48 : index
        %get3A_695 = tpu.vector_load %arg5[%get3A_692, %get3A_693, %get3A_694] {strides = array<i32>} : memref<4x26x64xf32, #tpu.memory_space<vmem>>, vector<1x1x16xf32>,
        %get3A_696 = vector.shape_cast %get3A_695 : vector<1x1x16xf32> to vector<16xf32>
        %add3A_697 = arith.constant 0 : i32
        %add3A_698 = arith.addi %add3A_676, %add3A_697 : i32
        %swap3A = arith.index_cast %add3A_698 : i32 to index
        %swap3A_699 = arith.constant 0 : index
        %swap3A_700 = tpu.vector_load %arg7[%swap3A, %swap3A_699] {strides = array<i32>} : memref<676x128xf32, #tpu.memory_space<vmem>>, vector<1x16xf32>,
        %swap3A_701 = vector.shape_cast %swap3A_700 : vector<1x16xf32> to vector<16xf32>
        %swap3A_702 = vector.shape_cast %get3A_681 : vector<16xf32> to vector<1x16xf32>
        tpu.vector_store %arg7[%swap3A, %swap3A_699], %swap3A_702 {strides = array<i32>} : memref<676x128xf32, #tpu.memory_space<vmem>>, vector<1x16xf32>,
        %add3A_703 = arith.constant 0 : i32
        %add3A_704 = arith.addi %add3A_676, %add3A_703 : i32
        %swap3A_705 = arith.index_cast %add3A_704 : i32 to index
        %swap3A_706 = arith.constant 16 : index
        %swap3A_707 = tpu.vector_load %arg7[%swap3A_705, %swap3A_706] {strides = array<i32>} : memref<676x128xf32, #tpu.memory_space<vmem>>, vector<1x16xf32>,
        %swap3A_708 = vector.shape_cast %swap3A_707 : vector<1x16xf32> to vector<16xf32>
        %swap3A_709 = vector.shape_cast %get3A_686 : vector<16xf32> to vector<1x16xf32>
        tpu.vector_store %arg7[%swap3A_705, %swap3A_706], %swap3A_709 {strides = array<i32>} : memref<676x128xf32, #tpu.memory_space<vmem>>, vector<1x16xf32>,
        %add3A_710 = arith.constant 0 : i32
        %add3A_711 = arith.addi %add3A_676, %add3A_710 : i32
        %swap3A_712 = arith.index_cast %add3A_711 : i32 to index
        %swap3A_713 = arith.constant 32 : index
        %swap3A_714 = tpu.vector_load %arg7[%swap3A_712, %swap3A_713] {strides = array<i32>} : memref<676x128xf32, #tpu.memory_space<vmem>>, vector<1x16xf32>,
        %swap3A_715 = vector.shape_cast %swap3A_714 : vector<1x16xf32> to vector<16xf32>
        %swap3A_716 = vector.shape_cast %get3A_691 : vector<16xf32> to vector<1x16xf32>
        tpu.vector_store %arg7[%swap3A_712, %swap3A_713], %swap3A_716 {strides = array<i32>} : memref<676x128xf32, #tpu.memory_space<vmem>>, vector<1x16xf32>,
        %add3A_717 = arith.constant 0 : i32
        %add3A_718 = arith.addi %add3A_676, %add3A_717 : i32
        %swap3A_719 = arith.index_cast %add3A_718 : i32 to index
        %swap3A_720 = arith.constant 48 : index
        %swap3A_721 = tpu.vector_load %arg7[%swap3A_719, %swap3A_720] {strides = array<i32>} : memref<676x128xf32, #tpu.memory_space<vmem>>, vector<1x16xf32>,
        %swap3A_722 = vector.shape_cast %swap3A_721 : vector<1x16xf32> to vector<16xf32>
        %swap3A_723 = vector.shape_cast %get3A_696 : vector<16xf32> to vector<1x16xf32>
        tpu.vector_store %arg7[%swap3A_719, %swap3A_720], %swap3A_723 {strides = array<i32>} : memref<676x128xf32, #tpu.memory_space<vmem>>, vector<1x16xf32>,
        %add3A_724 = arith.constant 0 : i32
        %add3A_725 = arith.addi %add3A_676, %add3A_724 : i32
        %swap3A_726 = arith.index_cast %add3A_725 : i32 to index
        %swap3A_727 = arith.constant 64 : index
        %swap3A_728 = tpu.vector_load %arg7[%swap3A_726, %swap3A_727] {strides = array<i32>} : memref<676x128xf32, #tpu.memory_space<vmem>>, vector<1x16xf32>,
        %swap3A_729 = vector.shape_cast %swap3A_728 : vector<1x16xf32> to vector<16xf32>
        %swap3A_730 = vector.shape_cast %get3A_339 : vector<16xf32> to vector<1x16xf32>
        tpu.vector_store %arg7[%swap3A_726, %swap3A_727], %swap3A_730 {strides = array<i32>} : memref<676x128xf32, #tpu.memory_space<vmem>>, vector<1x16xf32>,
        %add3A_731 = arith.constant 0 : i32
        %add3A_732 = arith.addi %add3A_676, %add3A_731 : i32
        %swap3A_733 = arith.index_cast %add3A_732 : i32 to index
        %swap3A_734 = arith.constant 80 : index
        %swap3A_735 = tpu.vector_load %arg7[%swap3A_733, %swap3A_734] {strides = array<i32>} : memref<676x128xf32, #tpu.memory_space<vmem>>, vector<1x16xf32>,
        %swap3A_736 = vector.shape_cast %swap3A_735 : vector<1x16xf32> to vector<16xf32>
        %swap3A_737 = vector.shape_cast %get3A_345 : vector<16xf32> to vector<1x16xf32>
        tpu.vector_store %arg7[%swap3A_733, %swap3A_734], %swap3A_737 {strides = array<i32>} : memref<676x128xf32, #tpu.memory_space<vmem>>, vector<1x16xf32>,
        %add3A_738 = arith.constant 0 : i32
        %add3A_739 = arith.addi %add3A_676, %add3A_738 : i32
        %swap3A_740 = arith.index_cast %add3A_739 : i32 to index
        %swap3A_741 = arith.constant 96 : index
        %swap3A_742 = tpu.vector_load %arg7[%swap3A_740, %swap3A_741] {strides = array<i32>} : memref<676x128xf32, #tpu.memory_space<vmem>>, vector<1x16xf32>,
        %swap3A_743 = vector.shape_cast %swap3A_742 : vector<1x16xf32> to vector<16xf32>
        %swap3A_744 = vector.shape_cast %get3A_351 : vector<16xf32> to vector<1x16xf32>
        tpu.vector_store %arg7[%swap3A_740, %swap3A_741], %swap3A_744 {strides = array<i32>} : memref<676x128xf32, #tpu.memory_space<vmem>>, vector<1x16xf32>,
        %add3A_745 = arith.constant 0 : i32
        %add3A_746 = arith.addi %add3A_676, %add3A_745 : i32
        %swap3A_747 = arith.index_cast %add3A_746 : i32 to index
        %swap3A_748 = arith.constant 112 : index
        %swap3A_749 = tpu.vector_load %arg7[%swap3A_747, %swap3A_748] {strides = array<i32>} : memref<676x128xf32, #tpu.memory_space<vmem>>, vector<1x16xf32>,
        %swap3A_750 = vector.shape_cast %swap3A_749 : vector<1x16xf32> to vector<16xf32>
        %swap3A_751 = vector.shape_cast %get3A_357 : vector<16xf32> to vector<1x16xf32>
        tpu.vector_store %arg7[%swap3A_747, %swap3A_748], %swap3A_751 {strides = array<i32>} : memref<676x128xf32, #tpu.memory_space<vmem>>, vector<1x16xf32>,
        %add3A_752 = arith.constant 1 : i32
        %add3A_753 = arith.addi %add3A_676, %add3A_752 : i32
        %swap3A_754 = arith.index_cast %add3A_753 : i32 to index
        %swap3A_755 = arith.constant 0 : index
        %swap3A_756 = tpu.vector_load %arg7[%swap3A_754, %swap3A_755] {strides = array<i32>} : memref<676x128xf32, #tpu.memory_space<vmem>>, vector<1x16xf32>,
        %swap3A_757 = vector.shape_cast %swap3A_756 : vector<1x16xf32> to vector<16xf32>
        %swap3A_758 = vector.shape_cast %get3A_681 : vector<16xf32> to vector<1x16xf32>
        tpu.vector_store %arg7[%swap3A_754, %swap3A_755], %swap3A_758 {strides = array<i32>} : memref<676x128xf32, #tpu.memory_space<vmem>>, vector<1x16xf32>,
        %add3A_759 = arith.constant 1 : i32
        %add3A_760 = arith.addi %add3A_676, %add3A_759 : i32
        %swap3A_761 = arith.index_cast %add3A_760 : i32 to index
        %swap3A_762 = arith.constant 16 : index
        %swap3A_763 = tpu.vector_load %arg7[%swap3A_761, %swap3A_762] {strides = array<i32>} : memref<676x128xf32, #tpu.memory_space<vmem>>, vector<1x16xf32>,
        %swap3A_764 = vector.shape_cast %swap3A_763 : vector<1x16xf32> to vector<16xf32>
        %swap3A_765 = vector.shape_cast %get3A_686 : vector<16xf32> to vector<1x16xf32>
        tpu.vector_store %arg7[%swap3A_761, %swap3A_762], %swap3A_765 {strides = array<i32>} : memref<676x128xf32, #tpu.memory_space<vmem>>, vector<1x16xf32>,
        %add3A_766 = arith.constant 1 : i32
        %add3A_767 = arith.addi %add3A_676, %add3A_766 : i32
        %swap3A_768 = arith.index_cast %add3A_767 : i32 to index
        %swap3A_769 = arith.constant 32 : index
        %swap3A_770 = tpu.vector_load %arg7[%swap3A_768, %swap3A_769] {strides = array<i32>} : memref<676x128xf32, #tpu.memory_space<vmem>>, vector<1x16xf32>,
        %swap3A_771 = vector.shape_cast %swap3A_770 : vector<1x16xf32> to vector<16xf32>
        %swap3A_772 = vector.shape_cast %get3A_691 : vector<16xf32> to vector<1x16xf32>
        tpu.vector_store %arg7[%swap3A_768, %swap3A_769], %swap3A_772 {strides = array<i32>} : memref<676x128xf32, #tpu.memory_space<vmem>>, vector<1x16xf32>,
        %add3A_773 = arith.constant 1 : i32
        %add3A_774 = arith.addi %add3A_676, %add3A_773 : i32
        %swap3A_775 = arith.index_cast %add3A_774 : i32 to index
        %swap3A_776 = arith.constant 48 : index
        %swap3A_777 = tpu.vector_load %arg7[%swap3A_775, %swap3A_776] {strides = array<i32>} : memref<676x128xf32, #tpu.memory_space<vmem>>, vector<1x16xf32>,
        %swap3A_778 = vector.shape_cast %swap3A_777 : vector<1x16xf32> to vector<16xf32>
        %swap3A_779 = vector.shape_cast %get3A_696 : vector<16xf32> to vector<1x16xf32>
        tpu.vector_store %arg7[%swap3A_775, %swap3A_776], %swap3A_779 {strides = array<i32>} : memref<676x128xf32, #tpu.memory_space<vmem>>, vector<1x16xf32>,
        %add3A_780 = arith.constant 1 : i32
        %add3A_781 = arith.addi %add3A_676, %add3A_780 : i32
        %swap3A_782 = arith.index_cast %add3A_781 : i32 to index
        %swap3A_783 = arith.constant 64 : index
        %swap3A_784 = tpu.vector_load %arg7[%swap3A_782, %swap3A_783] {strides = array<i32>} : memref<676x128xf32, #tpu.memory_space<vmem>>, vector<1x16xf32>,
        %swap3A_785 = vector.shape_cast %swap3A_784 : vector<1x16xf32> to vector<16xf32>
        %swap3A_786 = vector.shape_cast %get3A_363 : vector<16xf32> to vector<1x16xf32>
        tpu.vector_store %arg7[%swap3A_782, %swap3A_783], %swap3A_786 {strides = array<i32>} : memref<676x128xf32, #tpu.memory_space<vmem>>, vector<1x16xf32>,
        %add3A_787 = arith.constant 1 : i32
        %add3A_788 = arith.addi %add3A_676, %add3A_787 : i32
        %swap3A_789 = arith.index_cast %add3A_788 : i32 to index
        %swap3A_790 = arith.constant 80 : index
        %swap3A_791 = tpu.vector_load %arg7[%swap3A_789, %swap3A_790] {strides = array<i32>} : memref<676x128xf32, #tpu.memory_space<vmem>>, vector<1x16xf32>,
        %swap3A_792 = vector.shape_cast %swap3A_791 : vector<1x16xf32> to vector<16xf32>
        %swap3A_793 = vector.shape_cast %get3A_369 : vector<16xf32> to vector<1x16xf32>
        tpu.vector_store %arg7[%swap3A_789, %swap3A_790], %swap3A_793 {strides = array<i32>} : memref<676x128xf32, #tpu.memory_space<vmem>>, vector<1x16xf32>,
        %add3A_794 = arith.constant 1 : i32
        %add3A_795 = arith.addi %add3A_676, %add3A_794 : i32
        %swap3A_796 = arith.index_cast %add3A_795 : i32 to index
        %swap3A_797 = arith.constant 96 : index
        %swap3A_798 = tpu.vector_load %arg7[%swap3A_796, %swap3A_797] {strides = array<i32>} : memref<676x128xf32, #tpu.memory_space<vmem>>, vector<1x16xf32>,
        %swap3A_799 = vector.shape_cast %swap3A_798 : vector<1x16xf32> to vector<16xf32>
        %swap3A_800 = vector.shape_cast %get3A_375 : vector<16xf32> to vector<1x16xf32>
        tpu.vector_store %arg7[%swap3A_796, %swap3A_797], %swap3A_800 {strides = array<i32>} : memref<676x128xf32, #tpu.memory_space<vmem>>, vector<1x16xf32>,
        %add3A_801 = arith.constant 1 : i32
        %add3A_802 = arith.addi %add3A_676, %add3A_801 : i32
        %swap3A_803 = arith.index_cast %add3A_802 : i32 to index
        %swap3A_804 = arith.constant 112 : index
        %swap3A_805 = tpu.vector_load %arg7[%swap3A_803, %swap3A_804] {strides = array<i32>} : memref<676x128xf32, #tpu.memory_space<vmem>>, vector<1x16xf32>,
        %swap3A_806 = vector.shape_cast %swap3A_805 : vector<1x16xf32> to vector<16xf32>
        %swap3A_807 = vector.shape_cast %get3A_381 : vector<16xf32> to vector<1x16xf32>
        tpu.vector_store %arg7[%swap3A_803, %swap3A_804], %swap3A_807 {strides = array<i32>} : memref<676x128xf32, #tpu.memory_space<vmem>>, vector<1x16xf32>,
        %add3A_808 = arith.constant 2 : i32
        %add3A_809 = arith.addi %add3A_676, %add3A_808 : i32
        %swap3A_810 = arith.index_cast %add3A_809 : i32 to index
        %swap3A_811 = arith.constant 0 : index
        %swap3A_812 = tpu.vector_load %arg7[%swap3A_810, %swap3A_811] {strides = array<i32>} : memref<676x128xf32, #tpu.memory_space<vmem>>, vector<1x16xf32>,
        %swap3A_813 = vector.shape_cast %swap3A_812 : vector<1x16xf32> to vector<16xf32>
        %swap3A_814 = vector.shape_cast %get3A_681 : vector<16xf32> to vector<1x16xf32>
        tpu.vector_store %arg7[%swap3A_810, %swap3A_811], %swap3A_814 {strides = array<i32>} : memref<676x128xf32, #tpu.memory_space<vmem>>, vector<1x16xf32>,
        %add3A_815 = arith.constant 2 : i32
        %add3A_816 = arith.addi %add3A_676, %add3A_815 : i32
        %swap3A_817 = arith.index_cast %add3A_816 : i32 to index
        %swap3A_818 = arith.constant 16 : index
        %swap3A_819 = tpu.vector_load %arg7[%swap3A_817, %swap3A_818] {strides = array<i32>} : memref<676x128xf32, #tpu.memory_space<vmem>>, vector<1x16xf32>,
        %swap3A_820 = vector.shape_cast %swap3A_819 : vector<1x16xf32> to vector<16xf32>
        %swap3A_821 = vector.shape_cast %get3A_686 : vector<16xf32> to vector<1x16xf32>
        tpu.vector_store %arg7[%swap3A_817, %swap3A_818], %swap3A_821 {strides = array<i32>} : memref<676x128xf32, #tpu.memory_space<vmem>>, vector<1x16xf32>,
        %add3A_822 = arith.constant 2 : i32
        %add3A_823 = arith.addi %add3A_676, %add3A_822 : i32
        %swap3A_824 = arith.index_cast %add3A_823 : i32 to index
        %swap3A_825 = arith.constant 32 : index
        %swap3A_826 = tpu.vector_load %arg7[%swap3A_824, %swap3A_825] {strides = array<i32>} : memref<676x128xf32, #tpu.memory_space<vmem>>, vector<1x16xf32>,
        %swap3A_827 = vector.shape_cast %swap3A_826 : vector<1x16xf32> to vector<16xf32>
        %swap3A_828 = vector.shape_cast %get3A_691 : vector<16xf32> to vector<1x16xf32>
        tpu.vector_store %arg7[%swap3A_824, %swap3A_825], %swap3A_828 {strides = array<i32>} : memref<676x128xf32, #tpu.memory_space<vmem>>, vector<1x16xf32>,
        %add3A_829 = arith.constant 2 : i32
        %add3A_830 = arith.addi %add3A_676, %add3A_829 : i32
        %swap3A_831 = arith.index_cast %add3A_830 : i32 to index
        %swap3A_832 = arith.constant 48 : index
        %swap3A_833 = tpu.vector_load %arg7[%swap3A_831, %swap3A_832] {strides = array<i32>} : memref<676x128xf32, #tpu.memory_space<vmem>>, vector<1x16xf32>,
        %swap3A_834 = vector.shape_cast %swap3A_833 : vector<1x16xf32> to vector<16xf32>
        %swap3A_835 = vector.shape_cast %get3A_696 : vector<16xf32> to vector<1x16xf32>
        tpu.vector_store %arg7[%swap3A_831, %swap3A_832], %swap3A_835 {strides = array<i32>} : memref<676x128xf32, #tpu.memory_space<vmem>>, vector<1x16xf32>,
        %add3A_836 = arith.constant 2 : i32
        %add3A_837 = arith.addi %add3A_676, %add3A_836 : i32
        %swap3A_838 = arith.index_cast %add3A_837 : i32 to index
        %swap3A_839 = arith.constant 64 : index
        %swap3A_840 = tpu.vector_load %arg7[%swap3A_838, %swap3A_839] {strides = array<i32>} : memref<676x128xf32, #tpu.memory_space<vmem>>, vector<1x16xf32>,
        %swap3A_841 = vector.shape_cast %swap3A_840 : vector<1x16xf32> to vector<16xf32>
        %swap3A_842 = vector.shape_cast %get3A_387 : vector<16xf32> to vector<1x16xf32>
        tpu.vector_store %arg7[%swap3A_838, %swap3A_839], %swap3A_842 {strides = array<i32>} : memref<676x128xf32, #tpu.memory_space<vmem>>, vector<1x16xf32>,
        %add3A_843 = arith.constant 2 : i32
        %add3A_844 = arith.addi %add3A_676, %add3A_843 : i32
        %swap3A_845 = arith.index_cast %add3A_844 : i32 to index
        %swap3A_846 = arith.constant 80 : index
        %swap3A_847 = tpu.vector_load %arg7[%swap3A_845, %swap3A_846] {strides = array<i32>} : memref<676x128xf32, #tpu.memory_space<vmem>>, vector<1x16xf32>,
        %swap3A_848 = vector.shape_cast %swap3A_847 : vector<1x16xf32> to vector<16xf32>
        %swap3A_849 = vector.shape_cast %get3A_393 : vector<16xf32> to vector<1x16xf32>
        tpu.vector_store %arg7[%swap3A_845, %swap3A_846], %swap3A_849 {strides = array<i32>} : memref<676x128xf32, #tpu.memory_space<vmem>>, vector<1x16xf32>,
        %add3A_850 = arith.constant 2 : i32
        %add3A_851 = arith.addi %add3A_676, %add3A_850 : i32
        %swap3A_852 = arith.index_cast %add3A_851 : i32 to index
        %swap3A_853 = arith.constant 96 : index
        %swap3A_854 = tpu.vector_load %arg7[%swap3A_852, %swap3A_853] {strides = array<i32>} : memref<676x128xf32, #tpu.memory_space<vmem>>, vector<1x16xf32>,
        %swap3A_855 = vector.shape_cast %swap3A_854 : vector<1x16xf32> to vector<16xf32>
        %swap3A_856 = vector.shape_cast %get3A_399 : vector<16xf32> to vector<1x16xf32>
        tpu.vector_store %arg7[%swap3A_852, %swap3A_853], %swap3A_856 {strides = array<i32>} : memref<676x128xf32, #tpu.memory_space<vmem>>, vector<1x16xf32>,
        %add3A_857 = arith.constant 2 : i32
        %add3A_858 = arith.addi %add3A_676, %add3A_857 : i32
        %swap3A_859 = arith.index_cast %add3A_858 : i32 to index
        %swap3A_860 = arith.constant 112 : index
        %swap3A_861 = tpu.vector_load %arg7[%swap3A_859, %swap3A_860] {strides = array<i32>} : memref<676x128xf32, #tpu.memory_space<vmem>>, vector<1x16xf32>,
        %swap3A_862 = vector.shape_cast %swap3A_861 : vector<1x16xf32> to vector<16xf32>
        %swap3A_863 = vector.shape_cast %get3A_405 : vector<16xf32> to vector<1x16xf32>
        tpu.vector_store %arg7[%swap3A_859, %swap3A_860], %swap3A_863 {strides = array<i32>} : memref<676x128xf32, #tpu.memory_space<vmem>>, vector<1x16xf32>,
        %add3A_864 = arith.constant 3 : i32
        %add3A_865 = arith.addi %add3A_676, %add3A_864 : i32
        %swap3A_866 = arith.index_cast %add3A_865 : i32 to index
        %swap3A_867 = arith.constant 0 : index
        %swap3A_868 = tpu.vector_load %arg7[%swap3A_866, %swap3A_867] {strides = array<i32>} : memref<676x128xf32, #tpu.memory_space<vmem>>, vector<1x16xf32>,
        %swap3A_869 = vector.shape_cast %swap3A_868 : vector<1x16xf32> to vector<16xf32>
        %swap3A_870 = vector.shape_cast %get3A_681 : vector<16xf32> to vector<1x16xf32>
        tpu.vector_store %arg7[%swap3A_866, %swap3A_867], %swap3A_870 {strides = array<i32>} : memref<676x128xf32, #tpu.memory_space<vmem>>, vector<1x16xf32>,
        %add3A_871 = arith.constant 3 : i32
        %add3A_872 = arith.addi %add3A_676, %add3A_871 : i32
        %swap3A_873 = arith.index_cast %add3A_872 : i32 to index
        %swap3A_874 = arith.constant 16 : index
        %swap3A_875 = tpu.vector_load %arg7[%swap3A_873, %swap3A_874] {strides = array<i32>} : memref<676x128xf32, #tpu.memory_space<vmem>>, vector<1x16xf32>,
        %swap3A_876 = vector.shape_cast %swap3A_875 : vector<1x16xf32> to vector<16xf32>
        %swap3A_877 = vector.shape_cast %get3A_686 : vector<16xf32> to vector<1x16xf32>
        tpu.vector_store %arg7[%swap3A_873, %swap3A_874], %swap3A_877 {strides = array<i32>} : memref<676x128xf32, #tpu.memory_space<vmem>>, vector<1x16xf32>,
        %add3A_878 = arith.constant 3 : i32
        %add3A_879 = arith.addi %add3A_676, %add3A_878 : i32
        %swap3A_880 = arith.index_cast %add3A_879 : i32 to index
        %swap3A_881 = arith.constant 32 : index
        %swap3A_882 = tpu.vector_load %arg7[%swap3A_880, %swap3A_881] {strides = array<i32>} : memref<676x128xf32, #tpu.memory_space<vmem>>, vector<1x16xf32>,
        %swap3A_883 = vector.shape_cast %swap3A_882 : vector<1x16xf32> to vector<16xf32>
        %swap3A_884 = vector.shape_cast %get3A_691 : vector<16xf32> to vector<1x16xf32>
        tpu.vector_store %arg7[%swap3A_880, %swap3A_881], %swap3A_884 {strides = array<i32>} : memref<676x128xf32, #tpu.memory_space<vmem>>, vector<1x16xf32>,
        %add3A_885 = arith.constant 3 : i32
        %add3A_886 = arith.addi %add3A_676, %add3A_885 : i32
        %swap3A_887 = arith.index_cast %add3A_886 : i32 to index
        %swap3A_888 = arith.constant 48 : index
        %swap3A_889 = tpu.vector_load %arg7[%swap3A_887, %swap3A_888] {strides = array<i32>} : memref<676x128xf32, #tpu.memory_space<vmem>>, vector<1x16xf32>,
        %swap3A_890 = vector.shape_cast %swap3A_889 : vector<1x16xf32> to vector<16xf32>
        %swap3A_891 = vector.shape_cast %get3A_696 : vector<16xf32> to vector<1x16xf32>
        tpu.vector_store %arg7[%swap3A_887, %swap3A_888], %swap3A_891 {strides = array<i32>} : memref<676x128xf32, #tpu.memory_space<vmem>>, vector<1x16xf32>,
        %add3A_892 = arith.constant 3 : i32
        %add3A_893 = arith.addi %add3A_676, %add3A_892 : i32
        %swap3A_894 = arith.index_cast %add3A_893 : i32 to index
        %swap3A_895 = arith.constant 64 : index
        %swap3A_896 = tpu.vector_load %arg7[%swap3A_894, %swap3A_895] {strides = array<i32>} : memref<676x128xf32, #tpu.memory_space<vmem>>, vector<1x16xf32>,
        %swap3A_897 = vector.shape_cast %swap3A_896 : vector<1x16xf32> to vector<16xf32>
        %swap3A_898 = vector.shape_cast %get3A_411 : vector<16xf32> to vector<1x16xf32>
        tpu.vector_store %arg7[%swap3A_894, %swap3A_895], %swap3A_898 {strides = array<i32>} : memref<676x128xf32, #tpu.memory_space<vmem>>, vector<1x16xf32>,
        %add3A_899 = arith.constant 3 : i32
        %add3A_900 = arith.addi %add3A_676, %add3A_899 : i32
        %swap3A_901 = arith.index_cast %add3A_900 : i32 to index
        %swap3A_902 = arith.constant 80 : index
        %swap3A_903 = tpu.vector_load %arg7[%swap3A_901, %swap3A_902] {strides = array<i32>} : memref<676x128xf32, #tpu.memory_space<vmem>>, vector<1x16xf32>,
        %swap3A_904 = vector.shape_cast %swap3A_903 : vector<1x16xf32> to vector<16xf32>
        %swap3A_905 = vector.shape_cast %get3A_417 : vector<16xf32> to vector<1x16xf32>
        tpu.vector_store %arg7[%swap3A_901, %swap3A_902], %swap3A_905 {strides = array<i32>} : memref<676x128xf32, #tpu.memory_space<vmem>>, vector<1x16xf32>,
        %add3A_906 = arith.constant 3 : i32
        %add3A_907 = arith.addi %add3A_676, %add3A_906 : i32
        %swap3A_908 = arith.index_cast %add3A_907 : i32 to index
        %swap3A_909 = arith.constant 96 : index
        %swap3A_910 = tpu.vector_load %arg7[%swap3A_908, %swap3A_909] {strides = array<i32>} : memref<676x128xf32, #tpu.memory_space<vmem>>, vector<1x16xf32>,
        %swap3A_911 = vector.shape_cast %swap3A_910 : vector<1x16xf32> to vector<16xf32>
        %swap3A_912 = vector.shape_cast %get3A_423 : vector<16xf32> to vector<1x16xf32>
        tpu.vector_store %arg7[%swap3A_908, %swap3A_909], %swap3A_912 {strides = array<i32>} : memref<676x128xf32, #tpu.memory_space<vmem>>, vector<1x16xf32>,
        %add3A_913 = arith.constant 3 : i32
        %add3A_914 = arith.addi %add3A_676, %add3A_913 : i32
        %swap3A_915 = arith.index_cast %add3A_914 : i32 to index
        %swap3A_916 = arith.constant 112 : index
        %swap3A_917 = tpu.vector_load %arg7[%swap3A_915, %swap3A_916] {strides = array<i32>} : memref<676x128xf32, #tpu.memory_space<vmem>>, vector<1x16xf32>,
        %swap3A_918 = vector.shape_cast %swap3A_917 : vector<1x16xf32> to vector<16xf32>
        %swap3A_919 = vector.shape_cast %get3A_429 : vector<16xf32> to vector<1x16xf32>
        tpu.vector_store %arg7[%swap3A_915, %swap3A_916], %swap3A_919 {strides = array<i32>} : memref<676x128xf32, #tpu.memory_space<vmem>>, vector<1x16xf32>,
        %add3A_920 = arith.constant 4 : i32
        %add3A_921 = arith.addi %add3A_676, %add3A_920 : i32
        %swap3A_922 = arith.index_cast %add3A_921 : i32 to index
        %swap3A_923 = arith.constant 0 : index
        %swap3A_924 = tpu.vector_load %arg7[%swap3A_922, %swap3A_923] {strides = array<i32>} : memref<676x128xf32, #tpu.memory_space<vmem>>, vector<1x16xf32>,
        %swap3A_925 = vector.shape_cast %swap3A_924 : vector<1x16xf32> to vector<16xf32>
        %swap3A_926 = vector.shape_cast %get3A_681 : vector<16xf32> to vector<1x16xf32>
        tpu.vector_store %arg7[%swap3A_922, %swap3A_923], %swap3A_926 {strides = array<i32>} : memref<676x128xf32, #tpu.memory_space<vmem>>, vector<1x16xf32>,
        %add3A_927 = arith.constant 4 : i32
        %add3A_928 = arith.addi %add3A_676, %add3A_927 : i32
        %swap3A_929 = arith.index_cast %add3A_928 : i32 to index
        %swap3A_930 = arith.constant 16 : index
        %swap3A_931 = tpu.vector_load %arg7[%swap3A_929, %swap3A_930] {strides = array<i32>} : memref<676x128xf32, #tpu.memory_space<vmem>>, vector<1x16xf32>,
        %swap3A_932 = vector.shape_cast %swap3A_931 : vector<1x16xf32> to vector<16xf32>
        %swap3A_933 = vector.shape_cast %get3A_686 : vector<16xf32> to vector<1x16xf32>
        tpu.vector_store %arg7[%swap3A_929, %swap3A_930], %swap3A_933 {strides = array<i32>} : memref<676x128xf32, #tpu.memory_space<vmem>>, vector<1x16xf32>,
        %add3A_934 = arith.constant 4 : i32
        %add3A_935 = arith.addi %add3A_676, %add3A_934 : i32
        %swap3A_936 = arith.index_cast %add3A_935 : i32 to index
        %swap3A_937 = arith.constant 32 : index
        %swap3A_938 = tpu.vector_load %arg7[%swap3A_936, %swap3A_937] {strides = array<i32>} : memref<676x128xf32, #tpu.memory_space<vmem>>, vector<1x16xf32>,
        %swap3A_939 = vector.shape_cast %swap3A_938 : vector<1x16xf32> to vector<16xf32>
        %swap3A_940 = vector.shape_cast %get3A_691 : vector<16xf32> to vector<1x16xf32>
        tpu.vector_store %arg7[%swap3A_936, %swap3A_937], %swap3A_940 {strides = array<i32>} : memref<676x128xf32, #tpu.memory_space<vmem>>, vector<1x16xf32>,
        %add3A_941 = arith.constant 4 : i32
        %add3A_942 = arith.addi %add3A_676, %add3A_941 : i32
        %swap3A_943 = arith.index_cast %add3A_942 : i32 to index
        %swap3A_944 = arith.constant 48 : index
        %swap3A_945 = tpu.vector_load %arg7[%swap3A_943, %swap3A_944] {strides = array<i32>} : memref<676x128xf32, #tpu.memory_space<vmem>>, vector<1x16xf32>,
        %swap3A_946 = vector.shape_cast %swap3A_945 : vector<1x16xf32> to vector<16xf32>
        %swap3A_947 = vector.shape_cast %get3A_696 : vector<16xf32> to vector<1x16xf32>
        tpu.vector_store %arg7[%swap3A_943, %swap3A_944], %swap3A_947 {strides = array<i32>} : memref<676x128xf32, #tpu.memory_space<vmem>>, vector<1x16xf32>,
        %add3A_948 = arith.constant 4 : i32
        %add3A_949 = arith.addi %add3A_676, %add3A_948 : i32
        %swap3A_950 = arith.index_cast %add3A_949 : i32 to index
        %swap3A_951 = arith.constant 64 : index
        %swap3A_952 = tpu.vector_load %arg7[%swap3A_950, %swap3A_951] {strides = array<i32>} : memref<676x128xf32, #tpu.memory_space<vmem>>, vector<1x16xf32>,
        %swap3A_953 = vector.shape_cast %swap3A_952 : vector<1x16xf32> to vector<16xf32>
        %swap3A_954 = vector.shape_cast %get3A_435 : vector<16xf32> to vector<1x16xf32>
        tpu.vector_store %arg7[%swap3A_950, %swap3A_951], %swap3A_954 {strides = array<i32>} : memref<676x128xf32, #tpu.memory_space<vmem>>, vector<1x16xf32>,
        %add3A_955 = arith.constant 4 : i32
        %add3A_956 = arith.addi %add3A_676, %add3A_955 : i32
        %swap3A_957 = arith.index_cast %add3A_956 : i32 to index
        %swap3A_958 = arith.constant 80 : index
        %swap3A_959 = tpu.vector_load %arg7[%swap3A_957, %swap3A_958] {strides = array<i32>} : memref<676x128xf32, #tpu.memory_space<vmem>>, vector<1x16xf32>,
        %swap3A_960 = vector.shape_cast %swap3A_959 : vector<1x16xf32> to vector<16xf32>
        %swap3A_961 = vector.shape_cast %get3A_441 : vector<16xf32> to vector<1x16xf32>
        tpu.vector_store %arg7[%swap3A_957, %swap3A_958], %swap3A_961 {strides = array<i32>} : memref<676x128xf32, #tpu.memory_space<vmem>>, vector<1x16xf32>,
        %add3A_962 = arith.constant 4 : i32
        %add3A_963 = arith.addi %add3A_676, %add3A_962 : i32
        %swap3A_964 = arith.index_cast %add3A_963 : i32 to index
        %swap3A_965 = arith.constant 96 : index
        %swap3A_966 = tpu.vector_load %arg7[%swap3A_964, %swap3A_965] {strides = array<i32>} : memref<676x128xf32, #tpu.memory_space<vmem>>, vector<1x16xf32>,
        %swap3A_967 = vector.shape_cast %swap3A_966 : vector<1x16xf32> to vector<16xf32>
        %swap3A_968 = vector.shape_cast %get3A_447 : vector<16xf32> to vector<1x16xf32>
        tpu.vector_store %arg7[%swap3A_964, %swap3A_965], %swap3A_968 {strides = array<i32>} : memref<676x128xf32, #tpu.memory_space<vmem>>, vector<1x16xf32>,
        %add3A_969 = arith.constant 4 : i32
        %add3A_970 = arith.addi %add3A_676, %add3A_969 : i32
        %swap3A_971 = arith.index_cast %add3A_970 : i32 to index
        %swap3A_972 = arith.constant 112 : index
        %swap3A_973 = tpu.vector_load %arg7[%swap3A_971, %swap3A_972] {strides = array<i32>} : memref<676x128xf32, #tpu.memory_space<vmem>>, vector<1x16xf32>,
        %swap3A_974 = vector.shape_cast %swap3A_973 : vector<1x16xf32> to vector<16xf32>
        %swap3A_975 = vector.shape_cast %get3A_453 : vector<16xf32> to vector<1x16xf32>
        tpu.vector_store %arg7[%swap3A_971, %swap3A_972], %swap3A_975 {strides = array<i32>} : memref<676x128xf32, #tpu.memory_space<vmem>>, vector<1x16xf32>,
        %add3A_976 = arith.constant 5 : i32
        %add3A_977 = arith.addi %add3A_676, %add3A_976 : i32
        %swap3A_978 = arith.index_cast %add3A_977 : i32 to index
        %swap3A_979 = arith.constant 0 : index
        %swap3A_980 = tpu.vector_load %arg7[%swap3A_978, %swap3A_979] {strides = array<i32>} : memref<676x128xf32, #tpu.memory_space<vmem>>, vector<1x16xf32>,
        %swap3A_981 = vector.shape_cast %swap3A_980 : vector<1x16xf32> to vector<16xf32>
        %swap3A_982 = vector.shape_cast %get3A_681 : vector<16xf32> to vector<1x16xf32>
        tpu.vector_store %arg7[%swap3A_978, %swap3A_979], %swap3A_982 {strides = array<i32>} : memref<676x128xf32, #tpu.memory_space<vmem>>, vector<1x16xf32>,
        %add3A_983 = arith.constant 5 : i32
        %add3A_984 = arith.addi %add3A_676, %add3A_983 : i32
        %swap3A_985 = arith.index_cast %add3A_984 : i32 to index
        %swap3A_986 = arith.constant 16 : index
        %swap3A_987 = tpu.vector_load %arg7[%swap3A_985, %swap3A_986] {strides = array<i32>} : memref<676x128xf32, #tpu.memory_space<vmem>>, vector<1x16xf32>,
        %swap3A_988 = vector.shape_cast %swap3A_987 : vector<1x16xf32> to vector<16xf32>
        %swap3A_989 = vector.shape_cast %get3A_686 : vector<16xf32> to vector<1x16xf32>
        tpu.vector_store %arg7[%swap3A_985, %swap3A_986], %swap3A_989 {strides = array<i32>} : memref<676x128xf32, #tpu.memory_space<vmem>>, vector<1x16xf32>,
        %add3A_990 = arith.constant 5 : i32
        %add3A_991 = arith.addi %add3A_676, %add3A_990 : i32
        %swap3A_992 = arith.index_cast %add3A_991 : i32 to index
        %swap3A_993 = arith.constant 32 : index
        %swap3A_994 = tpu.vector_load %arg7[%swap3A_992, %swap3A_993] {strides = array<i32>} : memref<676x128xf32, #tpu.memory_space<vmem>>, vector<1x16xf32>,
        %swap3A_995 = vector.shape_cast %swap3A_994 : vector<1x16xf32> to vector<16xf32>
        %swap3A_996 = vector.shape_cast %get3A_691 : vector<16xf32> to vector<1x16xf32>
        tpu.vector_store %arg7[%swap3A_992, %swap3A_993], %swap3A_996 {strides = array<i32>} : memref<676x128xf32, #tpu.memory_space<vmem>>, vector<1x16xf32>,
        %add3A_997 = arith.constant 5 : i32
        %add3A_998 = arith.addi %add3A_676, %add3A_997 : i32
        %swap3A_999 = arith.index_cast %add3A_998 : i32 to index
        %swap3A_1000 = arith.constant 48 : index
        %swap3A_1001 = tpu.vector_load %arg7[%swap3A_999, %swap3A_1000] {strides = array<i32>} : memref<676x128xf32, #tpu.memory_space<vmem>>, vector<1x16xf32>,
        %swap3A_1002 = vector.shape_cast %swap3A_1001 : vector<1x16xf32> to vector<16xf32>
        %swap3A_1003 = vector.shape_cast %get3A_696 : vector<16xf32> to vector<1x16xf32>
        tpu.vector_store %arg7[%swap3A_999, %swap3A_1000], %swap3A_1003 {strides = array<i32>} : memref<676x128xf32, #tpu.memory_space<vmem>>, vector<1x16xf32>,
        %add3A_1004 = arith.constant 5 : i32
        %add3A_1005 = arith.addi %add3A_676, %add3A_1004 : i32
        %swap3A_1006 = arith.index_cast %add3A_1005 : i32 to index
        %swap3A_1007 = arith.constant 64 : index
        %swap3A_1008 = tpu.vector_load %arg7[%swap3A_1006, %swap3A_1007] {strides = array<i32>} : memref<676x128xf32, #tpu.memory_space<vmem>>, vector<1x16xf32>,
        %swap3A_1009 = vector.shape_cast %swap3A_1008 : vector<1x16xf32> to vector<16xf32>
        %swap3A_1010 = vector.shape_cast %get3A_459 : vector<16xf32> to vector<1x16xf32>
        tpu.vector_store %arg7[%swap3A_1006, %swap3A_1007], %swap3A_1010 {strides = array<i32>} : memref<676x128xf32, #tpu.memory_space<vmem>>, vector<1x16xf32>,
        %add3A_1011 = arith.constant 5 : i32
        %add3A_1012 = arith.addi %add3A_676, %add3A_1011 : i32
        %swap3A_1013 = arith.index_cast %add3A_1012 : i32 to index
        %swap3A_1014 = arith.constant 80 : index
        %swap3A_1015 = tpu.vector_load %arg7[%swap3A_1013, %swap3A_1014] {strides = array<i32>} : memref<676x128xf32, #tpu.memory_space<vmem>>, vector<1x16xf32>,
        %swap3A_1016 = vector.shape_cast %swap3A_1015 : vector<1x16xf32> to vector<16xf32>
        %swap3A_1017 = vector.shape_cast %get3A_465 : vector<16xf32> to vector<1x16xf32>
        tpu.vector_store %arg7[%swap3A_1013, %swap3A_1014], %swap3A_1017 {strides = array<i32>} : memref<676x128xf32, #tpu.memory_space<vmem>>, vector<1x16xf32>,
        %add3A_1018 = arith.constant 5 : i32
        %add3A_1019 = arith.addi %add3A_676, %add3A_1018 : i32
        %swap3A_1020 = arith.index_cast %add3A_1019 : i32 to index
        %swap3A_1021 = arith.constant 96 : index
        %swap3A_1022 = tpu.vector_load %arg7[%swap3A_1020, %swap3A_1021] {strides = array<i32>} : memref<676x128xf32, #tpu.memory_space<vmem>>, vector<1x16xf32>,
        %swap3A_1023 = vector.shape_cast %swap3A_1022 : vector<1x16xf32> to vector<16xf32>
        %swap3A_1024 = vector.shape_cast %get3A_471 : vector<16xf32> to vector<1x16xf32>
        tpu.vector_store %arg7[%swap3A_1020, %swap3A_1021], %swap3A_1024 {strides = array<i32>} : memref<676x128xf32, #tpu.memory_space<vmem>>, vector<1x16xf32>,
        %add3A_1025 = arith.constant 5 : i32
        %add3A_1026 = arith.addi %add3A_676, %add3A_1025 : i32
        %swap3A_1027 = arith.index_cast %add3A_1026 : i32 to index
        %swap3A_1028 = arith.constant 112 : index
        %swap3A_1029 = tpu.vector_load %arg7[%swap3A_1027, %swap3A_1028] {strides = array<i32>} : memref<676x128xf32, #tpu.memory_space<vmem>>, vector<1x16xf32>,
        %swap3A_1030 = vector.shape_cast %swap3A_1029 : vector<1x16xf32> to vector<16xf32>
        %swap3A_1031 = vector.shape_cast %get3A_477 : vector<16xf32> to vector<1x16xf32>
        tpu.vector_store %arg7[%swap3A_1027, %swap3A_1028], %swap3A_1031 {strides = array<i32>} : memref<676x128xf32, #tpu.memory_space<vmem>>, vector<1x16xf32>,
        %add3A_1032 = arith.constant 6 : i32
        %add3A_1033 = arith.addi %add3A_676, %add3A_1032 : i32
        %swap3A_1034 = arith.index_cast %add3A_1033 : i32 to index
        %swap3A_1035 = arith.constant 0 : index
        %swap3A_1036 = tpu.vector_load %arg7[%swap3A_1034, %swap3A_1035] {strides = array<i32>} : memref<676x128xf32, #tpu.memory_space<vmem>>, vector<1x16xf32>,
        %swap3A_1037 = vector.shape_cast %swap3A_1036 : vector<1x16xf32> to vector<16xf32>
        %swap3A_1038 = vector.shape_cast %get3A_681 : vector<16xf32> to vector<1x16xf32>
        tpu.vector_store %arg7[%swap3A_1034, %swap3A_1035], %swap3A_1038 {strides = array<i32>} : memref<676x128xf32, #tpu.memory_space<vmem>>, vector<1x16xf32>,
        %add3A_1039 = arith.constant 6 : i32
        %add3A_1040 = arith.addi %add3A_676, %add3A_1039 : i32
        %swap3A_1041 = arith.index_cast %add3A_1040 : i32 to index
        %swap3A_1042 = arith.constant 16 : index
        %swap3A_1043 = tpu.vector_load %arg7[%swap3A_1041, %swap3A_1042] {strides = array<i32>} : memref<676x128xf32, #tpu.memory_space<vmem>>, vector<1x16xf32>,
        %swap3A_1044 = vector.shape_cast %swap3A_1043 : vector<1x16xf32> to vector<16xf32>
        %swap3A_1045 = vector.shape_cast %get3A_686 : vector<16xf32> to vector<1x16xf32>
        tpu.vector_store %arg7[%swap3A_1041, %swap3A_1042], %swap3A_1045 {strides = array<i32>} : memref<676x128xf32, #tpu.memory_space<vmem>>, vector<1x16xf32>,
        %add3A_1046 = arith.constant 6 : i32
        %add3A_1047 = arith.addi %add3A_676, %add3A_1046 : i32
        %swap3A_1048 = arith.index_cast %add3A_1047 : i32 to index
        %swap3A_1049 = arith.constant 32 : index
        %swap3A_1050 = tpu.vector_load %arg7[%swap3A_1048, %swap3A_1049] {strides = array<i32>} : memref<676x128xf32, #tpu.memory_space<vmem>>, vector<1x16xf32>,
        %swap3A_1051 = vector.shape_cast %swap3A_1050 : vector<1x16xf32> to vector<16xf32>
        %swap3A_1052 = vector.shape_cast %get3A_691 : vector<16xf32> to vector<1x16xf32>
        tpu.vector_store %arg7[%swap3A_1048, %swap3A_1049], %swap3A_1052 {strides = array<i32>} : memref<676x128xf32, #tpu.memory_space<vmem>>, vector<1x16xf32>,
        %add3A_1053 = arith.constant 6 : i32
        %add3A_1054 = arith.addi %add3A_676, %add3A_1053 : i32
        %swap3A_1055 = arith.index_cast %add3A_1054 : i32 to index
        %swap3A_1056 = arith.constant 48 : index
        %swap3A_1057 = tpu.vector_load %arg7[%swap3A_1055, %swap3A_1056] {strides = array<i32>} : memref<676x128xf32, #tpu.memory_space<vmem>>, vector<1x16xf32>,
        %swap3A_1058 = vector.shape_cast %swap3A_1057 : vector<1x16xf32> to vector<16xf32>
        %swap3A_1059 = vector.shape_cast %get3A_696 : vector<16xf32> to vector<1x16xf32>
        tpu.vector_store %arg7[%swap3A_1055, %swap3A_1056], %swap3A_1059 {strides = array<i32>} : memref<676x128xf32, #tpu.memory_space<vmem>>, vector<1x16xf32>,
        %add3A_1060 = arith.constant 6 : i32
        %add3A_1061 = arith.addi %add3A_676, %add3A_1060 : i32
        %swap3A_1062 = arith.index_cast %add3A_1061 : i32 to index
        %swap3A_1063 = arith.constant 64 : index
        %swap3A_1064 = tpu.vector_load %arg7[%swap3A_1062, %swap3A_1063] {strides = array<i32>} : memref<676x128xf32, #tpu.memory_space<vmem>>, vector<1x16xf32>,
        %swap3A_1065 = vector.shape_cast %swap3A_1064 : vector<1x16xf32> to vector<16xf32>
        %swap3A_1066 = vector.shape_cast %get3A_483 : vector<16xf32> to vector<1x16xf32>
        tpu.vector_store %arg7[%swap3A_1062, %swap3A_1063], %swap3A_1066 {strides = array<i32>} : memref<676x128xf32, #tpu.memory_space<vmem>>, vector<1x16xf32>,
        %add3A_1067 = arith.constant 6 : i32
        %add3A_1068 = arith.addi %add3A_676, %add3A_1067 : i32
        %swap3A_1069 = arith.index_cast %add3A_1068 : i32 to index
        %swap3A_1070 = arith.constant 80 : index
        %swap3A_1071 = tpu.vector_load %arg7[%swap3A_1069, %swap3A_1070] {strides = array<i32>} : memref<676x128xf32, #tpu.memory_space<vmem>>, vector<1x16xf32>,
        %swap3A_1072 = vector.shape_cast %swap3A_1071 : vector<1x16xf32> to vector<16xf32>
        %swap3A_1073 = vector.shape_cast %get3A_489 : vector<16xf32> to vector<1x16xf32>
        tpu.vector_store %arg7[%swap3A_1069, %swap3A_1070], %swap3A_1073 {strides = array<i32>} : memref<676x128xf32, #tpu.memory_space<vmem>>, vector<1x16xf32>,
        %add3A_1074 = arith.constant 6 : i32
        %add3A_1075 = arith.addi %add3A_676, %add3A_1074 : i32
        %swap3A_1076 = arith.index_cast %add3A_1075 : i32 to index
        %swap3A_1077 = arith.constant 96 : index
        %swap3A_1078 = tpu.vector_load %arg7[%swap3A_1076, %swap3A_1077] {strides = array<i32>} : memref<676x128xf32, #tpu.memory_space<vmem>>, vector<1x16xf32>,
        %swap3A_1079 = vector.shape_cast %swap3A_1078 : vector<1x16xf32> to vector<16xf32>
        %swap3A_1080 = vector.shape_cast %get3A_495 : vector<16xf32> to vector<1x16xf32>
        tpu.vector_store %arg7[%swap3A_1076, %swap3A_1077], %swap3A_1080 {strides = array<i32>} : memref<676x128xf32, #tpu.memory_space<vmem>>, vector<1x16xf32>,
        %add3A_1081 = arith.constant 6 : i32
        %add3A_1082 = arith.addi %add3A_676, %add3A_1081 : i32
        %swap3A_1083 = arith.index_cast %add3A_1082 : i32 to index
        %swap3A_1084 = arith.constant 112 : index
        %swap3A_1085 = tpu.vector_load %arg7[%swap3A_1083, %swap3A_1084] {strides = array<i32>} : memref<676x128xf32, #tpu.memory_space<vmem>>, vector<1x16xf32>,
        %swap3A_1086 = vector.shape_cast %swap3A_1085 : vector<1x16xf32> to vector<16xf32>
        %swap3A_1087 = vector.shape_cast %get3A_501 : vector<16xf32> to vector<1x16xf32>
        tpu.vector_store %arg7[%swap3A_1083, %swap3A_1084], %swap3A_1087 {strides = array<i32>} : memref<676x128xf32, #tpu.memory_space<vmem>>, vector<1x16xf32>,
        %add3A_1088 = arith.constant 7 : i32
        %add3A_1089 = arith.addi %add3A_676, %add3A_1088 : i32
        %swap3A_1090 = arith.index_cast %add3A_1089 : i32 to index
        %swap3A_1091 = arith.constant 0 : index
        %swap3A_1092 = tpu.vector_load %arg7[%swap3A_1090, %swap3A_1091] {strides = array<i32>} : memref<676x128xf32, #tpu.memory_space<vmem>>, vector<1x16xf32>,
        %swap3A_1093 = vector.shape_cast %swap3A_1092 : vector<1x16xf32> to vector<16xf32>
        %swap3A_1094 = vector.shape_cast %get3A_681 : vector<16xf32> to vector<1x16xf32>
        tpu.vector_store %arg7[%swap3A_1090, %swap3A_1091], %swap3A_1094 {strides = array<i32>} : memref<676x128xf32, #tpu.memory_space<vmem>>, vector<1x16xf32>,
        %add3A_1095 = arith.constant 7 : i32
        %add3A_1096 = arith.addi %add3A_676, %add3A_1095 : i32
        %swap3A_1097 = arith.index_cast %add3A_1096 : i32 to index
        %swap3A_1098 = arith.constant 16 : index
        %swap3A_1099 = tpu.vector_load %arg7[%swap3A_1097, %swap3A_1098] {strides = array<i32>} : memref<676x128xf32, #tpu.memory_space<vmem>>, vector<1x16xf32>,
        %swap3A_1100 = vector.shape_cast %swap3A_1099 : vector<1x16xf32> to vector<16xf32>
        %swap3A_1101 = vector.shape_cast %get3A_686 : vector<16xf32> to vector<1x16xf32>
        tpu.vector_store %arg7[%swap3A_1097, %swap3A_1098], %swap3A_1101 {strides = array<i32>} : memref<676x128xf32, #tpu.memory_space<vmem>>, vector<1x16xf32>,
        %add3A_1102 = arith.constant 7 : i32
        %add3A_1103 = arith.addi %add3A_676, %add3A_1102 : i32
        %swap3A_1104 = arith.index_cast %add3A_1103 : i32 to index
        %swap3A_1105 = arith.constant 32 : index
        %swap3A_1106 = tpu.vector_load %arg7[%swap3A_1104, %swap3A_1105] {strides = array<i32>} : memref<676x128xf32, #tpu.memory_space<vmem>>, vector<1x16xf32>,
        %swap3A_1107 = vector.shape_cast %swap3A_1106 : vector<1x16xf32> to vector<16xf32>
        %swap3A_1108 = vector.shape_cast %get3A_691 : vector<16xf32> to vector<1x16xf32>
        tpu.vector_store %arg7[%swap3A_1104, %swap3A_1105], %swap3A_1108 {strides = array<i32>} : memref<676x128xf32, #tpu.memory_space<vmem>>, vector<1x16xf32>,
        %add3A_1109 = arith.constant 7 : i32
        %add3A_1110 = arith.addi %add3A_676, %add3A_1109 : i32
        %swap3A_1111 = arith.index_cast %add3A_1110 : i32 to index
        %swap3A_1112 = arith.constant 48 : index
        %swap3A_1113 = tpu.vector_load %arg7[%swap3A_1111, %swap3A_1112] {strides = array<i32>} : memref<676x128xf32, #tpu.memory_space<vmem>>, vector<1x16xf32>,
        %swap3A_1114 = vector.shape_cast %swap3A_1113 : vector<1x16xf32> to vector<16xf32>
        %swap3A_1115 = vector.shape_cast %get3A_696 : vector<16xf32> to vector<1x16xf32>
        tpu.vector_store %arg7[%swap3A_1111, %swap3A_1112], %swap3A_1115 {strides = array<i32>} : memref<676x128xf32, #tpu.memory_space<vmem>>, vector<1x16xf32>,
        %add3A_1116 = arith.constant 7 : i32
        %add3A_1117 = arith.addi %add3A_676, %add3A_1116 : i32
        %swap3A_1118 = arith.index_cast %add3A_1117 : i32 to index
        %swap3A_1119 = arith.constant 64 : index
        %swap3A_1120 = tpu.vector_load %arg7[%swap3A_1118, %swap3A_1119] {strides = array<i32>} : memref<676x128xf32, #tpu.memory_space<vmem>>, vector<1x16xf32>,
        %swap3A_1121 = vector.shape_cast %swap3A_1120 : vector<1x16xf32> to vector<16xf32>
        %swap3A_1122 = vector.shape_cast %get3A_507 : vector<16xf32> to vector<1x16xf32>
        tpu.vector_store %arg7[%swap3A_1118, %swap3A_1119], %swap3A_1122 {strides = array<i32>} : memref<676x128xf32, #tpu.memory_space<vmem>>, vector<1x16xf32>,
        %add3A_1123 = arith.constant 7 : i32
        %add3A_1124 = arith.addi %add3A_676, %add3A_1123 : i32
        %swap3A_1125 = arith.index_cast %add3A_1124 : i32 to index
        %swap3A_1126 = arith.constant 80 : index
        %swap3A_1127 = tpu.vector_load %arg7[%swap3A_1125, %swap3A_1126] {strides = array<i32>} : memref<676x128xf32, #tpu.memory_space<vmem>>, vector<1x16xf32>,
        %swap3A_1128 = vector.shape_cast %swap3A_1127 : vector<1x16xf32> to vector<16xf32>
        %swap3A_1129 = vector.shape_cast %get3A_513 : vector<16xf32> to vector<1x16xf32>
        tpu.vector_store %arg7[%swap3A_1125, %swap3A_1126], %swap3A_1129 {strides = array<i32>} : memref<676x128xf32, #tpu.memory_space<vmem>>, vector<1x16xf32>,
        %add3A_1130 = arith.constant 7 : i32
        %add3A_1131 = arith.addi %add3A_676, %add3A_1130 : i32
        %swap3A_1132 = arith.index_cast %add3A_1131 : i32 to index
        %swap3A_1133 = arith.constant 96 : index
        %swap3A_1134 = tpu.vector_load %arg7[%swap3A_1132, %swap3A_1133] {strides = array<i32>} : memref<676x128xf32, #tpu.memory_space<vmem>>, vector<1x16xf32>,
        %swap3A_1135 = vector.shape_cast %swap3A_1134 : vector<1x16xf32> to vector<16xf32>
        %swap3A_1136 = vector.shape_cast %get3A_519 : vector<16xf32> to vector<1x16xf32>
        tpu.vector_store %arg7[%swap3A_1132, %swap3A_1133], %swap3A_1136 {strides = array<i32>} : memref<676x128xf32, #tpu.memory_space<vmem>>, vector<1x16xf32>,
        %add3A_1137 = arith.constant 7 : i32
        %add3A_1138 = arith.addi %add3A_676, %add3A_1137 : i32
        %swap3A_1139 = arith.index_cast %add3A_1138 : i32 to index
        %swap3A_1140 = arith.constant 112 : index
        %swap3A_1141 = tpu.vector_load %arg7[%swap3A_1139, %swap3A_1140] {strides = array<i32>} : memref<676x128xf32, #tpu.memory_space<vmem>>, vector<1x16xf32>,
        %swap3A_1142 = vector.shape_cast %swap3A_1141 : vector<1x16xf32> to vector<16xf32>
        %swap3A_1143 = vector.shape_cast %get3A_525 : vector<16xf32> to vector<1x16xf32>
        tpu.vector_store %arg7[%swap3A_1139, %swap3A_1140], %swap3A_1143 {strides = array<i32>} : memref<676x128xf32, #tpu.memory_space<vmem>>, vector<1x16xf32>,
        %add3A_1144 = arith.constant 8 : i32
        %add3A_1145 = arith.addi %add3A_676, %add3A_1144 : i32
        %swap3A_1146 = arith.index_cast %add3A_1145 : i32 to index
        %swap3A_1147 = arith.constant 0 : index
        %swap3A_1148 = tpu.vector_load %arg7[%swap3A_1146, %swap3A_1147] {strides = array<i32>} : memref<676x128xf32, #tpu.memory_space<vmem>>, vector<1x16xf32>,
        %swap3A_1149 = vector.shape_cast %swap3A_1148 : vector<1x16xf32> to vector<16xf32>
        %swap3A_1150 = vector.shape_cast %get3A_681 : vector<16xf32> to vector<1x16xf32>
        tpu.vector_store %arg7[%swap3A_1146, %swap3A_1147], %swap3A_1150 {strides = array<i32>} : memref<676x128xf32, #tpu.memory_space<vmem>>, vector<1x16xf32>,
        %add3A_1151 = arith.constant 8 : i32
        %add3A_1152 = arith.addi %add3A_676, %add3A_1151 : i32
        %swap3A_1153 = arith.index_cast %add3A_1152 : i32 to index
        %swap3A_1154 = arith.constant 16 : index
        %swap3A_1155 = tpu.vector_load %arg7[%swap3A_1153, %swap3A_1154] {strides = array<i32>} : memref<676x128xf32, #tpu.memory_space<vmem>>, vector<1x16xf32>,
        %swap3A_1156 = vector.shape_cast %swap3A_1155 : vector<1x16xf32> to vector<16xf32>
        %swap3A_1157 = vector.shape_cast %get3A_686 : vector<16xf32> to vector<1x16xf32>
        tpu.vector_store %arg7[%swap3A_1153, %swap3A_1154], %swap3A_1157 {strides = array<i32>} : memref<676x128xf32, #tpu.memory_space<vmem>>, vector<1x16xf32>,
        %add3A_1158 = arith.constant 8 : i32
        %add3A_1159 = arith.addi %add3A_676, %add3A_1158 : i32
        %swap3A_1160 = arith.index_cast %add3A_1159 : i32 to index
        %swap3A_1161 = arith.constant 32 : index
        %swap3A_1162 = tpu.vector_load %arg7[%swap3A_1160, %swap3A_1161] {strides = array<i32>} : memref<676x128xf32, #tpu.memory_space<vmem>>, vector<1x16xf32>,
        %swap3A_1163 = vector.shape_cast %swap3A_1162 : vector<1x16xf32> to vector<16xf32>
        %swap3A_1164 = vector.shape_cast %get3A_691 : vector<16xf32> to vector<1x16xf32>
        tpu.vector_store %arg7[%swap3A_1160, %swap3A_1161], %swap3A_1164 {strides = array<i32>} : memref<676x128xf32, #tpu.memory_space<vmem>>, vector<1x16xf32>,
        %add3A_1165 = arith.constant 8 : i32
        %add3A_1166 = arith.addi %add3A_676, %add3A_1165 : i32
        %swap3A_1167 = arith.index_cast %add3A_1166 : i32 to index
        %swap3A_1168 = arith.constant 48 : index
        %swap3A_1169 = tpu.vector_load %arg7[%swap3A_1167, %swap3A_1168] {strides = array<i32>} : memref<676x128xf32, #tpu.memory_space<vmem>>, vector<1x16xf32>,
        %swap3A_1170 = vector.shape_cast %swap3A_1169 : vector<1x16xf32> to vector<16xf32>
        %swap3A_1171 = vector.shape_cast %get3A_696 : vector<16xf32> to vector<1x16xf32>
        tpu.vector_store %arg7[%swap3A_1167, %swap3A_1168], %swap3A_1171 {strides = array<i32>} : memref<676x128xf32, #tpu.memory_space<vmem>>, vector<1x16xf32>,
        %add3A_1172 = arith.constant 8 : i32
        %add3A_1173 = arith.addi %add3A_676, %add3A_1172 : i32
        %swap3A_1174 = arith.index_cast %add3A_1173 : i32 to index
        %swap3A_1175 = arith.constant 64 : index
        %swap3A_1176 = tpu.vector_load %arg7[%swap3A_1174, %swap3A_1175] {strides = array<i32>} : memref<676x128xf32, #tpu.memory_space<vmem>>, vector<1x16xf32>,
        %swap3A_1177 = vector.shape_cast %swap3A_1176 : vector<1x16xf32> to vector<16xf32>
        %swap3A_1178 = vector.shape_cast %get3A_531 : vector<16xf32> to vector<1x16xf32>
        tpu.vector_store %arg7[%swap3A_1174, %swap3A_1175], %swap3A_1178 {strides = array<i32>} : memref<676x128xf32, #tpu.memory_space<vmem>>, vector<1x16xf32>,
        %add3A_1179 = arith.constant 8 : i32
        %add3A_1180 = arith.addi %add3A_676, %add3A_1179 : i32
        %swap3A_1181 = arith.index_cast %add3A_1180 : i32 to index
        %swap3A_1182 = arith.constant 80 : index
        %swap3A_1183 = tpu.vector_load %arg7[%swap3A_1181, %swap3A_1182] {strides = array<i32>} : memref<676x128xf32, #tpu.memory_space<vmem>>, vector<1x16xf32>,
        %swap3A_1184 = vector.shape_cast %swap3A_1183 : vector<1x16xf32> to vector<16xf32>
        %swap3A_1185 = vector.shape_cast %get3A_537 : vector<16xf32> to vector<1x16xf32>
        tpu.vector_store %arg7[%swap3A_1181, %swap3A_1182], %swap3A_1185 {strides = array<i32>} : memref<676x128xf32, #tpu.memory_space<vmem>>, vector<1x16xf32>,
        %add3A_1186 = arith.constant 8 : i32
        %add3A_1187 = arith.addi %add3A_676, %add3A_1186 : i32
        %swap3A_1188 = arith.index_cast %add3A_1187 : i32 to index
        %swap3A_1189 = arith.constant 96 : index
        %swap3A_1190 = tpu.vector_load %arg7[%swap3A_1188, %swap3A_1189] {strides = array<i32>} : memref<676x128xf32, #tpu.memory_space<vmem>>, vector<1x16xf32>,
        %swap3A_1191 = vector.shape_cast %swap3A_1190 : vector<1x16xf32> to vector<16xf32>
        %swap3A_1192 = vector.shape_cast %get3A_543 : vector<16xf32> to vector<1x16xf32>
        tpu.vector_store %arg7[%swap3A_1188, %swap3A_1189], %swap3A_1192 {strides = array<i32>} : memref<676x128xf32, #tpu.memory_space<vmem>>, vector<1x16xf32>,
        %add3A_1193 = arith.constant 8 : i32
        %add3A_1194 = arith.addi %add3A_676, %add3A_1193 : i32
        %swap3A_1195 = arith.index_cast %add3A_1194 : i32 to index
        %swap3A_1196 = arith.constant 112 : index
        %swap3A_1197 = tpu.vector_load %arg7[%swap3A_1195, %swap3A_1196] {strides = array<i32>} : memref<676x128xf32, #tpu.memory_space<vmem>>, vector<1x16xf32>,
        %swap3A_1198 = vector.shape_cast %swap3A_1197 : vector<1x16xf32> to vector<16xf32>
        %swap3A_1199 = vector.shape_cast %get3A_549 : vector<16xf32> to vector<1x16xf32>
        tpu.vector_store %arg7[%swap3A_1195, %swap3A_1196], %swap3A_1199 {strides = array<i32>} : memref<676x128xf32, #tpu.memory_space<vmem>>, vector<1x16xf32>,
        %add3A_1200 = arith.constant 9 : i32
        %add3A_1201 = arith.addi %add3A_676, %add3A_1200 : i32
        %swap3A_1202 = arith.index_cast %add3A_1201 : i32 to index
        %swap3A_1203 = arith.constant 0 : index
        %swap3A_1204 = tpu.vector_load %arg7[%swap3A_1202, %swap3A_1203] {strides = array<i32>} : memref<676x128xf32, #tpu.memory_space<vmem>>, vector<1x16xf32>,
        %swap3A_1205 = vector.shape_cast %swap3A_1204 : vector<1x16xf32> to vector<16xf32>
        %swap3A_1206 = vector.shape_cast %get3A_681 : vector<16xf32> to vector<1x16xf32>
        tpu.vector_store %arg7[%swap3A_1202, %swap3A_1203], %swap3A_1206 {strides = array<i32>} : memref<676x128xf32, #tpu.memory_space<vmem>>, vector<1x16xf32>,
        %add3A_1207 = arith.constant 9 : i32
        %add3A_1208 = arith.addi %add3A_676, %add3A_1207 : i32
        %swap3A_1209 = arith.index_cast %add3A_1208 : i32 to index
        %swap3A_1210 = arith.constant 16 : index
        %swap3A_1211 = tpu.vector_load %arg7[%swap3A_1209, %swap3A_1210] {strides = array<i32>} : memref<676x128xf32, #tpu.memory_space<vmem>>, vector<1x16xf32>,
        %swap3A_1212 = vector.shape_cast %swap3A_1211 : vector<1x16xf32> to vector<16xf32>
        %swap3A_1213 = vector.shape_cast %get3A_686 : vector<16xf32> to vector<1x16xf32>
        tpu.vector_store %arg7[%swap3A_1209, %swap3A_1210], %swap3A_1213 {strides = array<i32>} : memref<676x128xf32, #tpu.memory_space<vmem>>, vector<1x16xf32>,
        %add3A_1214 = arith.constant 9 : i32
        %add3A_1215 = arith.addi %add3A_676, %add3A_1214 : i32
        %swap3A_1216 = arith.index_cast %add3A_1215 : i32 to index
        %swap3A_1217 = arith.constant 32 : index
        %swap3A_1218 = tpu.vector_load %arg7[%swap3A_1216, %swap3A_1217] {strides = array<i32>} : memref<676x128xf32, #tpu.memory_space<vmem>>, vector<1x16xf32>,
        %swap3A_1219 = vector.shape_cast %swap3A_1218 : vector<1x16xf32> to vector<16xf32>
        %swap3A_1220 = vector.shape_cast %get3A_691 : vector<16xf32> to vector<1x16xf32>
        tpu.vector_store %arg7[%swap3A_1216, %swap3A_1217], %swap3A_1220 {strides = array<i32>} : memref<676x128xf32, #tpu.memory_space<vmem>>, vector<1x16xf32>,
        %add3A_1221 = arith.constant 9 : i32
        %add3A_1222 = arith.addi %add3A_676, %add3A_1221 : i32
        %swap3A_1223 = arith.index_cast %add3A_1222 : i32 to index
        %swap3A_1224 = arith.constant 48 : index
        %swap3A_1225 = tpu.vector_load %arg7[%swap3A_1223, %swap3A_1224] {strides = array<i32>} : memref<676x128xf32, #tpu.memory_space<vmem>>, vector<1x16xf32>,
        %swap3A_1226 = vector.shape_cast %swap3A_1225 : vector<1x16xf32> to vector<16xf32>
        %swap3A_1227 = vector.shape_cast %get3A_696 : vector<16xf32> to vector<1x16xf32>
        tpu.vector_store %arg7[%swap3A_1223, %swap3A_1224], %swap3A_1227 {strides = array<i32>} : memref<676x128xf32, #tpu.memory_space<vmem>>, vector<1x16xf32>,
        %add3A_1228 = arith.constant 9 : i32
        %add3A_1229 = arith.addi %add3A_676, %add3A_1228 : i32
        %swap3A_1230 = arith.index_cast %add3A_1229 : i32 to index
        %swap3A_1231 = arith.constant 64 : index
        %swap3A_1232 = tpu.vector_load %arg7[%swap3A_1230, %swap3A_1231] {strides = array<i32>} : memref<676x128xf32, #tpu.memory_space<vmem>>, vector<1x16xf32>,
        %swap3A_1233 = vector.shape_cast %swap3A_1232 : vector<1x16xf32> to vector<16xf32>
        %swap3A_1234 = vector.shape_cast %get3A_555 : vector<16xf32> to vector<1x16xf32>
        tpu.vector_store %arg7[%swap3A_1230, %swap3A_1231], %swap3A_1234 {strides = array<i32>} : memref<676x128xf32, #tpu.memory_space<vmem>>, vector<1x16xf32>,
        %add3A_1235 = arith.constant 9 : i32
        %add3A_1236 = arith.addi %add3A_676, %add3A_1235 : i32
        %swap3A_1237 = arith.index_cast %add3A_1236 : i32 to index
        %swap3A_1238 = arith.constant 80 : index
        %swap3A_1239 = tpu.vector_load %arg7[%swap3A_1237, %swap3A_1238] {strides = array<i32>} : memref<676x128xf32, #tpu.memory_space<vmem>>, vector<1x16xf32>,
        %swap3A_1240 = vector.shape_cast %swap3A_1239 : vector<1x16xf32> to vector<16xf32>
        %swap3A_1241 = vector.shape_cast %get3A_561 : vector<16xf32> to vector<1x16xf32>
        tpu.vector_store %arg7[%swap3A_1237, %swap3A_1238], %swap3A_1241 {strides = array<i32>} : memref<676x128xf32, #tpu.memory_space<vmem>>, vector<1x16xf32>,
        %add3A_1242 = arith.constant 9 : i32
        %add3A_1243 = arith.addi %add3A_676, %add3A_1242 : i32
        %swap3A_1244 = arith.index_cast %add3A_1243 : i32 to index
        %swap3A_1245 = arith.constant 96 : index
        %swap3A_1246 = tpu.vector_load %arg7[%swap3A_1244, %swap3A_1245] {strides = array<i32>} : memref<676x128xf32, #tpu.memory_space<vmem>>, vector<1x16xf32>,
        %swap3A_1247 = vector.shape_cast %swap3A_1246 : vector<1x16xf32> to vector<16xf32>
        %swap3A_1248 = vector.shape_cast %get3A_567 : vector<16xf32> to vector<1x16xf32>
        tpu.vector_store %arg7[%swap3A_1244, %swap3A_1245], %swap3A_1248 {strides = array<i32>} : memref<676x128xf32, #tpu.memory_space<vmem>>, vector<1x16xf32>,
        %add3A_1249 = arith.constant 9 : i32
        %add3A_1250 = arith.addi %add3A_676, %add3A_1249 : i32
        %swap3A_1251 = arith.index_cast %add3A_1250 : i32 to index
        %swap3A_1252 = arith.constant 112 : index
        %swap3A_1253 = tpu.vector_load %arg7[%swap3A_1251, %swap3A_1252] {strides = array<i32>} : memref<676x128xf32, #tpu.memory_space<vmem>>, vector<1x16xf32>,
        %swap3A_1254 = vector.shape_cast %swap3A_1253 : vector<1x16xf32> to vector<16xf32>
        %swap3A_1255 = vector.shape_cast %get3A_573 : vector<16xf32> to vector<1x16xf32>
        tpu.vector_store %arg7[%swap3A_1251, %swap3A_1252], %swap3A_1255 {strides = array<i32>} : memref<676x128xf32, #tpu.memory_space<vmem>>, vector<1x16xf32>,
        %add3A_1256 = arith.constant 10 : i32
        %add3A_1257 = arith.addi %add3A_676, %add3A_1256 : i32
        %swap3A_1258 = arith.index_cast %add3A_1257 : i32 to index
        %swap3A_1259 = arith.constant 0 : index
        %swap3A_1260 = tpu.vector_load %arg7[%swap3A_1258, %swap3A_1259] {strides = array<i32>} : memref<676x128xf32, #tpu.memory_space<vmem>>, vector<1x16xf32>,
        %swap3A_1261 = vector.shape_cast %swap3A_1260 : vector<1x16xf32> to vector<16xf32>
        %swap3A_1262 = vector.shape_cast %get3A_681 : vector<16xf32> to vector<1x16xf32>
        tpu.vector_store %arg7[%swap3A_1258, %swap3A_1259], %swap3A_1262 {strides = array<i32>} : memref<676x128xf32, #tpu.memory_space<vmem>>, vector<1x16xf32>,
        %add3A_1263 = arith.constant 10 : i32
        %add3A_1264 = arith.addi %add3A_676, %add3A_1263 : i32
        %swap3A_1265 = arith.index_cast %add3A_1264 : i32 to index
        %swap3A_1266 = arith.constant 16 : index
        %swap3A_1267 = tpu.vector_load %arg7[%swap3A_1265, %swap3A_1266] {strides = array<i32>} : memref<676x128xf32, #tpu.memory_space<vmem>>, vector<1x16xf32>,
        %swap3A_1268 = vector.shape_cast %swap3A_1267 : vector<1x16xf32> to vector<16xf32>
        %swap3A_1269 = vector.shape_cast %get3A_686 : vector<16xf32> to vector<1x16xf32>
        tpu.vector_store %arg7[%swap3A_1265, %swap3A_1266], %swap3A_1269 {strides = array<i32>} : memref<676x128xf32, #tpu.memory_space<vmem>>, vector<1x16xf32>,
        %add3A_1270 = arith.constant 10 : i32
        %add3A_1271 = arith.addi %add3A_676, %add3A_1270 : i32
        %swap3A_1272 = arith.index_cast %add3A_1271 : i32 to index
        %swap3A_1273 = arith.constant 32 : index
        %swap3A_1274 = tpu.vector_load %arg7[%swap3A_1272, %swap3A_1273] {strides = array<i32>} : memref<676x128xf32, #tpu.memory_space<vmem>>, vector<1x16xf32>,
        %swap3A_1275 = vector.shape_cast %swap3A_1274 : vector<1x16xf32> to vector<16xf32>
        %swap3A_1276 = vector.shape_cast %get3A_691 : vector<16xf32> to vector<1x16xf32>
        tpu.vector_store %arg7[%swap3A_1272, %swap3A_1273], %swap3A_1276 {strides = array<i32>} : memref<676x128xf32, #tpu.memory_space<vmem>>, vector<1x16xf32>,
        %add3A_1277 = arith.constant 10 : i32
        %add3A_1278 = arith.addi %add3A_676, %add3A_1277 : i32
        %swap3A_1279 = arith.index_cast %add3A_1278 : i32 to index
        %swap3A_1280 = arith.constant 48 : index
        %swap3A_1281 = tpu.vector_load %arg7[%swap3A_1279, %swap3A_1280] {strides = array<i32>} : memref<676x128xf32, #tpu.memory_space<vmem>>, vector<1x16xf32>,
        %swap3A_1282 = vector.shape_cast %swap3A_1281 : vector<1x16xf32> to vector<16xf32>
        %swap3A_1283 = vector.shape_cast %get3A_696 : vector<16xf32> to vector<1x16xf32>
        tpu.vector_store %arg7[%swap3A_1279, %swap3A_1280], %swap3A_1283 {strides = array<i32>} : memref<676x128xf32, #tpu.memory_space<vmem>>, vector<1x16xf32>,
        %add3A_1284 = arith.constant 10 : i32
        %add3A_1285 = arith.addi %add3A_676, %add3A_1284 : i32
        %swap3A_1286 = arith.index_cast %add3A_1285 : i32 to index
        %swap3A_1287 = arith.constant 64 : index
        %swap3A_1288 = tpu.vector_load %arg7[%swap3A_1286, %swap3A_1287] {strides = array<i32>} : memref<676x128xf32, #tpu.memory_space<vmem>>, vector<1x16xf32>,
        %swap3A_1289 = vector.shape_cast %swap3A_1288 : vector<1x16xf32> to vector<16xf32>
        %swap3A_1290 = vector.shape_cast %get3A_579 : vector<16xf32> to vector<1x16xf32>
        tpu.vector_store %arg7[%swap3A_1286, %swap3A_1287], %swap3A_1290 {strides = array<i32>} : memref<676x128xf32, #tpu.memory_space<vmem>>, vector<1x16xf32>,
        %add3A_1291 = arith.constant 10 : i32
        %add3A_1292 = arith.addi %add3A_676, %add3A_1291 : i32
        %swap3A_1293 = arith.index_cast %add3A_1292 : i32 to index
        %swap3A_1294 = arith.constant 80 : index
        %swap3A_1295 = tpu.vector_load %arg7[%swap3A_1293, %swap3A_1294] {strides = array<i32>} : memref<676x128xf32, #tpu.memory_space<vmem>>, vector<1x16xf32>,
        %swap3A_1296 = vector.shape_cast %swap3A_1295 : vector<1x16xf32> to vector<16xf32>
        %swap3A_1297 = vector.shape_cast %get3A_585 : vector<16xf32> to vector<1x16xf32>
        tpu.vector_store %arg7[%swap3A_1293, %swap3A_1294], %swap3A_1297 {strides = array<i32>} : memref<676x128xf32, #tpu.memory_space<vmem>>, vector<1x16xf32>,
        %add3A_1298 = arith.constant 10 : i32
        %add3A_1299 = arith.addi %add3A_676, %add3A_1298 : i32
        %swap3A_1300 = arith.index_cast %add3A_1299 : i32 to index
        %swap3A_1301 = arith.constant 96 : index
        %swap3A_1302 = tpu.vector_load %arg7[%swap3A_1300, %swap3A_1301] {strides = array<i32>} : memref<676x128xf32, #tpu.memory_space<vmem>>, vector<1x16xf32>,
        %swap3A_1303 = vector.shape_cast %swap3A_1302 : vector<1x16xf32> to vector<16xf32>
        %swap3A_1304 = vector.shape_cast %get3A_591 : vector<16xf32> to vector<1x16xf32>
        tpu.vector_store %arg7[%swap3A_1300, %swap3A_1301], %swap3A_1304 {strides = array<i32>} : memref<676x128xf32, #tpu.memory_space<vmem>>, vector<1x16xf32>,
        %add3A_1305 = arith.constant 10 : i32
        %add3A_1306 = arith.addi %add3A_676, %add3A_1305 : i32
        %swap3A_1307 = arith.index_cast %add3A_1306 : i32 to index
        %swap3A_1308 = arith.constant 112 : index
        %swap3A_1309 = tpu.vector_load %arg7[%swap3A_1307, %swap3A_1308] {strides = array<i32>} : memref<676x128xf32, #tpu.memory_space<vmem>>, vector<1x16xf32>,
        %swap3A_1310 = vector.shape_cast %swap3A_1309 : vector<1x16xf32> to vector<16xf32>
        %swap3A_1311 = vector.shape_cast %get3A_597 : vector<16xf32> to vector<1x16xf32>
        tpu.vector_store %arg7[%swap3A_1307, %swap3A_1308], %swap3A_1311 {strides = array<i32>} : memref<676x128xf32, #tpu.memory_space<vmem>>, vector<1x16xf32>,
        %add3A_1312 = arith.constant 11 : i32
        %add3A_1313 = arith.addi %add3A_676, %add3A_1312 : i32
        %swap3A_1314 = arith.index_cast %add3A_1313 : i32 to index
        %swap3A_1315 = arith.constant 0 : index
        %swap3A_1316 = tpu.vector_load %arg7[%swap3A_1314, %swap3A_1315] {strides = array<i32>} : memref<676x128xf32, #tpu.memory_space<vmem>>, vector<1x16xf32>,
        %swap3A_1317 = vector.shape_cast %swap3A_1316 : vector<1x16xf32> to vector<16xf32>
        %swap3A_1318 = vector.shape_cast %get3A_681 : vector<16xf32> to vector<1x16xf32>
        tpu.vector_store %arg7[%swap3A_1314, %swap3A_1315], %swap3A_1318 {strides = array<i32>} : memref<676x128xf32, #tpu.memory_space<vmem>>, vector<1x16xf32>,
        %add3A_1319 = arith.constant 11 : i32
        %add3A_1320 = arith.addi %add3A_676, %add3A_1319 : i32
        %swap3A_1321 = arith.index_cast %add3A_1320 : i32 to index
        %swap3A_1322 = arith.constant 16 : index
        %swap3A_1323 = tpu.vector_load %arg7[%swap3A_1321, %swap3A_1322] {strides = array<i32>} : memref<676x128xf32, #tpu.memory_space<vmem>>, vector<1x16xf32>,
        %swap3A_1324 = vector.shape_cast %swap3A_1323 : vector<1x16xf32> to vector<16xf32>
        %swap3A_1325 = vector.shape_cast %get3A_686 : vector<16xf32> to vector<1x16xf32>
        tpu.vector_store %arg7[%swap3A_1321, %swap3A_1322], %swap3A_1325 {strides = array<i32>} : memref<676x128xf32, #tpu.memory_space<vmem>>, vector<1x16xf32>,
        %add3A_1326 = arith.constant 11 : i32
        %add3A_1327 = arith.addi %add3A_676, %add3A_1326 : i32
        %swap3A_1328 = arith.index_cast %add3A_1327 : i32 to index
        %swap3A_1329 = arith.constant 32 : index
        %swap3A_1330 = tpu.vector_load %arg7[%swap3A_1328, %swap3A_1329] {strides = array<i32>} : memref<676x128xf32, #tpu.memory_space<vmem>>, vector<1x16xf32>,
        %swap3A_1331 = vector.shape_cast %swap3A_1330 : vector<1x16xf32> to vector<16xf32>
        %swap3A_1332 = vector.shape_cast %get3A_691 : vector<16xf32> to vector<1x16xf32>
        tpu.vector_store %arg7[%swap3A_1328, %swap3A_1329], %swap3A_1332 {strides = array<i32>} : memref<676x128xf32, #tpu.memory_space<vmem>>, vector<1x16xf32>,
        %add3A_1333 = arith.constant 11 : i32
        %add3A_1334 = arith.addi %add3A_676, %add3A_1333 : i32
        %swap3A_1335 = arith.index_cast %add3A_1334 : i32 to index
        %swap3A_1336 = arith.constant 48 : index
        %swap3A_1337 = tpu.vector_load %arg7[%swap3A_1335, %swap3A_1336] {strides = array<i32>} : memref<676x128xf32, #tpu.memory_space<vmem>>, vector<1x16xf32>,
        %swap3A_1338 = vector.shape_cast %swap3A_1337 : vector<1x16xf32> to vector<16xf32>
        %swap3A_1339 = vector.shape_cast %get3A_696 : vector<16xf32> to vector<1x16xf32>
        tpu.vector_store %arg7[%swap3A_1335, %swap3A_1336], %swap3A_1339 {strides = array<i32>} : memref<676x128xf32, #tpu.memory_space<vmem>>, vector<1x16xf32>,
        %add3A_1340 = arith.constant 11 : i32
        %add3A_1341 = arith.addi %add3A_676, %add3A_1340 : i32
        %swap3A_1342 = arith.index_cast %add3A_1341 : i32 to index
        %swap3A_1343 = arith.constant 64 : index
        %swap3A_1344 = tpu.vector_load %arg7[%swap3A_1342, %swap3A_1343] {strides = array<i32>} : memref<676x128xf32, #tpu.memory_space<vmem>>, vector<1x16xf32>,
        %swap3A_1345 = vector.shape_cast %swap3A_1344 : vector<1x16xf32> to vector<16xf32>
        %swap3A_1346 = vector.shape_cast %get3A_603 : vector<16xf32> to vector<1x16xf32>
        tpu.vector_store %arg7[%swap3A_1342, %swap3A_1343], %swap3A_1346 {strides = array<i32>} : memref<676x128xf32, #tpu.memory_space<vmem>>, vector<1x16xf32>,
        %add3A_1347 = arith.constant 11 : i32
        %add3A_1348 = arith.addi %add3A_676, %add3A_1347 : i32
        %swap3A_1349 = arith.index_cast %add3A_1348 : i32 to index
        %swap3A_1350 = arith.constant 80 : index
        %swap3A_1351 = tpu.vector_load %arg7[%swap3A_1349, %swap3A_1350] {strides = array<i32>} : memref<676x128xf32, #tpu.memory_space<vmem>>, vector<1x16xf32>,
        %swap3A_1352 = vector.shape_cast %swap3A_1351 : vector<1x16xf32> to vector<16xf32>
        %swap3A_1353 = vector.shape_cast %get3A_609 : vector<16xf32> to vector<1x16xf32>
        tpu.vector_store %arg7[%swap3A_1349, %swap3A_1350], %swap3A_1353 {strides = array<i32>} : memref<676x128xf32, #tpu.memory_space<vmem>>, vector<1x16xf32>,
        %add3A_1354 = arith.constant 11 : i32
        %add3A_1355 = arith.addi %add3A_676, %add3A_1354 : i32
        %swap3A_1356 = arith.index_cast %add3A_1355 : i32 to index
        %swap3A_1357 = arith.constant 96 : index
        %swap3A_1358 = tpu.vector_load %arg7[%swap3A_1356, %swap3A_1357] {strides = array<i32>} : memref<676x128xf32, #tpu.memory_space<vmem>>, vector<1x16xf32>,
        %swap3A_1359 = vector.shape_cast %swap3A_1358 : vector<1x16xf32> to vector<16xf32>
        %swap3A_1360 = vector.shape_cast %get3A_615 : vector<16xf32> to vector<1x16xf32>
        tpu.vector_store %arg7[%swap3A_1356, %swap3A_1357], %swap3A_1360 {strides = array<i32>} : memref<676x128xf32, #tpu.memory_space<vmem>>, vector<1x16xf32>,
        %add3A_1361 = arith.constant 11 : i32
        %add3A_1362 = arith.addi %add3A_676, %add3A_1361 : i32
        %swap3A_1363 = arith.index_cast %add3A_1362 : i32 to index
        %swap3A_1364 = arith.constant 112 : index
        %swap3A_1365 = tpu.vector_load %arg7[%swap3A_1363, %swap3A_1364] {strides = array<i32>} : memref<676x128xf32, #tpu.memory_space<vmem>>, vector<1x16xf32>,
        %swap3A_1366 = vector.shape_cast %swap3A_1365 : vector<1x16xf32> to vector<16xf32>
        %swap3A_1367 = vector.shape_cast %get3A_621 : vector<16xf32> to vector<1x16xf32>
        tpu.vector_store %arg7[%swap3A_1363, %swap3A_1364], %swap3A_1367 {strides = array<i32>} : memref<676x128xf32, #tpu.memory_space<vmem>>, vector<1x16xf32>,
        %add3A_1368 = arith.constant 12 : i32
        %add3A_1369 = arith.addi %add3A_676, %add3A_1368 : i32
        %swap3A_1370 = arith.index_cast %add3A_1369 : i32 to index
        %swap3A_1371 = arith.constant 0 : index
        %swap3A_1372 = tpu.vector_load %arg7[%swap3A_1370, %swap3A_1371] {strides = array<i32>} : memref<676x128xf32, #tpu.memory_space<vmem>>, vector<1x16xf32>,
        %swap3A_1373 = vector.shape_cast %swap3A_1372 : vector<1x16xf32> to vector<16xf32>
        %swap3A_1374 = vector.shape_cast %get3A_681 : vector<16xf32> to vector<1x16xf32>
        tpu.vector_store %arg7[%swap3A_1370, %swap3A_1371], %swap3A_1374 {strides = array<i32>} : memref<676x128xf32, #tpu.memory_space<vmem>>, vector<1x16xf32>,
        %add3A_1375 = arith.constant 12 : i32
        %add3A_1376 = arith.addi %add3A_676, %add3A_1375 : i32
        %swap3A_1377 = arith.index_cast %add3A_1376 : i32 to index
        %swap3A_1378 = arith.constant 16 : index
        %swap3A_1379 = tpu.vector_load %arg7[%swap3A_1377, %swap3A_1378] {strides = array<i32>} : memref<676x128xf32, #tpu.memory_space<vmem>>, vector<1x16xf32>,
        %swap3A_1380 = vector.shape_cast %swap3A_1379 : vector<1x16xf32> to vector<16xf32>
        %swap3A_1381 = vector.shape_cast %get3A_686 : vector<16xf32> to vector<1x16xf32>
        tpu.vector_store %arg7[%swap3A_1377, %swap3A_1378], %swap3A_1381 {strides = array<i32>} : memref<676x128xf32, #tpu.memory_space<vmem>>, vector<1x16xf32>,
        %add3A_1382 = arith.constant 12 : i32
        %add3A_1383 = arith.addi %add3A_676, %add3A_1382 : i32
        %swap3A_1384 = arith.index_cast %add3A_1383 : i32 to index
        %swap3A_1385 = arith.constant 32 : index
        %swap3A_1386 = tpu.vector_load %arg7[%swap3A_1384, %swap3A_1385] {strides = array<i32>} : memref<676x128xf32, #tpu.memory_space<vmem>>, vector<1x16xf32>,
        %swap3A_1387 = vector.shape_cast %swap3A_1386 : vector<1x16xf32> to vector<16xf32>
        %swap3A_1388 = vector.shape_cast %get3A_691 : vector<16xf32> to vector<1x16xf32>
        tpu.vector_store %arg7[%swap3A_1384, %swap3A_1385], %swap3A_1388 {strides = array<i32>} : memref<676x128xf32, #tpu.memory_space<vmem>>, vector<1x16xf32>,
        %add3A_1389 = arith.constant 12 : i32
        %add3A_1390 = arith.addi %add3A_676, %add3A_1389 : i32
        %swap3A_1391 = arith.index_cast %add3A_1390 : i32 to index
        %swap3A_1392 = arith.constant 48 : index
        %swap3A_1393 = tpu.vector_load %arg7[%swap3A_1391, %swap3A_1392] {strides = array<i32>} : memref<676x128xf32, #tpu.memory_space<vmem>>, vector<1x16xf32>,
        %swap3A_1394 = vector.shape_cast %swap3A_1393 : vector<1x16xf32> to vector<16xf32>
        %swap3A_1395 = vector.shape_cast %get3A_696 : vector<16xf32> to vector<1x16xf32>
        tpu.vector_store %arg7[%swap3A_1391, %swap3A_1392], %swap3A_1395 {strides = array<i32>} : memref<676x128xf32, #tpu.memory_space<vmem>>, vector<1x16xf32>,
        %add3A_1396 = arith.constant 12 : i32
        %add3A_1397 = arith.addi %add3A_676, %add3A_1396 : i32
        %swap3A_1398 = arith.index_cast %add3A_1397 : i32 to index
        %swap3A_1399 = arith.constant 64 : index
        %swap3A_1400 = tpu.vector_load %arg7[%swap3A_1398, %swap3A_1399] {strides = array<i32>} : memref<676x128xf32, #tpu.memory_space<vmem>>, vector<1x16xf32>,
        %swap3A_1401 = vector.shape_cast %swap3A_1400 : vector<1x16xf32> to vector<16xf32>
        %swap3A_1402 = vector.shape_cast %get3A_627 : vector<16xf32> to vector<1x16xf32>
        tpu.vector_store %arg7[%swap3A_1398, %swap3A_1399], %swap3A_1402 {strides = array<i32>} : memref<676x128xf32, #tpu.memory_space<vmem>>, vector<1x16xf32>,
        %add3A_1403 = arith.constant 12 : i32
        %add3A_1404 = arith.addi %add3A_676, %add3A_1403 : i32
        %swap3A_1405 = arith.index_cast %add3A_1404 : i32 to index
        %swap3A_1406 = arith.constant 80 : index
        %swap3A_1407 = tpu.vector_load %arg7[%swap3A_1405, %swap3A_1406] {strides = array<i32>} : memref<676x128xf32, #tpu.memory_space<vmem>>, vector<1x16xf32>,
        %swap3A_1408 = vector.shape_cast %swap3A_1407 : vector<1x16xf32> to vector<16xf32>
        %swap3A_1409 = vector.shape_cast %get3A_633 : vector<16xf32> to vector<1x16xf32>
        tpu.vector_store %arg7[%swap3A_1405, %swap3A_1406], %swap3A_1409 {strides = array<i32>} : memref<676x128xf32, #tpu.memory_space<vmem>>, vector<1x16xf32>,
        %add3A_1410 = arith.constant 12 : i32
        %add3A_1411 = arith.addi %add3A_676, %add3A_1410 : i32
        %swap3A_1412 = arith.index_cast %add3A_1411 : i32 to index
        %swap3A_1413 = arith.constant 96 : index
        %swap3A_1414 = tpu.vector_load %arg7[%swap3A_1412, %swap3A_1413] {strides = array<i32>} : memref<676x128xf32, #tpu.memory_space<vmem>>, vector<1x16xf32>,
        %swap3A_1415 = vector.shape_cast %swap3A_1414 : vector<1x16xf32> to vector<16xf32>
        %swap3A_1416 = vector.shape_cast %get3A_639 : vector<16xf32> to vector<1x16xf32>
        tpu.vector_store %arg7[%swap3A_1412, %swap3A_1413], %swap3A_1416 {strides = array<i32>} : memref<676x128xf32, #tpu.memory_space<vmem>>, vector<1x16xf32>,
        %add3A_1417 = arith.constant 12 : i32
        %add3A_1418 = arith.addi %add3A_676, %add3A_1417 : i32
        %swap3A_1419 = arith.index_cast %add3A_1418 : i32 to index
        %swap3A_1420 = arith.constant 112 : index
        %swap3A_1421 = tpu.vector_load %arg7[%swap3A_1419, %swap3A_1420] {strides = array<i32>} : memref<676x128xf32, #tpu.memory_space<vmem>>, vector<1x16xf32>,
        %swap3A_1422 = vector.shape_cast %swap3A_1421 : vector<1x16xf32> to vector<16xf32>
        %swap3A_1423 = vector.shape_cast %get3A_645 : vector<16xf32> to vector<1x16xf32>
        tpu.vector_store %arg7[%swap3A_1419, %swap3A_1420], %swap3A_1423 {strides = array<i32>} : memref<676x128xf32, #tpu.memory_space<vmem>>, vector<1x16xf32>,
      }
      %scan3A_650 = arith.constant 26 : i32
      %dma_start3A = arith.constant 0 : i32
      %dma_start3A_651 = arith.constant 0 : i32
      %dma_start3A_652 = tpu.memref_slice %arg4[%add3A_8, %dma_start3A, %dma_start3A_651] : memref<1024x676x128xf32, #tpu.memory_space<hbm>> -> memref<1x676x128xf32, #tpu.memory_space<hbm>>
      %dma_start3A_653 = tpu.memref_squeeze %dma_start3A_652 : memref<1x676x128xf32, #tpu.memory_space<hbm>> -> memref<676x128xf32, #tpu.memory_space<hbm>>
      %dma_start3A_654 = arith.constant 0 : i32
      %dma_start3A_655 = arith.constant 0 : i32
      %dma_start3A_656 = tpu.memref_slice %arg4[%add3A_8, %dma_start3A_654, %dma_start3A_655] : memref<1024x676x128xf32, #tpu.memory_space<hbm>> -> memref<1x676x128xf32, #tpu.memory_space<hbm>>
      %dma_start3A_657 = tpu.memref_squeeze %dma_start3A_656 : memref<1x676x128xf32, #tpu.memory_space<hbm>> -> memref<676x128xf32, #tpu.memory_space<hbm>>
      tpu.enqueue_dma source(%arg7 : memref<676x128xf32, #tpu.memory_space<vmem>>) target(%dma_start3A_657 : memref<676x128xf32, #tpu.memory_space<hbm>>) target_semaphore(%arg8 : memref<!tpu.dma_semaphore, #tpu.memory_space<semaphore_mem>>)
      %eq3A_658 = arith.constant 3 : i32
      %eq3A_659 = arith.cmpi eq, %rem3A_9, %eq3A_658 : i32
      %lt3A = arith.constant 31 : i32
      %lt3A_660 = arith.cmpi slt, %scan3A_7, %lt3A : i32
      %and3A_661 = arith.andi %eq3A_659, %lt3A_660 : i1
      %convert_element_type3A_662 = arith.extui %and3A_661 : i1 to i32
      %cond3A_663 = arith.constant 0 : i32
      %cond3A_664 = arith.cmpi ne, %convert_element_type3A_662, %cond3A_663 : i32
      scf.if %cond3A_664 {
        %add3A_672 = arith.constant 1 : i32
        %add3A_673 = arith.addi %add3A_8, %add3A_672 : i32
        %dma_start3A_674 = arith.constant 0 : i32
        %dma_start3A_675 = arith.constant 0 : i32
        %dma_start3A_676 = tpu.memref_slice %arg2[%add3A_673, %dma_start3A_674, %dma_start3A_675] : memref<1024x26x64xf32, #tpu.memory_space<hbm>> -> memref<4x26x64xf32, #tpu.memory_space<hbm>>
        %dma_start3A_677 = arith.constant 0 : i32
        %dma_start3A_678 = arith.constant 0 : i32
        %dma_start3A_679 = tpu.memref_slice %arg2[%add3A_673, %dma_start3A_677, %dma_start3A_678] : memref<1024x26x64xf32, #tpu.memory_space<hbm>> -> memref<4x26x64xf32, #tpu.memory_space<hbm>>
        tpu.enqueue_dma source(%dma_start3A_679 : memref<4x26x64xf32, #tpu.memory_space<hbm>>) target(%arg5 : memref<4x26x64xf32, #tpu.memory_space<vmem>>) target_semaphore(%arg9 : memref<!tpu.dma_semaphore, #tpu.memory_space<semaphore_mem>>)
        %add3A_680 = arith.constant 1 : i32
        %add3A_681 = arith.addi %add3A_8, %add3A_680 : i32
        %dma_start3A_682 = arith.constant 0 : i32
        %dma_start3A_683 = arith.constant 0 : i32
        %dma_start3A_684 = tpu.memref_slice %arg3[%add3A_681, %dma_start3A_682, %dma_start3A_683] : memref<1024x26x64xf32, #tpu.memory_space<hbm>> -> memref<4x26x64xf32, #tpu.memory_space<hbm>>
        %dma_start3A_685 = arith.constant 0 : i32
        %dma_start3A_686 = arith.constant 0 : i32
        %dma_start3A_687 = tpu.memref_slice %arg3[%add3A_681, %dma_start3A_685, %dma_start3A_686] : memref<1024x26x64xf32, #tpu.memory_space<hbm>> -> memref<4x26x64xf32, #tpu.memory_space<hbm>>
        tpu.enqueue_dma source(%dma_start3A_687 : memref<4x26x64xf32, #tpu.memory_space<hbm>>) target(%arg6 : memref<4x26x64xf32, #tpu.memory_space<vmem>>) target_semaphore(%arg9 : memref<!tpu.dma_semaphore, #tpu.memory_space<semaphore_mem>>)
      } else {
      }
      %dma_wait3A = arith.constant 0 : i32
      %dma_wait3A_665 = arith.constant 0 : i32
      %dma_wait3A_666 = tpu.memref_slice %arg4[%add3A_8, %dma_wait3A, %dma_wait3A_665] : memref<1024x676x128xf32, #tpu.memory_space<hbm>> -> memref<1x676x128xf32, #tpu.memory_space<hbm>>
      %dma_wait3A_667 = tpu.memref_squeeze %dma_wait3A_666 : memref<1x676x128xf32, #tpu.memory_space<hbm>> -> memref<676x128xf32, #tpu.memory_space<hbm>>
      %dma_wait3A_668 = arith.constant 0 : i32
      %dma_wait3A_669 = arith.constant 0 : i32
      %dma_wait3A_670 = tpu.memref_slice %arg4[%add3A_8, %dma_wait3A_668, %dma_wait3A_669] : memref<1024x676x128xf32, #tpu.memory_space<hbm>> -> memref<1x676x128xf32, #tpu.memory_space<hbm>>
      %dma_wait3A_671 = tpu.memref_squeeze %dma_wait3A_670 : memref<1x676x128xf32, #tpu.memory_space<hbm>> -> memref<676x128xf32, #tpu.memory_space<hbm>>
      tpu.wait_dma2 semaphore(%arg8 : memref<!tpu.dma_semaphore, #tpu.memory_space<semaphore_mem>>) src(%arg7 : memref<676x128xf32, #tpu.memory_space<vmem>>) dst(%dma_wait3A_671 : memref<676x128xf32, #tpu.memory_space<hbm>>)
    }
    %scan3A_6 = arith.constant 32 : i32
    return
  }
}

</mosaic_0001>

<sc_bundles>
// kernel: kernel.3.cloned.1.call-start
scs
__scs_entry_jumppad:
0x0: {  	(pc) =	sbr.rel $0x88, $3  }
0x1: {  	(tag) =	ssettag $0x0;
	lr =	simm.s32 $0x1  }
0x2: {  	[smem:$0x3F9F] =	sst lr;
	_ =	strace $0xD0000000  }
0x3: {  	_ = 	snop  }
0x4: {  	_ = 	snop  }
0x5: {  	_ = 	snop  }
0x6: {  	_ = 	snop  }
0x7: {  	_ = 	snop  }
__scs_overlays_trampoline_lowered:
0x8: {  	[smem:$0x3FAE] =	sst s0  }
0x9: {  	[smem:$0x3FAF] =	sst s1  }
0xa: {  	[smem:$0x3FB0] =	sst s2  }
0xb: {  	[smem:$0x3FB1] =	sst s3  }
0xc: {  	[smem:$0x3FB2] =	sst s4  }
0xd: {  	[smem:$0x3FB3] =	sst s5  }
0xe: {  	[smem:$0x3FB4] =	sst s6  }
0xf: {  	[smem:$0x3FB5] =	sst s7  }
0x10: {  	[smem:$0x3FB6] =	sst s8  }
0x11: {  	[smem:$0x3FB7] =	sst s9;
	s0 =	simm.s32 @!p0 $0x0  }
0x12: {  	s1 =	sld [smem:$0x3F9D];
	s0 =	simm.s32 @p0 $0x1  }
0x13: {  	[smem:$0x3FB8] =	sst s0;
	s0 =	simm.s32 @!p1 $0x0  }
0x14: {  	s2 =	sld [smem:$0x3F9C];
	s0 =	simm.s32 @p1 $0x1  }
0x15: {  	[smem:$0x3FB9] =	sst s0;
	s0 =	simm.s32 @!p2 $0x0  }
0x16: {  	s3 =	sld [smem:$0x3FDB];
	s0 =	simm.s32 @p2 $0x1  }
0x17: {  	s4 =	simm.s32 $0x1BF5;
	[smem:$0x3FBB] =	sst s0  }
0x18: {  	s0 =	sld [smem:$0x3F9E];
	_ =	swait.ge [sflag:s4], $0x0  }
0x19: {  	s7 =	sld [smem:$0x3F9F]  }
0x1a: {  	s8 =	sadd.s32 $0xFFFFE003, lr  }
0x1b: {  	s9 =	sadd.s32 $0xFFFFFEF7, lr;
	s5 =	simm.s32 $0xFFFFFFFF;
	p2 =	slt.u32 s8, $0xFFFFF086  }
0x1c: {  	p1 =	slt.u32 s9, $0xF7A;
	s5 =	simm.s32 @!p2 $0x0  }
0x1d: {  	s5 =	simm.s32 @p1 $0x1;
	p0 =	seq.s32 s7, s2  }
0x1e: {  	s7 =	smul.u32 @!p0 $0xF7A, s2;
	p2 =	seq.s32 @!p0 s5, $0x0  }
0x1f: {  	s9 =	smul.u32 $0xF7A, s1;
	s8 =	simm.s32 @!p0 $0x1BF5;
	p2 =	por !p2, p0  }
0x20: {  	[sflag:s8] =	ssyncset.s32 @!p0 $0xFFFFF086;
	s6 =	sadd.s32 @!p0 s3, s7;
	s7 =	simm.s32 @!p0 $0x108  }
0x21: {  	s3 =	sadd.s32 s3, s9;
	s6 =	sadd.s32 @!p0 $0x88, s6;
	s7 =	simm.s32 @p2 $0x1082  }
0x22: {  	[simem:s7], [sflag:s8] =	dma.local @!p0 [hbm:s6], $0xF7A  }
0x23: {  	s9 =	sor.u32 $0xD0000000, s2;
	s6 =	simm.s32 $0x108;
	_ =	swait.ge @!p0 [sflag:s8], $0x0  }
0x24: {  	s3 =	sadd.s32 $0x88, s3;
	s6 =	simm.s32 @!p1 $0x1082;
	[sflag:s4] =	ssyncset.s32 $0xFFFFF086  }
0x25: {  	[simem:s6], [sflag:s4] =	dma.local [hbm:s3], $0xF7A  }
0x26: {  	[smem:$0x3F9F] =	sst s1;
	(tag) =	ssettag s2;
	_ =	strace s9  }
0x27: {  	s1 =	sld [smem:$0x3FAF]  }
0x28: {  	s2 =	sld [smem:$0x3FB0]  }
0x29: {  	s4 =	sld [smem:$0x3FB2]  }
0x2a: {  	p0 =	seq.s32 s5, $0x0;
	s5 =	sld [smem:$0x3FB3]  }
0x2b: {  	s6 =	sld [smem:$0x3FB4]  }
0x2c: {  	s7 =	sld [smem:$0x3FB5]  }
0x2d: {  	s3 =	simm.s32 $0x108;
	s8 =	sld [smem:$0x3FB6]  }
0x2e: {  	s3 =	simm.s32 @!p0 $0x1082;
	s9 =	sld [smem:$0x3FB7]  }
0x2f: {  	lr =	sadd.s32 s0, s3;
	s0 =	sld [smem:$0x3FAE]  }
0x30: {  	s3 =	sld [smem:$0x3FB1]  }
0x31: {  	[smem:$0x3FBA] =	sst s10  }
0x32: {  	s10 =	sld [smem:$0x3FB8];
	_ =	sdelay $0x3  }
0x33: {  	p0 =	seq.s32 s10, $0x1;
	s10 =	sld [smem:$0x3FBA];
	_ =	sdelay $0x3  }
0x34: {  	[smem:$0x3FBA] =	sst s10  }
0x35: {  	s10 =	sld [smem:$0x3FB9];
	_ =	sdelay $0x3  }
0x36: {  	p1 =	seq.s32 s10, $0x1;
	s10 =	sld [smem:$0x3FBA];
	_ =	sdelay $0x3  }
0x37: {  	[smem:$0x3FBA] =	sst s10  }
0x38: {  	s10 =	sld [smem:$0x3FBB]  }
0x39: {  	_ = 	snop;
	(pc) =	sbr.ind lr, $3  }
0x3a: {  	_ = 	snop  }
0x3b: {  	_ = 	snop  }
0x3c: {  	p2 =	seq.s32 s10, $0x1;
	s10 =	sld [smem:$0x3FBA]  }
0x3d: {  	_ =	shalt  }
0x3e: {  	_ =	shalt  }
0x3f: {  	_ =	shalt  }
0x40: {  	_ =	shalt  }
0x41: {  	_ =	shalt  }
0x42: {  	_ =	shalt  }
0x43: {  	_ =	shalt  }
0x44: {  	_ =	shalt  }
0x45: {  	_ =	shalt  }
0x46: {  	_ =	shalt  }
0x47: {  	_ =	shalt  }
0x48: {  	_ =	shalt  }
0x49: {  	_ =	shalt  }
0x4a: {  	_ =	shalt  }
0x4b: {  	_ =	shalt  }
0x4c: {  	_ =	shalt  }
0x4d: {  	_ =	shalt  }
0x4e: {  	_ =	shalt  }
0x4f: {  	_ =	shalt  }
0x50: {  	_ =	shalt  }
0x51: {  	_ =	shalt  }
0x52: {  	_ =	shalt  }
0x53: {  	_ =	shalt  }
0x54: {  	_ =	shalt  }
0x55: {  	_ =	shalt  }
0x56: {  	_ =	shalt  }
0x57: {  	_ =	shalt  }
0x58: {  	_ =	shalt  }
0x59: {  	_ =	shalt  }
0x5a: {  	_ =	shalt  }
0x5b: {  	_ =	shalt  }
0x5c: {  	_ =	shalt  }
0x5d: {  	_ =	shalt  }
0x5e: {  	_ =	shalt  }
0x5f: {  	_ =	shalt  }
0x60: {  	_ =	shalt  }
0x61: {  	_ =	shalt  }
0x62: {  	_ =	shalt  }
0x63: {  	_ =	shalt  }
0x64: {  	_ =	shalt  }
0x65: {  	_ =	shalt  }
0x66: {  	_ =	shalt  }
0x67: {  	_ =	shalt  }
0x68: {  	_ =	shalt  }
0x69: {  	_ =	shalt  }
0x6a: {  	_ =	shalt  }
0x6b: {  	_ =	shalt  }
0x6c: {  	_ =	shalt  }
0x6d: {  	_ =	shalt  }
0x6e: {  	_ =	shalt  }
0x6f: {  	_ =	shalt  }
0x70: {  	_ =	shalt  }
0x71: {  	_ =	shalt  }
0x72: {  	_ =	shalt  }
0x73: {  	_ =	shalt  }
0x74: {  	_ =	shalt  }
0x75: {  	_ =	shalt  }
0x76: {  	_ =	shalt  }
0x77: {  	_ =	shalt  }
0x78: {  	_ =	shalt  }
0x79: {  	_ =	shalt  }
0x7a: {  	_ =	shalt  }
0x7b: {  	_ =	shalt  }
0x7c: {  	_ =	shalt  }
0x7d: {  	_ =	shalt  }
0x7e: {  	_ =	shalt  }
0x7f: {  	_ =	shalt  }
0x80: {  	_ =	shalt  }
0x81: {  	_ =	shalt  }
0x82: {  	_ =	shalt  }
0x83: {  	_ =	shalt  }
0x84: {  	_ =	shalt  }
0x85: {  	_ =	shalt  }
0x86: {  	_ =	shalt  }
0x87: {  	_ =	shalt  }
.Lfunc_end0:
.L_simem_size_0:
called_computation_lowered:
.L_overlay_start_0:
0x88: {  	s2 =	sld [smem:$0x3FD9]  }
0x89: {  	s3 =	sld [smem:$0x3FFE];
	_ =	sdelay $0x1  }
0x8a: {  	s1 =	srdreg.scid  }
0x8b: {  	s0 =	sand.u32 $0x1, s1  }
0x8c: {  	s17 =	sshll.u32 s0, $0xA;
	s2 =	sadd.s32 s3, s2  }
0x8d: {  	s2 =	sadd.s32 s2, s17  }
0x8e: {  	[smem:$0x3FC6] =	sst s2  }
0x8f: {  	_ = 	snop  }
0x90: {  	s2 =	sld [smem:$0x3FD0];
	(tm) =	ssettm $0x1  }
0x91: {  	s18 =	sld [smem:$0x3FFB];
	_ =	sdelay $0x3  }
0x92: {  	_ =	strace s18  }
0x93: {  	s3 =	sld [smem:$0x3FFC];
	_ =	sdelay $0x3  }
0x94: {  	_ =	strace s3  }
0x95: {  	s3 =	sld [smem:$0x3FFD];
	_ =	sdelay $0x3  }
0x96: {  	_ =	strace s3  }
0x97: {  	_ =	strace $0x8FFFFFFF  }
0x98: {  	s19 =	sld [smem:$0x3FDB];
	_ =	sdelay $0x1  }
0x99: {  	s4 =	simm.s32 $_scs_section_size  }
0x9a: {  	s5 =	simm.s32 $_size__tile_overlayer_lowered;
	s6 =	simm.s32 $_tile_overlayer_lowered  }
0x9b: {  	s22 =	simm.s32 $0x1BFF;
	s21 =	sshll.u32 s6, $0x1;
	s3 =	sadd.s32 s4, s19  }
0x9c: {  	s7 =	simm.s32 $0x0;
	s20 =	sshll.u32 s5, $0x1;
	s5 =	sadd.s32 s21, s3  }
0x9d: {  	[timem:s7], [sflag:s22] =	dma.local [hbm:s5], s20  }
0x9e: {  	_ =	swait.ge [sflag:s22], s20  }
0x9f: {  	s4 =	ssub.s32 $0x0, s20;
	[sflag:s22] =	ssyncset.done $0x0  }
0xa0: {  	[sflag:s22] =	ssyncadd.s32 s4;
	_ =	sdelay $0x1  }
0xa1: {  	s23 =	simm.s32 $0x1B8B  }
0xa2: {  	_ =	swait.ge [sflag:s23], $0x1  }
0xa3: {  	[sflag:s23] =	ssyncset.done $0x0  }
0xa4: {  	s25 =	simm.s32 $0x1B8E;
	s24 =	sld [smem:$0x3FFE];
	[sflag:s23] =	ssyncadd.s32 $0xFFFFFFFF  }
0xa5: {  	s26 =	simm.s32 $execute0_lowered;
	[smem:$0x3FD2] =	sst s25  }
0xa6: {  	s5 =	sshll.u32 s26, $0x1;
	_ =	strace $0x80000046;
	[dreg:$0x1] =	wrdreg $0xFFFFFFFF  }
0xa7: {  	s28 =	simm.s32 $_size_execute0_lowered;
	s3 =	sadd.s32 s3, s5;
	[dreg:$0x0] =	wrdreg $0x0  }
0xa8: {  	s5 =	sshll.u32 s28, $0x1;
	[dreg:$0x2] =	wrdreg s3  }
0xa9: {  	[dreg:$0x3] =	wrdreg s5  }
0xaa: {  	[dreg:$0x4] =	wrdreg $0xC0  }
0xab: {  	_ =	task [dreg:s7], $0x5FFFF  }
0xac: {  	[dreg:$0x1] =	wrdreg $0xFFFFFFFF  }
0xad: {  	[dreg:$0x0] =	wrdreg $0x60  }
0xae: {  	[dreg:$0x2] =	wrdreg s2  }
0xaf: {  	[dreg:$0x3] =	wrdreg s24  }
0xb0: {  	[dreg:$0x4] =	wrdreg $0x9  }
0xb1: {  	_ =	task.clear_ibuf [dreg:s7], $0x5FFFF;
	_ =	strace $0x90000046  }
0xb2: {  	s29 =	simm.s32 $0x9;
	_ =	strace $0x80000048  }
0xb3: {  	_ =	swait.ge [sflag:s29], $0x1  }
0xb4: {  	[sflag:s29] =	ssyncadd.s32 $0xFFFFFFFF  }
0xb5: {  	_ =	strace $0x90000048  }
0xb6: {  	_ =	sfence  }
0xb7: {  	s30 =	sld [smem:$0x0];
	_ =	sdelay $0x2  }
0xb8: {  	s31 =	sshll.u32 s1, $0xD;
	s1 =	sshrl.u32 s1, $0x2  }
0xb9: {  	s3 =	sand.u32 $0x4000, s31;
	s1 =	sadd.s32 s1, s30  }
0xba: {  	s0 =	sor.u32 s3, s0;
	s1 =	sshll.u32 s1, $0x11  }
0xbb: {  	s0 =	sor.u32 s1, s0  }
0xbc: {  	s0 =	sadd.s32 $0x8F2B, s0  }
0xbd: {  	[sflag:s0] =	ssyncadd.remote.s32 $0x1  }
0xbe: {  	_ =	sfence.sel $0xFFFF  }
0xbf: {  	[dreg:$0x0] =	wrdreg $0xFFFFFFFF;
	(pc) =	sbr.abs _section_cstart, $3  }
0xc0: {  	[dreg:$0x1] =	wrdreg $0xFFFFFFFF  }
0xc1: {  	_ =	task.clear_ibuf [dreg:s7], $0x2FFFF;
	_ =	strace $0x9FFFFFFF  }
0xc2: {  	(tm) =	ssettm $0x7FFFFFFF  }
0xc3: {  	_ =	shalt  }
tec
execute0_lowered:
.L_overlay_start_1:
0x0: {  	(tag) =	ssettag $0x1  }
0x1: {  	s1 =	rddreg [dreg:$0x0]  }
0x2: {  	s0 =	rddreg [dreg:$0x1];
	s2 =	srdreg.scid  }
0x3: {  	s3 =	simm.s32 $0x0;
	s4 =	stileid.u32;
	s13 =	simm.s32 $0x2000  }
0x4: {  	s15 =	simm.s32 $0x3000;
	s16 =	simm.s32 $0x4000;
	s18 =	simm.s32 $0x5000  }
0x5: {  	s20 =	simm.s32 $0x6000;
	s21 =	simm.s32 $0x7000;
	s22 =	simm.s32 $0x2  }
0x6: {  	s23 =	simm.s32 $0x8000;
	s24 =	simm.s32 $0x1;
	s25 =	simm.s32 $0x0  }
0x7: {  	s2 =	sand.u32 $0x1, s2;
	[smem:$0x7FF] =	sst s3;
	s4 =	sshll.u32 s4, $0x6  }
0x8: {  	s6 =	sadd.s32 $0x80C00, s0;
	s5 =	sshll.u32 s2, $0x5;
	s2 =	ssub.s32 $0x2, s2  }
0x9: {  	_ =	strace $0x80000047;
	s4 =	sor.u32 s5, s4;
	s7 =	sshrl.u32 s2, $0x1  }
0xa: {  	s5 =	sadd.s32 $0xC00, s0;
	s8 =	sshll.u32 s4, $0x9;
	s31 =	ssub.s32 s2, s7  }
0xb: {  	s7 =	sadd.s32 s1, s8;
	s8 =	sadd.s32 s5, s8;
	s0 =	smax.u32 s31, $0x1  }
0xc: {  	[dreg:$0x3] =	wrdreg s0;
	s10 =	sadd.s32 $0x200, s7;
	s12 =	sadd.s32 $0x400, s7  }
0xd: {  	s14 =	sadd.s32 $0x600, s7;
	s17 =	sadd.s32 $0x200, s8;
	s19 =	sadd.s32 $0x400, s8  }
.LBB2_1:
0xe: {  	s26 =	simm.s32 $0x0;
	s28 =	simm.s32 $0x0  }
.LBB2_2:
0xf: {  	p0 =	sne.s32 s28, $0x0  }
.Ltmp0:
0x10: {  	_ = 	snop;
	(pc) =	sbr.rel @!p0 .LBB2_3-.Ltmp0, $2  }
0x11: {  	_ =	sdelay $0x2  }
0x12: {  	s29 =	sand.u32 $0x3, s28  }
0x13: {  	p0 =	sne.s32 s29, $0x0  }
.Ltmp1:
0x14: {  	_ = 	snop;
	(pc) =	sbr.rel @p0 .LBB2_6-.Ltmp1, $4  }
.Ltmp2:
0x15: {  	_ = 	snop;
	(pc) =	sbr.rel @!p0 .LBB2_5-.Ltmp2, $4  }
0x16: {  	_ = 	snop  }
0x17: {  	_ = 	snop  }
0x18: {  	_ = 	snop  }
0x19: {  	_ = 	snop  }
.LBB2_3:
0x1a: {  	[tilespmem:s3], [sflag:$0x2] =	stream.linear.gather [hbm4b:s7+s3], $0xD00, $0x38;
	[tilespmem:$0x1D400] =	vst v63  }
0x1b: {  	s0 =	simm.s32 $0x1000  }
0x1c: {  	[tilespmem:s0], [sflag:$0x2] =	stream.linear.gather [hbm4b:s10+s3], $0xD00, $0x38;
	[tilespmem:$0x1D400] =	vst v63  }
0x1d: {  	_ = 	snop  }
0x1e: {  	[tilespmem:s13], [sflag:$0x2] =	stream.linear.gather [hbm4b:s12+s3], $0xD00, $0x38;
	[tilespmem:$0x1D400] =	vst v63  }
0x1f: {  	_ = 	snop  }
0x20: {  	[tilespmem:s15], [sflag:$0x2] =	stream.linear.gather [hbm4b:s14+s3], $0xD00, $0x38;
	[tilespmem:$0x1D400] =	vst v63  }
0x21: {  	_ = 	snop  }
0x22: {  	[tilespmem:s16], [sflag:$0x2] =	stream.linear.gather [hbm4b:s8+s3], $0xD00, $0x38;
	[tilespmem:$0x1D400] =	vst v63  }
0x23: {  	_ = 	snop  }
0x24: {  	[tilespmem:s18], [sflag:$0x2] =	stream.linear.gather [hbm4b:s17+s3], $0xD00, $0x38;
	[tilespmem:$0x1D400] =	vst v63  }
0x25: {  	_ = 	snop  }
0x26: {  	[tilespmem:s20], [sflag:$0x2] =	stream.linear.gather [hbm4b:s19+s3], $0xD00, $0x38;
	[tilespmem:$0x1D400] =	vst v63  }
0x27: {  	s31 =	sadd.s32 $0x600, s8  }
0x28: {  	[tilespmem:s21], [sflag:$0x2] =	stream.linear.gather [hbm4b:s31+s3], $0xD00, $0x38;
	[tilespmem:$0x1D400] =	vst v63  }
.LBB2_5:
0x29: {  	_ =	swait.ge [sflag:s22], $0x3400  }
0x2a: {  	[sflag:s22] =	ssyncset.done $0x0  }
0x2b: {  	[sflag:s22] =	ssyncadd.s32 $0xFFFFCC00  }
0x2c: {  	_ =	swait.ge [sflag:s22], $0x3400  }
0x2d: {  	[sflag:s22] =	ssyncset.done $0x0  }
0x2e: {  	[sflag:s22] =	ssyncadd.s32 $0xFFFFCC00  }
.LBB2_6:
0x2f: {  	s31 =	sshll.u32 s29, $0xC  }
0x30: {  	v1 =	vld [tilespmem:s31+$0x4000]  }
0x31: {  	v2 =	vld [tilespmem:s31+$0x4010]  }
0x32: {  	v3 =	vld [tilespmem:s31+$0x4020]  }
0x33: {  	v4 =	vld [tilespmem:s31+$0x4030]  }
0x34: {  	v5 =	vld [tilespmem:s31+$0x4080]  }
0x35: {  	v6 =	vld [tilespmem:s31+$0x4090]  }
0x36: {  	v7 =	vld [tilespmem:s31+$0x40A0]  }
0x37: {  	v8 =	vld [tilespmem:s31+$0x40B0]  }
0x38: {  	v9 =	vld [tilespmem:s31+$0x4100]  }
0x39: {  	v10 =	vld [tilespmem:s31+$0x4110]  }
0x3a: {  	v11 =	vld [tilespmem:s31+$0x4120]  }
0x3b: {  	v12 =	vld [tilespmem:s31+$0x4130]  }
0x3c: {  	v13 =	vld [tilespmem:s31+$0x4180]  }
0x3d: {  	v14 =	vld [tilespmem:s31+$0x4190]  }
0x3e: {  	v15 =	vld [tilespmem:s31+$0x41A0]  }
0x3f: {  	v16 =	vld [tilespmem:s31+$0x41B0]  }
0x40: {  	v17 =	vld [tilespmem:s31+$0x4200]  }
0x41: {  	v18 =	vld [tilespmem:s31+$0x4210]  }
0x42: {  	v19 =	vld [tilespmem:s31+$0x4220]  }
0x43: {  	v20 =	vld [tilespmem:s31+$0x4230]  }
0x44: {  	v21 =	vld [tilespmem:s31+$0x4280]  }
0x45: {  	v22 =	vld [tilespmem:s31+$0x4290]  }
0x46: {  	v23 =	vld [tilespmem:s31+$0x42A0]  }
0x47: {  	v24 =	vld [tilespmem:s31+$0x42B0]  }
0x48: {  	v25 =	vld [tilespmem:s31+$0x4300]  }
0x49: {  	v26 =	vld [tilespmem:s31+$0x4310]  }
0x4a: {  	v27 =	vld [tilespmem:s31+$0x4320]  }
0x4b: {  	v28 =	vld [tilespmem:s31+$0x4330]  }
0x4c: {  	v29 =	vld [tilespmem:s31+$0x4380]  }
0x4d: {  	v30 =	vld [tilespmem:s31+$0x4390]  }
0x4e: {  	v31 =	vld [tilespmem:s31+$0x43A0]  }
0x4f: {  	v32 =	vld [tilespmem:s31+$0x43B0]  }
0x50: {  	v33 =	vld [tilespmem:s31+$0x4400]  }
0x51: {  	v34 =	vld [tilespmem:s31+$0x4410]  }
0x52: {  	v35 =	vld [tilespmem:s31+$0x4420]  }
0x53: {  	v36 =	vld [tilespmem:s31+$0x4430]  }
0x54: {  	v37 =	vld [tilespmem:s31+$0x4480]  }
0x55: {  	v38 =	vld [tilespmem:s31+$0x4490]  }
0x56: {  	v39 =	vld [tilespmem:s31+$0x44A0]  }
0x57: {  	v40 =	vld [tilespmem:s31+$0x44B0]  }
0x58: {  	v41 =	vld [tilespmem:s31+$0x4500]  }
0x59: {  	v42 =	vld [tilespmem:s31+$0x4510]  }
0x5a: {  	v43 =	vld [tilespmem:s31+$0x4520]  }
0x5b: {  	v44 =	vld [tilespmem:s31+$0x4530]  }
0x5c: {  	v45 =	vld [tilespmem:s31+$0x4580]  }
0x5d: {  	s0 =	sshll.u32 s26, $0xC;
	v46 =	vld [tilespmem:s31+$0x4590]  }
0x5e: {  	s0 =	sand.u32 $0x3000, s0;
	v47 =	vld [tilespmem:s31+$0x45A0]  }
0x5f: {  	v48 =	vld [tilespmem:s31+$0x45B0];
	v0 =	vmov s0  }
0x60: {  	v49 =	vld [tilespmem:s31+$0x4600]  }
0x61: {  	v50 =	vld [tilespmem:s31+$0x4610]  }
0x62: {  	v52 =	vld [tilespmem:s31+$0x4620]  }
0x63: {  	s2 =	simm.s32 $0x0;
	v51 =	vld [tilespmem:s31+$0x4630]  }
0x64: {  	v53 =	vld.idx.msk [tilespmem:v0+s2+$0x0 ss:$0x1], $0xffff  }
0x65: {  	v54 =	vld.idx.msk [tilespmem:v0+s2+$0x10 ss:$0x1], $0xffff  }
0x66: {  	s0 =	simm.s32 $0x8340;
	v55 =	vld.idx.msk [tilespmem:v0+s2+$0x20 ss:$0x1], $0xffff  }
0x67: {  	v56 =	vld.idx.msk [tilespmem:v0+s2+$0x30 ss:$0x1], $0xffff;
	[tilespmem:s0+$0xFFFFFD00] =	vst v1  }
0x68: {  	[tilespmem:s0+$0xFFFFFD10] =	vst v2  }
0x69: {  	[tilespmem:s0+$0xFFFFFD20] =	vst v3  }
0x6a: {  	[tilespmem:s0+$0xFFFFFD30] =	vst v4  }
0x6b: {  	[tilespmem:s0+$0xFFFFFD80] =	vst v5  }
0x6c: {  	[tilespmem:s0+$0xFFFFFD90] =	vst v6  }
0x6d: {  	[tilespmem:s0+$0xFFFFFDA0] =	vst v7  }
0x6e: {  	[tilespmem:s0+$0xFFFFFDB0] =	vst v8  }
0x6f: {  	[tilespmem:s0+$0xFFFFFE00] =	vst v9  }
0x70: {  	[tilespmem:s0+$0xFFFFFE10] =	vst v10  }
0x71: {  	[tilespmem:s0+$0xFFFFFE20] =	vst v11  }
0x72: {  	[tilespmem:s0+$0xFFFFFE30] =	vst v12  }
0x73: {  	[tilespmem:s0+$0xFFFFFE80] =	vst v13  }
0x74: {  	[tilespmem:s0+$0xFFFFFE90] =	vst v14  }
0x75: {  	[tilespmem:s0+$0xFFFFFEA0] =	vst v15  }
0x76: {  	[tilespmem:s0+$0xFFFFFEB0] =	vst v16  }
0x77: {  	[tilespmem:s0+$0xFFFFFF00] =	vst v17  }
0x78: {  	[tilespmem:s0+$0xFFFFFF10] =	vst v18  }
0x79: {  	[tilespmem:s0+$0xFFFFFF20] =	vst v19  }
0x7a: {  	[tilespmem:s0+$0xFFFFFF30] =	vst v20  }
0x7b: {  	[tilespmem:s0+$0xFFFFFF80] =	vst v21  }
0x7c: {  	[tilespmem:s0+$0xFFFFFF90] =	vst v22  }
0x7d: {  	[tilespmem:s0+$0xFFFFFFA0] =	vst v23  }
0x7e: {  	[tilespmem:s0+$0xFFFFFFB0] =	vst v24  }
0x7f: {  	[tilespmem:s0+$0x0] =	vst v25  }
0x80: {  	[tilespmem:s0+$0x10] =	vst v26  }
0x81: {  	[tilespmem:s0+$0x20] =	vst v27  }
0x82: {  	[tilespmem:s0+$0x30] =	vst v28  }
0x83: {  	[tilespmem:s0+$0x80] =	vst v29  }
0x84: {  	[tilespmem:s0+$0x90] =	vst v30  }
0x85: {  	[tilespmem:s0+$0xA0] =	vst v31  }
0x86: {  	[tilespmem:s0+$0xB0] =	vst v32  }
0x87: {  	[tilespmem:s0+$0x100] =	vst v33  }
0x88: {  	[tilespmem:s0+$0x110] =	vst v34  }
0x89: {  	[tilespmem:s0+$0x120] =	vst v35  }
0x8a: {  	[tilespmem:s0+$0x130] =	vst v36  }
0x8b: {  	[tilespmem:s0+$0x180] =	vst v37  }
0x8c: {  	[tilespmem:s0+$0x190] =	vst v38  }
0x8d: {  	[tilespmem:s0+$0x1A0] =	vst v39  }
0x8e: {  	[tilespmem:s0+$0x1B0] =	vst v40  }
0x8f: {  	[tilespmem:s0+$0x200] =	vst v41  }
0x90: {  	[tilespmem:s0+$0x210] =	vst v42  }
0x91: {  	[tilespmem:s0+$0x220] =	vst v43  }
0x92: {  	[tilespmem:s0+$0x230] =	vst v44  }
0x93: {  	[tilespmem:s0+$0x280] =	vst v45  }
0x94: {  	[tilespmem:s0+$0x290] =	vst v46  }
0x95: {  	[tilespmem:s0+$0x2A0] =	vst v47  }
0x96: {  	[tilespmem:s0+$0x2B0] =	vst v48  }
0x97: {  	[tilespmem:s0+$0x300] =	vst v49  }
0x98: {  	[tilespmem:s0+$0x310] =	vst v50  }
0x99: {  	[tilespmem:s0+$0x320] =	vst v52  }
0x9a: {  	[tilespmem:s0+$0xFFFFFCC0] =	vst v53  }
0x9b: {  	[tilespmem:s0+$0xFFFFFCD0] =	vst v54  }
0x9c: {  	[tilespmem:s0+$0xFFFFFCE0] =	vst v55  }
0x9d: {  	[tilespmem:s0+$0xFFFFFCF0] =	vst v56  }
0x9e: {  	[tilespmem:s0+$0xFFFFFD40] =	vst v53  }
0x9f: {  	[tilespmem:s0+$0xFFFFFD50] =	vst v54  }
0xa0: {  	[tilespmem:s0+$0xFFFFFD60] =	vst v55  }
0xa1: {  	[tilespmem:s0+$0xFFFFFD70] =	vst v56  }
0xa2: {  	[tilespmem:s0+$0xFFFFFDC0] =	vst v53  }
0xa3: {  	[tilespmem:s0+$0xFFFFFDD0] =	vst v54  }
0xa4: {  	[tilespmem:s0+$0xFFFFFDE0] =	vst v55  }
0xa5: {  	[tilespmem:s0+$0xFFFFFDF0] =	vst v56  }
0xa6: {  	[tilespmem:s0+$0xFFFFFE40] =	vst v53  }
0xa7: {  	[tilespmem:s0+$0xFFFFFE50] =	vst v54  }
0xa8: {  	[tilespmem:s0+$0xFFFFFE60] =	vst v55  }
0xa9: {  	[tilespmem:s0+$0xFFFFFE70] =	vst v56  }
0xaa: {  	[tilespmem:s0+$0xFFFFFEC0] =	vst v53  }
0xab: {  	[tilespmem:s0+$0xFFFFFED0] =	vst v54  }
0xac: {  	[tilespmem:s0+$0xFFFFFEE0] =	vst v55  }
0xad: {  	[tilespmem:s0+$0xFFFFFEF0] =	vst v56  }
0xae: {  	[tilespmem:s0+$0xFFFFFF40] =	vst v53  }
0xaf: {  	[tilespmem:s0+$0xFFFFFF50] =	vst v54  }
0xb0: {  	[tilespmem:s0+$0xFFFFFF60] =	vst v55  }
0xb1: {  	[tilespmem:s0+$0xFFFFFF70] =	vst v56  }
0xb2: {  	[tilespmem:s0+$0xFFFFFFC0] =	vst v53  }
0xb3: {  	[tilespmem:s0+$0xFFFFFFD0] =	vst v54  }
0xb4: {  	[tilespmem:s0+$0xFFFFFFE0] =	vst v55  }
0xb5: {  	[tilespmem:s0+$0xFFFFFFF0] =	vst v56  }
0xb6: {  	[tilespmem:s0+$0x40] =	vst v53  }
0xb7: {  	[tilespmem:s0+$0x50] =	vst v54  }
0xb8: {  	[tilespmem:s0+$0x60] =	vst v55  }
0xb9: {  	[tilespmem:s0+$0x260] =	vst v55  }
0xba: {  	[tilespmem:s0+$0x2E0] =	vst v55  }
0xbb: {  	[tilespmem:s0+$0x70] =	vst v56  }
0xbc: {  	[tilespmem:s0+$0x160] =	vst v55  }
0xbd: {  	[tilespmem:s0+$0x1E0] =	vst v55  }
0xbe: {  	[tilespmem:s0+$0x170] =	vst v56  }
0xbf: {  	[tilespmem:s0+$0x1F0] =	vst v56  }
0xc0: {  	[tilespmem:s0+$0x270] =	vst v56  }
0xc1: {  	[tilespmem:s0+$0xC0] =	vst v53  }
0xc2: {  	[tilespmem:s0+$0xE0] =	vst v55  }
0xc3: {  	[tilespmem:s0+$0xF0] =	vst v56  }
0xc4: {  	[tilespmem:s0+$0xD0] =	vst v54  }
0xc5: {  	[tilespmem:s0+$0x140] =	vst v53  }
0xc6: {  	[tilespmem:s0+$0x150] =	vst v54  }
0xc7: {  	[tilespmem:s0+$0x1C0] =	vst v53  }
0xc8: {  	[tilespmem:s0+$0x1D0] =	vst v54  }
0xc9: {  	[tilespmem:s0+$0x240] =	vst v53  }
0xca: {  	[tilespmem:s0+$0x250] =	vst v54  }
0xcb: {  	[tilespmem:s0+$0x2C0] =	vst v53  }
0xcc: {  	[tilespmem:s0+$0x2F0] =	vst v56  }
0xcd: {  	s30 =	sor.u32 s4, s28;
	s2 =	simm.s32 $0x200;
	[tilespmem:s0+$0x2D0] =	vst v54  }
.LBB2_7:
0xce: {  	s9 =	smov.u32 s2  }
0xcf: {  	s11 =	sshra.s32 s2, $0x2;
	[tilespmem:s0+$0x330] =	vst v51;
	s0 =	sadd.s32 $0xD00, s0;
	s9 =	sadd.s32 $0x200, s2  }
0xd0: {  	p0 =	sne.s32 s2, $0x3200;
	v53 =	vld.idx.msk [tilespmem:v0+s11+$0x0 ss:$0x1], $0xffff  }
0xd1: {  	v54 =	vld.idx.msk [tilespmem:v0+s11+$0x10 ss:$0x1], $0xffff  }
0xd2: {  	v55 =	vld.idx.msk [tilespmem:v0+s11+$0x20 ss:$0x1], $0xffff  }
0xd3: {  	v56 =	vld.idx.msk [tilespmem:v0+s11+$0x30 ss:$0x1], $0xffff  }
0xd4: {  	[tilespmem:s0+$0xFFFFFD00] =	vst v1  }
0xd5: {  	[tilespmem:s0+$0xFFFFFD10] =	vst v2  }
0xd6: {  	[tilespmem:s0+$0xFFFFFCC0] =	vst v53  }
0xd7: {  	[tilespmem:s0+$0xFFFFFCD0] =	vst v54  }
0xd8: {  	[tilespmem:s0+$0xFFFFFCE0] =	vst v55  }
0xd9: {  	[tilespmem:s0+$0xFFFFFCF0] =	vst v56  }
0xda: {  	[tilespmem:s0+$0xFFFFFD40] =	vst v53  }
0xdb: {  	[tilespmem:s0+$0xFFFFFD50] =	vst v54  }
0xdc: {  	[tilespmem:s0+$0xFFFFFD60] =	vst v55  }
0xdd: {  	[tilespmem:s0+$0xFFFFFD70] =	vst v56  }
0xde: {  	[tilespmem:s0+$0xFFFFFDC0] =	vst v53  }
0xdf: {  	[tilespmem:s0+$0xFFFFFDD0] =	vst v54  }
0xe0: {  	[tilespmem:s0+$0xFFFFFDE0] =	vst v55  }
0xe1: {  	[tilespmem:s0+$0xFFFFFDF0] =	vst v56  }
0xe2: {  	[tilespmem:s0+$0xFFFFFE40] =	vst v53  }
0xe3: {  	[tilespmem:s0+$0xFFFFFE50] =	vst v54  }
0xe4: {  	[tilespmem:s0+$0xFFFFFE60] =	vst v55  }
0xe5: {  	[tilespmem:s0+$0xFFFFFE70] =	vst v56  }
0xe6: {  	[tilespmem:s0+$0xFFFFFEC0] =	vst v53  }
0xe7: {  	[tilespmem:s0+$0xFFFFFED0] =	vst v54  }
0xe8: {  	[tilespmem:s0+$0xFFFFFEE0] =	vst v55  }
0xe9: {  	[tilespmem:s0+$0xFFFFFEF0] =	vst v56  }
0xea: {  	[tilespmem:s0+$0xFFFFFF40] =	vst v53  }
0xeb: {  	[tilespmem:s0+$0xFFFFFF50] =	vst v54  }
0xec: {  	[tilespmem:s0+$0xFFFFFF60] =	vst v55  }
0xed: {  	[tilespmem:s0+$0xFFFFFF70] =	vst v56  }
0xee: {  	[tilespmem:s0+$0xFFFFFFC0] =	vst v53  }
0xef: {  	[tilespmem:s0+$0xFFFFFFD0] =	vst v54  }
0xf0: {  	[tilespmem:s0+$0xFFFFFFE0] =	vst v55  }
0xf1: {  	[tilespmem:s0+$0xFFFFFFF0] =	vst v56  }
0xf2: {  	[tilespmem:s0+$0x40] =	vst v53  }
0xf3: {  	[tilespmem:s0+$0x50] =	vst v54  }
0xf4: {  	[tilespmem:s0+$0x60] =	vst v55  }
0xf5: {  	[tilespmem:s0+$0x260] =	vst v55  }
0xf6: {  	[tilespmem:s0+$0x2E0] =	vst v55  }
0xf7: {  	[tilespmem:s0+$0x70] =	vst v56  }
0xf8: {  	[tilespmem:s0+$0x160] =	vst v55  }
0xf9: {  	[tilespmem:s0+$0x1E0] =	vst v55  }
0xfa: {  	[tilespmem:s0+$0x170] =	vst v56  }
0xfb: {  	[tilespmem:s0+$0x1F0] =	vst v56  }
0xfc: {  	[tilespmem:s0+$0x270] =	vst v56  }
0xfd: {  	[tilespmem:s0+$0xC0] =	vst v53  }
0xfe: {  	[tilespmem:s0+$0xE0] =	vst v55  }
0xff: {  	[tilespmem:s0+$0xF0] =	vst v56  }
0x100: {  	[tilespmem:s0+$0xD0] =	vst v54  }
0x101: {  	[tilespmem:s0+$0x140] =	vst v53  }
0x102: {  	[tilespmem:s0+$0x150] =	vst v54  }
0x103: {  	[tilespmem:s0+$0x1C0] =	vst v53  }
0x104: {  	[tilespmem:s0+$0x1D0] =	vst v54  }
0x105: {  	[tilespmem:s0+$0x240] =	vst v53  }
0x106: {  	[tilespmem:s0+$0x250] =	vst v54  }
0x107: {  	[tilespmem:s0+$0x2C0] =	vst v53  }
0x108: {  	[tilespmem:s0+$0x2F0] =	vst v56  }
0x109: {  	[tilespmem:s0+$0x2D0] =	vst v54  }
0x10a: {  	[tilespmem:s0+$0xFFFFFD20] =	vst v3  }
0x10b: {  	[tilespmem:s0+$0xFFFFFD30] =	vst v4  }
0x10c: {  	[tilespmem:s0+$0xFFFFFD80] =	vst v5  }
0x10d: {  	[tilespmem:s0+$0xFFFFFD90] =	vst v6  }
0x10e: {  	[tilespmem:s0+$0xFFFFFDA0] =	vst v7  }
0x10f: {  	[tilespmem:s0+$0xFFFFFDB0] =	vst v8  }
0x110: {  	[tilespmem:s0+$0xFFFFFE00] =	vst v9  }
0x111: {  	[tilespmem:s0+$0xFFFFFE10] =	vst v10  }
0x112: {  	[tilespmem:s0+$0xFFFFFE20] =	vst v11  }
0x113: {  	[tilespmem:s0+$0xFFFFFE30] =	vst v12  }
0x114: {  	[tilespmem:s0+$0xFFFFFE80] =	vst v13  }
0x115: {  	[tilespmem:s0+$0xFFFFFE90] =	vst v14  }
0x116: {  	[tilespmem:s0+$0xFFFFFEA0] =	vst v15  }
0x117: {  	[tilespmem:s0+$0xFFFFFEB0] =	vst v16  }
0x118: {  	[tilespmem:s0+$0xFFFFFF00] =	vst v17  }
0x119: {  	[tilespmem:s0+$0xFFFFFF10] =	vst v18  }
0x11a: {  	[tilespmem:s0+$0xFFFFFF20] =	vst v19  }
0x11b: {  	[tilespmem:s0+$0xFFFFFF30] =	vst v20  }
0x11c: {  	[tilespmem:s0+$0xFFFFFF80] =	vst v21  }
0x11d: {  	[tilespmem:s0+$0xFFFFFF90] =	vst v22  }
0x11e: {  	[tilespmem:s0+$0xFFFFFFA0] =	vst v23  }
0x11f: {  	[tilespmem:s0+$0xFFFFFFB0] =	vst v24  }
0x120: {  	[tilespmem:s0+$0x0] =	vst v25  }
0x121: {  	[tilespmem:s0+$0x10] =	vst v26  }
0x122: {  	[tilespmem:s0+$0x20] =	vst v27  }
0x123: {  	[tilespmem:s0+$0x30] =	vst v28  }
0x124: {  	[tilespmem:s0+$0x80] =	vst v29  }
0x125: {  	[tilespmem:s0+$0x90] =	vst v30  }
0x126: {  	[tilespmem:s0+$0xA0] =	vst v31  }
0x127: {  	[tilespmem:s0+$0xB0] =	vst v32  }
0x128: {  	[tilespmem:s0+$0x100] =	vst v33  }
0x129: {  	[tilespmem:s0+$0x110] =	vst v34  }
0x12a: {  	[tilespmem:s0+$0x120] =	vst v35  }
0x12b: {  	[tilespmem:s0+$0x130] =	vst v36  }
0x12c: {  	[tilespmem:s0+$0x180] =	vst v37  }
0x12d: {  	[tilespmem:s0+$0x190] =	vst v38  }
0x12e: {  	[tilespmem:s0+$0x1A0] =	vst v39  }
0x12f: {  	[tilespmem:s0+$0x1B0] =	vst v40  }
0x130: {  	[tilespmem:s0+$0x200] =	vst v41  }
0x131: {  	[tilespmem:s0+$0x210] =	vst v42  }
0x132: {  	[tilespmem:s0+$0x220] =	vst v43  }
0x133: {  	[tilespmem:s0+$0x230] =	vst v44  }
0x134: {  	[tilespmem:s0+$0x280] =	vst v45  }
0x135: {  	[tilespmem:s0+$0x290] =	vst v46  }
.Ltmp3:
0x136: {  	[tilespmem:s0+$0x2A0] =	vst v47;
	(pc) =	sbr.rel @p0 .LBB2_7-.Ltmp3, $4  }
0x137: {  	[tilespmem:s0+$0x2B0] =	vst v48  }
0x138: {  	[tilespmem:s0+$0x300] =	vst v49  }
0x139: {  	[tilespmem:s0+$0x310] =	vst v50  }
0x13a: {  	s2 =	smov.u32 s9;
	[tilespmem:s0+$0x320] =	vst v52  }
0x13b: {  	[tilespmem:s0+$0x330] =	vst v51  }
0x13c: {  	v1 =	vld [tilespmem:s31+$0x4680]  }
0x13d: {  	v2 =	vld [tilespmem:s31+$0x4690]  }
0x13e: {  	v3 =	vld [tilespmem:s31+$0x46A0]  }
0x13f: {  	v4 =	vld [tilespmem:s31+$0x46B0]  }
0x140: {  	v5 =	vld [tilespmem:s31+$0x4700]  }
0x141: {  	v6 =	vld [tilespmem:s31+$0x4710]  }
0x142: {  	v7 =	vld [tilespmem:s31+$0x4720]  }
0x143: {  	v8 =	vld [tilespmem:s31+$0x4730]  }
0x144: {  	v9 =	vld [tilespmem:s31+$0x4780]  }
0x145: {  	v10 =	vld [tilespmem:s31+$0x4790]  }
0x146: {  	v11 =	vld [tilespmem:s31+$0x47A0]  }
0x147: {  	v12 =	vld [tilespmem:s31+$0x47B0]  }
0x148: {  	v13 =	vld [tilespmem:s31+$0x4800]  }
0x149: {  	v14 =	vld [tilespmem:s31+$0x4810]  }
0x14a: {  	v15 =	vld [tilespmem:s31+$0x4820]  }
0x14b: {  	v16 =	vld [tilespmem:s31+$0x4830]  }
0x14c: {  	v17 =	vld [tilespmem:s31+$0x4880]  }
0x14d: {  	v18 =	vld [tilespmem:s31+$0x4890]  }
0x14e: {  	v19 =	vld [tilespmem:s31+$0x48A0]  }
0x14f: {  	v20 =	vld [tilespmem:s31+$0x48B0]  }
0x150: {  	v21 =	vld [tilespmem:s31+$0x4900]  }
0x151: {  	v22 =	vld [tilespmem:s31+$0x4910]  }
0x152: {  	v23 =	vld [tilespmem:s31+$0x4920]  }
0x153: {  	v24 =	vld [tilespmem:s31+$0x4930]  }
0x154: {  	v25 =	vld [tilespmem:s31+$0x4980]  }
0x155: {  	v26 =	vld [tilespmem:s31+$0x4990]  }
0x156: {  	v27 =	vld [tilespmem:s31+$0x49A0]  }
0x157: {  	v28 =	vld [tilespmem:s31+$0x49B0]  }
0x158: {  	v29 =	vld [tilespmem:s31+$0x4A00]  }
0x159: {  	v30 =	vld [tilespmem:s31+$0x4A10]  }
0x15a: {  	v31 =	vld [tilespmem:s31+$0x4A20]  }
0x15b: {  	v32 =	vld [tilespmem:s31+$0x4A30]  }
0x15c: {  	v33 =	vld [tilespmem:s31+$0x4A80]  }
0x15d: {  	v34 =	vld [tilespmem:s31+$0x4A90]  }
0x15e: {  	v35 =	vld [tilespmem:s31+$0x4AA0]  }
0x15f: {  	v36 =	vld [tilespmem:s31+$0x4AB0]  }
0x160: {  	v37 =	vld [tilespmem:s31+$0x4B00]  }
0x161: {  	v38 =	vld [tilespmem:s31+$0x4B10]  }
0x162: {  	v39 =	vld [tilespmem:s31+$0x4B20]  }
0x163: {  	v40 =	vld [tilespmem:s31+$0x4B30]  }
0x164: {  	v41 =	vld [tilespmem:s31+$0x4B80]  }
0x165: {  	v42 =	vld [tilespmem:s31+$0x4B90]  }
0x166: {  	v43 =	vld [tilespmem:s31+$0x4BA0]  }
0x167: {  	v44 =	vld [tilespmem:s31+$0x4BB0]  }
0x168: {  	v45 =	vld [tilespmem:s31+$0x4C00]  }
0x169: {  	v46 =	vld [tilespmem:s31+$0x4C10]  }
0x16a: {  	v47 =	vld [tilespmem:s31+$0x4C20]  }
0x16b: {  	v48 =	vld [tilespmem:s31+$0x4C30]  }
0x16c: {  	v49 =	vld [tilespmem:s31+$0x4C80]  }
0x16d: {  	v51 =	vld [tilespmem:s31+$0x4C90]  }
0x16e: {  	v52 =	vld [tilespmem:s31+$0x4CA0]  }
0x16f: {  	s2 =	simm.s32 $0x0;
	v50 =	vld [tilespmem:s31+$0x4CB0]  }
0x170: {  	v53 =	vld.idx.msk [tilespmem:v0+s2+$0x0 ss:$0x1], $0xffff  }
0x171: {  	v54 =	vld.idx.msk [tilespmem:v0+s2+$0x10 ss:$0x1], $0xffff  }
0x172: {  	s0 =	simm.s32 $0x8CF0;
	v55 =	vld.idx.msk [tilespmem:v0+s2+$0x20 ss:$0x1], $0xffff  }
0x173: {  	v56 =	vld.idx.msk [tilespmem:v0+s2+$0x30 ss:$0x1], $0xffff;
	[tilespmem:s0+$0xFFFFF9D0] =	vst v1  }
0x174: {  	[tilespmem:s0+$0xFFFFF9E0] =	vst v2  }
0x175: {  	[tilespmem:s0+$0xFFFFF990] =	vst v53  }
0x176: {  	[tilespmem:s0+$0xFFFFF9A0] =	vst v54  }
0x177: {  	[tilespmem:s0+$0xFFFFF9B0] =	vst v55  }
0x178: {  	[tilespmem:s0+$0xFFFFF9C0] =	vst v56  }
0x179: {  	[tilespmem:s0+$0xFFFFFA10] =	vst v53  }
0x17a: {  	[tilespmem:s0+$0xFFFFFA20] =	vst v54  }
0x17b: {  	[tilespmem:s0+$0xFFFFFA30] =	vst v55  }
0x17c: {  	[tilespmem:s0+$0xFFFFFA40] =	vst v56  }
0x17d: {  	[tilespmem:s0+$0xFFFFFA90] =	vst v53  }
0x17e: {  	[tilespmem:s0+$0xFFFFFAA0] =	vst v54  }
0x17f: {  	[tilespmem:s0+$0xFFFFFAB0] =	vst v55  }
0x180: {  	[tilespmem:s0+$0xFFFFFAC0] =	vst v56  }
0x181: {  	[tilespmem:s0+$0xFFFFFB10] =	vst v53  }
0x182: {  	[tilespmem:s0+$0xFFFFFB20] =	vst v54  }
0x183: {  	[tilespmem:s0+$0xFFFFFB30] =	vst v55  }
0x184: {  	[tilespmem:s0+$0xFFFFFB40] =	vst v56  }
0x185: {  	[tilespmem:s0+$0xFFFFFB90] =	vst v53  }
0x186: {  	[tilespmem:s0+$0xFFFFFBA0] =	vst v54  }
0x187: {  	[tilespmem:s0+$0xFFFFFBB0] =	vst v55  }
0x188: {  	[tilespmem:s0+$0xFFFFFBC0] =	vst v56  }
0x189: {  	[tilespmem:s0+$0xFFFFFC10] =	vst v53  }
0x18a: {  	[tilespmem:s0+$0xFFFFFC20] =	vst v54  }
0x18b: {  	[tilespmem:s0+$0xFFFFFC30] =	vst v55  }
0x18c: {  	[tilespmem:s0+$0xFFFFFC40] =	vst v56  }
0x18d: {  	[tilespmem:s0+$0xFFFFFC90] =	vst v53  }
0x18e: {  	[tilespmem:s0+$0xFFFFFCA0] =	vst v54  }
0x18f: {  	[tilespmem:s0+$0xFFFFFCB0] =	vst v55  }
0x190: {  	[tilespmem:s0+$0xFFFFFCC0] =	vst v56  }
0x191: {  	[tilespmem:s0+$0xFFFFFD10] =	vst v53  }
0x192: {  	[tilespmem:s0+$0xFFFFFD20] =	vst v54  }
0x193: {  	[tilespmem:s0+$0xFFFFFD30] =	vst v55  }
0x194: {  	[tilespmem:s0+$0xFFFFFF30] =	vst v55  }
0x195: {  	[tilespmem:s0+$0xFFFFFFB0] =	vst v55  }
0x196: {  	[tilespmem:s0+$0xFFFFFD40] =	vst v56  }
0x197: {  	[tilespmem:s0+$0xFFFFFE30] =	vst v55  }
0x198: {  	[tilespmem:s0+$0xFFFFFEB0] =	vst v55  }
0x199: {  	[tilespmem:s0+$0xFFFFFE40] =	vst v56  }
0x19a: {  	[tilespmem:s0+$0xFFFFFEC0] =	vst v56  }
0x19b: {  	[tilespmem:s0+$0xFFFFFF40] =	vst v56  }
0x19c: {  	[tilespmem:s0+$0xFFFFFD90] =	vst v53  }
0x19d: {  	[tilespmem:s0+$0xFFFFFDB0] =	vst v55  }
0x19e: {  	[tilespmem:s0+$0xFFFFFDC0] =	vst v56  }
0x19f: {  	[tilespmem:s0+$0xFFFFFDA0] =	vst v54  }
0x1a0: {  	[tilespmem:s0+$0xFFFFFE10] =	vst v53  }
0x1a1: {  	[tilespmem:s0+$0xFFFFFE20] =	vst v54  }
0x1a2: {  	[tilespmem:s0+$0xFFFFFE90] =	vst v53  }
0x1a3: {  	[tilespmem:s0+$0xFFFFFEA0] =	vst v54  }
0x1a4: {  	[tilespmem:s0+$0xFFFFFF10] =	vst v53  }
0x1a5: {  	[tilespmem:s0+$0xFFFFFF20] =	vst v54  }
0x1a6: {  	[tilespmem:s0+$0xFFFFFF90] =	vst v53  }
0x1a7: {  	[tilespmem:s0+$0xFFFFFFC0] =	vst v56  }
0x1a8: {  	[tilespmem:s0+$0xFFFFFFA0] =	vst v54  }
0x1a9: {  	[tilespmem:s0+$0xFFFFF9F0] =	vst v3  }
0x1aa: {  	[tilespmem:s0+$0xFFFFFA00] =	vst v4  }
0x1ab: {  	[tilespmem:s0+$0xFFFFFA50] =	vst v5  }
0x1ac: {  	[tilespmem:s0+$0xFFFFFA60] =	vst v6  }
0x1ad: {  	[tilespmem:s0+$0xFFFFFA70] =	vst v7  }
0x1ae: {  	[tilespmem:s0+$0xFFFFFA80] =	vst v8  }
0x1af: {  	[tilespmem:s0+$0xFFFFFAD0] =	vst v9  }
0x1b0: {  	[tilespmem:s0+$0xFFFFFAE0] =	vst v10  }
0x1b1: {  	[tilespmem:s0+$0xFFFFFAF0] =	vst v11  }
0x1b2: {  	[tilespmem:s0+$0xFFFFFB00] =	vst v12  }
0x1b3: {  	[tilespmem:s0+$0xFFFFFB50] =	vst v13  }
0x1b4: {  	[tilespmem:s0+$0xFFFFFB60] =	vst v14  }
0x1b5: {  	[tilespmem:s0+$0xFFFFFB70] =	vst v15  }
0x1b6: {  	[tilespmem:s0+$0xFFFFFB80] =	vst v16  }
0x1b7: {  	[tilespmem:s0+$0xFFFFFBD0] =	vst v17  }
0x1b8: {  	[tilespmem:s0+$0xFFFFFBE0] =	vst v18  }
0x1b9: {  	[tilespmem:s0+$0xFFFFFBF0] =	vst v19  }
0x1ba: {  	[tilespmem:s0+$0xFFFFFC00] =	vst v20  }
0x1bb: {  	[tilespmem:s0+$0xFFFFFC50] =	vst v21  }
0x1bc: {  	[tilespmem:s0+$0xFFFFFC60] =	vst v22  }
0x1bd: {  	[tilespmem:s0+$0xFFFFFC70] =	vst v23  }
0x1be: {  	[tilespmem:s0+$0xFFFFFC80] =	vst v24  }
0x1bf: {  	[tilespmem:s0+$0xFFFFFCD0] =	vst v25  }
0x1c0: {  	[tilespmem:s0+$0xFFFFFCE0] =	vst v26  }
0x1c1: {  	[tilespmem:s0+$0xFFFFFCF0] =	vst v27  }
0x1c2: {  	[tilespmem:s0+$0xFFFFFD00] =	vst v28  }
0x1c3: {  	[tilespmem:s0+$0xFFFFFD50] =	vst v29  }
0x1c4: {  	[tilespmem:s0+$0xFFFFFD60] =	vst v30  }
0x1c5: {  	[tilespmem:s0+$0xFFFFFD70] =	vst v31  }
0x1c6: {  	[tilespmem:s0+$0xFFFFFD80] =	vst v32  }
0x1c7: {  	[tilespmem:s0+$0xFFFFFDD0] =	vst v33  }
0x1c8: {  	[tilespmem:s0+$0xFFFFFDE0] =	vst v34  }
0x1c9: {  	[tilespmem:s0+$0xFFFFFDF0] =	vst v35  }
0x1ca: {  	[tilespmem:s0+$0xFFFFFE00] =	vst v36  }
0x1cb: {  	[tilespmem:s0+$0xFFFFFE50] =	vst v37  }
0x1cc: {  	[tilespmem:s0+$0xFFFFFE60] =	vst v38  }
0x1cd: {  	[tilespmem:s0+$0xFFFFFE70] =	vst v39  }
0x1ce: {  	[tilespmem:s0+$0xFFFFFE80] =	vst v40  }
0x1cf: {  	[tilespmem:s0+$0xFFFFFED0] =	vst v41  }
0x1d0: {  	[tilespmem:s0+$0xFFFFFEE0] =	vst v42  }
0x1d1: {  	[tilespmem:s0+$0xFFFFFEF0] =	vst v43  }
0x1d2: {  	[tilespmem:s0+$0xFFFFFF00] =	vst v44  }
0x1d3: {  	[tilespmem:s0+$0xFFFFFF50] =	vst v45  }
0x1d4: {  	[tilespmem:s0+$0xFFFFFF60] =	vst v46  }
0x1d5: {  	[tilespmem:s0+$0xFFFFFF70] =	vst v47  }
0x1d6: {  	[tilespmem:s0+$0xFFFFFF80] =	vst v48  }
0x1d7: {  	[tilespmem:s0+$0xFFFFFFD0] =	vst v49  }
0x1d8: {  	[tilespmem:s0+$0xFFFFFFE0] =	vst v51  }
0x1d9: {  	s9 =	simm.s32 $0x200;
	[tilespmem:s0+$0xFFFFFFF0] =	vst v52  }
.LBB2_9:
0x1da: {  	s2 =	smov.u32 s9  }
0x1db: {  	s11 =	sshra.s32 s9, $0x2;
	[tilespmem:s0+$0x0] =	vst v50;
	s0 =	sadd.s32 $0xD00, s0;
	s2 =	sadd.s32 $0x200, s9  }
0x1dc: {  	p0 =	sne.s32 s9, $0x3200;
	v53 =	vld.idx.msk [tilespmem:v0+s11+$0x0 ss:$0x1], $0xffff  }
0x1dd: {  	v54 =	vld.idx.msk [tilespmem:v0+s11+$0x10 ss:$0x1], $0xffff  }
0x1de: {  	v55 =	vld.idx.msk [tilespmem:v0+s11+$0x20 ss:$0x1], $0xffff  }
0x1df: {  	v56 =	vld.idx.msk [tilespmem:v0+s11+$0x30 ss:$0x1], $0xffff  }
0x1e0: {  	[tilespmem:s0+$0xFFFFF9D0] =	vst v1  }
0x1e1: {  	[tilespmem:s0+$0xFFFFF9E0] =	vst v2  }
0x1e2: {  	[tilespmem:s0+$0xFFFFF990] =	vst v53  }
0x1e3: {  	[tilespmem:s0+$0xFFFFF9A0] =	vst v54  }
0x1e4: {  	[tilespmem:s0+$0xFFFFF9B0] =	vst v55  }
0x1e5: {  	[tilespmem:s0+$0xFFFFF9C0] =	vst v56  }
0x1e6: {  	[tilespmem:s0+$0xFFFFFA10] =	vst v53  }
0x1e7: {  	[tilespmem:s0+$0xFFFFFA20] =	vst v54  }
0x1e8: {  	[tilespmem:s0+$0xFFFFFA30] =	vst v55  }
0x1e9: {  	[tilespmem:s0+$0xFFFFFA40] =	vst v56  }
0x1ea: {  	[tilespmem:s0+$0xFFFFFA90] =	vst v53  }
0x1eb: {  	[tilespmem:s0+$0xFFFFFAA0] =	vst v54  }
0x1ec: {  	[tilespmem:s0+$0xFFFFFAB0] =	vst v55  }
0x1ed: {  	[tilespmem:s0+$0xFFFFFAC0] =	vst v56  }
0x1ee: {  	[tilespmem:s0+$0xFFFFFB10] =	vst v53  }
0x1ef: {  	[tilespmem:s0+$0xFFFFFB20] =	vst v54  }
0x1f0: {  	[tilespmem:s0+$0xFFFFFB30] =	vst v55  }
0x1f1: {  	[tilespmem:s0+$0xFFFFFB40] =	vst v56  }
0x1f2: {  	[tilespmem:s0+$0xFFFFFB90] =	vst v53  }
0x1f3: {  	[tilespmem:s0+$0xFFFFFBA0] =	vst v54  }
0x1f4: {  	[tilespmem:s0+$0xFFFFFBB0] =	vst v55  }
0x1f5: {  	[tilespmem:s0+$0xFFFFFBC0] =	vst v56  }
0x1f6: {  	[tilespmem:s0+$0xFFFFFC10] =	vst v53  }
0x1f7: {  	[tilespmem:s0+$0xFFFFFC20] =	vst v54  }
0x1f8: {  	[tilespmem:s0+$0xFFFFFC30] =	vst v55  }
0x1f9: {  	[tilespmem:s0+$0xFFFFFC40] =	vst v56  }
0x1fa: {  	[tilespmem:s0+$0xFFFFFC90] =	vst v53  }
0x1fb: {  	[tilespmem:s0+$0xFFFFFCA0] =	vst v54  }
0x1fc: {  	[tilespmem:s0+$0xFFFFFCB0] =	vst v55  }
0x1fd: {  	[tilespmem:s0+$0xFFFFFCC0] =	vst v56  }
0x1fe: {  	[tilespmem:s0+$0xFFFFFD10] =	vst v53  }
0x1ff: {  	[tilespmem:s0+$0xFFFFFD20] =	vst v54  }
0x200: {  	[tilespmem:s0+$0xFFFFFD30] =	vst v55  }
0x201: {  	[tilespmem:s0+$0xFFFFFF30] =	vst v55  }
0x202: {  	[tilespmem:s0+$0xFFFFFFB0] =	vst v55  }
0x203: {  	[tilespmem:s0+$0xFFFFFD40] =	vst v56  }
0x204: {  	[tilespmem:s0+$0xFFFFFE30] =	vst v55  }
0x205: {  	[tilespmem:s0+$0xFFFFFEB0] =	vst v55  }
0x206: {  	[tilespmem:s0+$0xFFFFFE40] =	vst v56  }
0x207: {  	[tilespmem:s0+$0xFFFFFEC0] =	vst v56  }
0x208: {  	[tilespmem:s0+$0xFFFFFF40] =	vst v56  }
0x209: {  	[tilespmem:s0+$0xFFFFFD90] =	vst v53  }
0x20a: {  	[tilespmem:s0+$0xFFFFFDB0] =	vst v55  }
0x20b: {  	[tilespmem:s0+$0xFFFFFDC0] =	vst v56  }
0x20c: {  	[tilespmem:s0+$0xFFFFFDA0] =	vst v54  }
0x20d: {  	[tilespmem:s0+$0xFFFFFE10] =	vst v53  }
0x20e: {  	[tilespmem:s0+$0xFFFFFE20] =	vst v54  }
0x20f: {  	[tilespmem:s0+$0xFFFFFE90] =	vst v53  }
0x210: {  	[tilespmem:s0+$0xFFFFFEA0] =	vst v54  }
0x211: {  	[tilespmem:s0+$0xFFFFFF10] =	vst v53  }
0x212: {  	[tilespmem:s0+$0xFFFFFF20] =	vst v54  }
0x213: {  	[tilespmem:s0+$0xFFFFFF90] =	vst v53  }
0x214: {  	[tilespmem:s0+$0xFFFFFFC0] =	vst v56  }
0x215: {  	[tilespmem:s0+$0xFFFFFFA0] =	vst v54  }
0x216: {  	[tilespmem:s0+$0xFFFFF9F0] =	vst v3  }
0x217: {  	[tilespmem:s0+$0xFFFFFA00] =	vst v4  }
0x218: {  	[tilespmem:s0+$0xFFFFFA50] =	vst v5  }
0x219: {  	[tilespmem:s0+$0xFFFFFA60] =	vst v6  }
0x21a: {  	[tilespmem:s0+$0xFFFFFA70] =	vst v7  }
0x21b: {  	[tilespmem:s0+$0xFFFFFA80] =	vst v8  }
0x21c: {  	[tilespmem:s0+$0xFFFFFAD0] =	vst v9  }
0x21d: {  	[tilespmem:s0+$0xFFFFFAE0] =	vst v10  }
0x21e: {  	[tilespmem:s0+$0xFFFFFAF0] =	vst v11  }
0x21f: {  	[tilespmem:s0+$0xFFFFFB00] =	vst v12  }
0x220: {  	[tilespmem:s0+$0xFFFFFB50] =	vst v13  }
0x221: {  	[tilespmem:s0+$0xFFFFFB60] =	vst v14  }
0x222: {  	[tilespmem:s0+$0xFFFFFB70] =	vst v15  }
0x223: {  	[tilespmem:s0+$0xFFFFFB80] =	vst v16  }
0x224: {  	[tilespmem:s0+$0xFFFFFBD0] =	vst v17  }
0x225: {  	[tilespmem:s0+$0xFFFFFBE0] =	vst v18  }
0x226: {  	[tilespmem:s0+$0xFFFFFBF0] =	vst v19  }
0x227: {  	[tilespmem:s0+$0xFFFFFC00] =	vst v20  }
0x228: {  	[tilespmem:s0+$0xFFFFFC50] =	vst v21  }
0x229: {  	[tilespmem:s0+$0xFFFFFC60] =	vst v22  }
0x22a: {  	[tilespmem:s0+$0xFFFFFC70] =	vst v23  }
0x22b: {  	[tilespmem:s0+$0xFFFFFC80] =	vst v24  }
0x22c: {  	[tilespmem:s0+$0xFFFFFCD0] =	vst v25  }
0x22d: {  	[tilespmem:s0+$0xFFFFFCE0] =	vst v26  }
0x22e: {  	[tilespmem:s0+$0xFFFFFCF0] =	vst v27  }
0x22f: {  	[tilespmem:s0+$0xFFFFFD00] =	vst v28  }
0x230: {  	[tilespmem:s0+$0xFFFFFD50] =	vst v29  }
0x231: {  	[tilespmem:s0+$0xFFFFFD60] =	vst v30  }
0x232: {  	[tilespmem:s0+$0xFFFFFD70] =	vst v31  }
0x233: {  	[tilespmem:s0+$0xFFFFFD80] =	vst v32  }
0x234: {  	[tilespmem:s0+$0xFFFFFDD0] =	vst v33  }
0x235: {  	[tilespmem:s0+$0xFFFFFDE0] =	vst v34  }
0x236: {  	[tilespmem:s0+$0xFFFFFDF0] =	vst v35  }
0x237: {  	[tilespmem:s0+$0xFFFFFE00] =	vst v36  }
0x238: {  	[tilespmem:s0+$0xFFFFFE50] =	vst v37  }
0x239: {  	[tilespmem:s0+$0xFFFFFE60] =	vst v38  }
0x23a: {  	[tilespmem:s0+$0xFFFFFE70] =	vst v39  }
0x23b: {  	[tilespmem:s0+$0xFFFFFE80] =	vst v40  }
0x23c: {  	[tilespmem:s0+$0xFFFFFED0] =	vst v41  }
0x23d: {  	[tilespmem:s0+$0xFFFFFEE0] =	vst v42  }
0x23e: {  	[tilespmem:s0+$0xFFFFFEF0] =	vst v43  }
0x23f: {  	[tilespmem:s0+$0xFFFFFF00] =	vst v44  }
0x240: {  	[tilespmem:s0+$0xFFFFFF50] =	vst v45  }
0x241: {  	[tilespmem:s0+$0xFFFFFF60] =	vst v46  }
.Ltmp4:
0x242: {  	[tilespmem:s0+$0xFFFFFF70] =	vst v47;
	(pc) =	sbr.rel @p0 .LBB2_9-.Ltmp4, $4  }
0x243: {  	[tilespmem:s0+$0xFFFFFF80] =	vst v48  }
0x244: {  	[tilespmem:s0+$0xFFFFFFD0] =	vst v49  }
0x245: {  	[tilespmem:s0+$0xFFFFFFE0] =	vst v51  }
0x246: {  	s9 =	smov.u32 s2;
	[tilespmem:s0+$0xFFFFFFF0] =	vst v52  }
0x247: {  	s2 =	smul.u32 $0x2A80, s30;
	p0 =	seq.s32 s28, $0x1F  }
0x248: {  	p1 =	sne.s32 @!p0 s29, $0x3  }
0x249: {  	[tilespmem:s0+$0x0] =	vst v50;
	s31 =	sadd.s32 s6, s2;
	p0 =	por p1, p0  }
0x24a: {  	[hbm4b:s31+s3] =	stream.linear.scatter [tilespmem:s23], [sflag:$0x1], $0x15200, $0x38;
	[tilespmem:$0x1D400] =	vst v63  }
0x24b: {  	s0 =	sshll.u32 @!p0 s30, $0x9  }
0x24c: {  	s0 =	sadd.s32 @!p0 $0x200, s0  }
0x24d: {  	s9 =	simm.s32 @!p0 $0x0;
	s2 =	sadd.s32 @!p0 s1, s0  }
0x24e: {  	[tilespmem:s9], [sflag:$0x2] =	stream.linear.gather @!p0 [hbm4b:s2+s9], $0xD00, $0x38;
	[tilespmem:$0x1D400] =	vst v63  }
0x24f: {  	s29 =	simm.s32 @!p0 $0x1000;
	s11 =	sadd.s32 @!p0 $0x200, s2  }
0x250: {  	[tilespmem:s29], [sflag:$0x2] =	stream.linear.gather @!p0 [hbm4b:s11+s9], $0xD00, $0x38;
	[tilespmem:$0x1D400] =	vst v63  }
0x251: {  	s11 =	sadd.s32 @!p0 $0x400, s2;
	s29 =	simm.s32 @!p0 $0x2000  }
0x252: {  	[tilespmem:s29], [sflag:$0x2] =	stream.linear.gather @!p0 [hbm4b:s11+s9], $0xD00, $0x38;
	[tilespmem:$0x1D400] =	vst v63  }
0x253: {  	s2 =	sadd.s32 @!p0 $0x600, s2;
	s11 =	simm.s32 @!p0 $0x3000  }
0x254: {  	[tilespmem:s11], [sflag:$0x2] =	stream.linear.gather @!p0 [hbm4b:s2+s9], $0xD00, $0x38;
	[tilespmem:$0x1D400] =	vst v63  }
0x255: {  	s0 =	sadd.s32 @!p0 s5, s0;
	s2 =	simm.s32 @!p0 $0x4000  }
0x256: {  	[tilespmem:s2], [sflag:$0x2] =	stream.linear.gather @!p0 [hbm4b:s0+s9], $0xD00, $0x38;
	[tilespmem:$0x1D400] =	vst v63  }
0x257: {  	s11 =	simm.s32 @!p0 $0x5000;
	s2 =	sadd.s32 @!p0 $0x200, s0  }
0x258: {  	[tilespmem:s11], [sflag:$0x2] =	stream.linear.gather @!p0 [hbm4b:s2+s9], $0xD00, $0x38;
	[tilespmem:$0x1D400] =	vst v63  }
0x259: {  	s2 =	sadd.s32 @!p0 $0x400, s0;
	s11 =	simm.s32 @!p0 $0x6000  }
0x25a: {  	[tilespmem:s11], [sflag:$0x2] =	stream.linear.gather @!p0 [hbm4b:s2+s9], $0xD00, $0x38;
	[tilespmem:$0x1D400] =	vst v63  }
0x25b: {  	s28 =	sadd.s32 $0x1, s28;
	s0 =	sadd.s32 @!p0 $0x600, s0;
	s2 =	simm.s32 @!p0 $0x7000  }
0x25c: {  	[tilespmem:s2], [sflag:$0x2] =	stream.linear.gather @!p0 [hbm4b:s0+s9], $0xD00, $0x38;
	[tilespmem:$0x1D400] =	vst v63  }
0x25d: {  	p0 =	sne.s32 s28, $0x20  }
.Ltmp5:
0x25e: {  	_ = 	snop;
	(pc) =	sbr.rel @p0 .LBB2_2-.Ltmp5, $4  }
0x25f: {  	_ = 	snop  }
0x260: {  	_ =	swait.ge [sflag:s24], $0x15200  }
0x261: {  	[sflag:s24] =	ssyncset.done $0x0  }
0x262: {  	s26 =	sadd.s32 $0x1, s26;
	[sflag:s24] =	ssyncadd.s32 $0xFFFEAE00  }
0x263: {  	s25 =	sadd.s32 $0x1, s25;
	s0 =	rddreg [dreg:$0x3]  }
0x264: {  	p0 =	sne.s32 s25, s0  }
.Ltmp6:
0x265: {  	_ = 	snop;
	(pc) =	sbr.rel @p0 .LBB2_1-.Ltmp6, $1  }
0x266: {  	_ =	sdelay $0x3  }
0x267: {  	_ =	sfence.sel $0x180000  }
0x268: {  	[bflag:$0x0] =	sbarrier.arrive $0xFFFF  }
0x269: {  	_ =	strace $0x90000047  }
0x26a: {  	s0 =	stileid.u32;
	[bflag:$0x2] =	sbarrier.arrive $0xFFFF  }
0x26b: {  	p0 =	sne.s32 s0, $0x0;
	s0 =	rddreg [dreg:$0x2]  }
0x26c: {  	s0 =	sadd.s32 @!p0 $0x100000, s0  }
0x26d: {  	[sflag:s0] =	ssyncadd.tile.s32 @!p0 $0x1;
	_ =	shalt  }
.Lfunc_end2:
_tile_overlayer_lowered:
.L_overlay_start_2:
0x26e: {  	(tag) =	ssettag $0x2  }
0x26f: {  	s0 =	rddreg [dreg:$0x0];
	s2 =	stileid.u32  }
0x270: {  	s1 =	rddreg [dreg:$0x1];
	p0 =	sne.s32 s2, $0x0  }
0x271: {  	s3 =	rddreg [dreg:$0x2];
	[bflag:$0x3] =	sbarrier.arrive $0xFFFF;
	s2 =	simm.s32 @!p0 $0x1C03  }
0x272: {  	[timem:s3], [sflag:s2] =	dma.local @!p0 [hbm:s0], s1  }
0x273: {  	s0 =	simm.s32 @!p0 $0x3  }
0x274: {  	_ =	swait.ge @!p0 [sflag:s0], s1  }
0x275: {  	s1 =	ssub.s32 @!p0 $0x0, s1;
	[sflag:s0] =	ssyncset.done @!p0 $0x0  }
0x276: {  	[sflag:s0] =	ssyncadd.s32 @!p0 s1  }
0x277: {  	[bflag:$0x3] =	sbarrier.arrive $0xFFFF  }
0x278: {  	_ =	shalt  }

</sc_bundles>
